<compile_context>
chip_gen: v7x
topology: tpu7x:2x2x1
jax: 0.10.2.dev20260603
libtpu: 0.0.44.dev20260713+nightly
codegen_flags: <defaults>
</compile_context>

<pallas_src>
import functools

import jax
import jax.numpy as jnp
from jax import lax
from jax.experimental import pallas as pl
from jax.experimental.pallas import tpu as pltpu
from jax.experimental.pallas import tpu_sc as plsc

CH = 128
NBUF = 7
K = 5


@functools.cache
def _build_gather(B: int, D: int):
    info = plsc.get_sparse_core_info()
    NC, NS = info.num_cores, info.num_subcores
    NW = NC * NS
    assert B % NW == 0, (B, NW)
    bpw = B // NW
    assert bpw % CH == 0, (bpw, CH)
    nch = bpw // CH
    head = NBUF
    tail = next(t for t in range(K, K + NBUF) if (nch - head - t) % NBUF == 0)
    assert nch >= head + tail

    mesh = plsc.VectorSubcoreMesh(core_axis_name="c", subcore_axis_name="s")

    def body(idx_hbm, tab_hbm, out_hbm, idx_v, bufs, gsems, ssems):
        wid = lax.axis_index("s") * NC + lax.axis_index("c")
        base = wid * bpw
        pltpu.sync_copy(idx_hbm.at[pl.ds(base, bpw)], idx_v)

        def g_desc(j, b):
            return pltpu.make_async_copy(
                tab_hbm.at[idx_v.at[pl.ds(j * CH, CH)]], bufs.at[b], gsems.at[b]
            )

        def s_desc(j, b):
            return pltpu.make_async_copy(
                bufs.at[b], out_hbm.at[pl.ds(base + j * CH, CH)], ssems.at[b]
            )

        def step(j, t, store_wait, next_gather):
            g_desc(j, t).wait()
            s_desc(j, t).start()
            if next_gather:
                b2 = (t + K) % NBUF
                if store_wait:
                    s_desc(j + K - NBUF, b2).wait()
                g_desc(j + K, b2).start()

        for j in range(K):
            g_desc(j, j % NBUF).start()
        for j in range(head):
            step(j, j % NBUF, j >= NBUF - K, j + K < nch)

        @pl.loop(head, nch - tail, step=NBUF)
        def _(j0):
            for t in range(NBUF):
                step(j0 + t, t, True, True)

        for j in range(nch - tail, nch):
            step(j, j % NBUF, j >= NBUF - K, j + K < nch)
        for j in range(nch - NBUF, nch):
            s_desc(j, j % NBUF).wait()

    return pl.kernel(
        body,
        out_type=jax.ShapeDtypeStruct((B, D), jnp.float32),
        mesh=mesh,
        scratch_types=[
            pltpu.VMEM((bpw,), jnp.int32),
            pltpu.VMEM((NBUF, CH, D), jnp.float32),
            pltpu.SemaphoreType.DMA((NBUF,)),
            pltpu.SemaphoreType.DMA((NBUF,)),
        ],
    )


def kernel(x, table):
    NI, JW = x.shape
    B = NI * JW
    idx = x.T.astype(jnp.int32).reshape(B)
    out2d = _build_gather(B, table.shape[1])(idx, table)
    return out2d.reshape(JW, NI, table.shape[1]).transpose(1, 0, 2)

# --- scband reference (transcript-rebuilt; emitter-appended) ---
"""Pipeline reference for scband-token-embedding-21784074125914 (READ-ONLY COPY).

The authoritative reference and input builder live on the scoring server;
editing this copy changes nothing except your own understanding.
"""

import jax, jax.numpy as jnp
import numpy as np

VOCAB = 100000
D_MODEL = 128
PADDING_IDX = 0

def setup_inputs(seed: int = 0) -> dict:
    key = jax.random.key(seed)
    k_idx, k_tab = jax.random.split(key)
    x = jax.random.randint(k_idx, (4096, 50), 0, VOCAB, dtype=jnp.int64)
    table = jax.random.normal(k_tab, (VOCAB, D_MODEL), dtype=jnp.float32)
    # nn.Embedding zeros the padding_idx row at init
    table = table.at[PADDING_IDX].set(0.0)
    return {"x": x, "table": table}

def reference(x, table):
    # Faithful to nn.Embedding forward: plain gather along rows.
    return jnp.take(table, x, axis=0)

if __name__ == "__main__":
    import jax
    _d = setup_inputs()
    print(jax.jit(kernel)(*tuple(_d.values())))

</pallas_src>

<mosaic_0001>
#map = affine_map<(d0, d1) -> (0)>
#map1 = affine_map<(d0, d1) -> (0, 0)>
module attributes {stable_mosaic.version = 14 : i64} {
  func.func @body(%arg0: i32, %arg1: i32, %arg2: memref<204800xi32, #tpu.memory_space<hbm>>, %arg3: memref<100000x128xf32, #tpu.memory_space<hbm>>, %arg4: memref<204800x128xf32, #tpu.memory_space<hbm>>, %arg5: memref<6400xi32, #tpu.memory_space<vmem>>, %arg6: memref<7x128x128xf32, #tpu.memory_space<vmem>>, %arg7: memref<7x!tpu.dma_semaphore, #tpu.memory_space<semaphore_mem>>, %arg8: memref<7x!tpu.dma_semaphore, #tpu.memory_space<semaphore_mem>>) attributes {dimension_semantics = [#tpu.dimension_semantics<core_parallel>, #tpu.dimension_semantics<subcore_parallel>], iteration_bounds = array<i64: 2, 16>, scalar_prefetch = 0 : i64, scratch_operands = 4 : i64, tpu.core_type = #tpu.core_type<sc_vector_subcore>, window_params = [{transform_indices = #map}, {transform_indices = #map1}, {transform_indices = #map1}]} {
    %mul3A = arith.constant 2 : i32
    %mul3A_0 = arith.muli %arg1, %mul3A : i32
    %add3A = arith.addi %mul3A_0, %arg0 : i32
    %mul3A_1 = arith.constant 6400 : i32
    %mul3A_2 = arith.muli %add3A, %mul3A_1 : i32
    "tpu.region"() ({
      %run_scoped3A = tpu.sem_alloc : memref<!tpu.dma_semaphore, #tpu.memory_space<semaphore_mem>>
      %dma_start3A_935 = tpu.memref_slice %arg2[%mul3A_2] : memref<204800xi32, #tpu.memory_space<hbm>> -> memref<6400xi32, #tpu.memory_space<hbm>>
      %dma_start3A_936 = tpu.memref_slice %arg2[%mul3A_2] : memref<204800xi32, #tpu.memory_space<hbm>> -> memref<6400xi32, #tpu.memory_space<hbm>>
      tpu.enqueue_dma source(%dma_start3A_936 : memref<6400xi32, #tpu.memory_space<hbm>>) target(%arg5 : memref<6400xi32, #tpu.memory_space<vmem>>) target_semaphore(%run_scoped3A : memref<!tpu.dma_semaphore, #tpu.memory_space<semaphore_mem>>)
      %dma_wait3A_937 = tpu.memref_slice %arg2[%mul3A_2] : memref<204800xi32, #tpu.memory_space<hbm>> -> memref<6400xi32, #tpu.memory_space<hbm>>
      %dma_wait3A_938 = tpu.memref_slice %arg2[%mul3A_2] : memref<204800xi32, #tpu.memory_space<hbm>> -> memref<6400xi32, #tpu.memory_space<hbm>>
      tpu.wait_dma2 semaphore(%run_scoped3A : memref<!tpu.dma_semaphore, #tpu.memory_space<semaphore_mem>>) src(%dma_wait3A_938 : memref<6400xi32, #tpu.memory_space<hbm>>) dst(%arg5 : memref<6400xi32, #tpu.memory_space<vmem>>)
      tpu.yield
    }) : () -> ()
    %dma_start3A = arith.constant 0 : i32
    %dma_start3A_3 = arith.constant 0 : i32
    %dma_start3A_4 = arith.constant 0 : i32
    %dma_start3A_5 = arith.constant 0 : i32
    %dma_start3A_6 = tpu.memref_slice %arg6[%dma_start3A, %dma_start3A_4, %dma_start3A_5] : memref<7x128x128xf32, #tpu.memory_space<vmem>> -> memref<1x128x128xf32, #tpu.memory_space<vmem>>
    %dma_start3A_7 = tpu.memref_squeeze %dma_start3A_6 : memref<1x128x128xf32, #tpu.memory_space<vmem>> -> memref<128x128xf32, #tpu.memory_space<vmem>>
    %dma_start3A_8 = arith.constant 0 : i32
    %dma_start3A_9 = tpu.memref_slice %arg5[%dma_start3A_8] : memref<6400xi32, #tpu.memory_space<vmem>> -> memref<128xi32, #tpu.memory_space<vmem>>
    %dma_start3A_10 = arith.constant 0 : i32
    %dma_start3A_11 = arith.constant 0 : i32
    %dma_start3A_12 = tpu.memref_slice %arg3[%dma_start3A_10, %dma_start3A_11] : memref<100000x128xf32, #tpu.memory_space<hbm>> -> memref<100000x128xf32, #tpu.memory_space<hbm>>
    %dma_start3A_13 = tpu.memref_slice %arg7[%dma_start3A_3] : memref<7x!tpu.dma_semaphore, #tpu.memory_space<semaphore_mem>> -> memref<1x!tpu.dma_semaphore, #tpu.memory_space<semaphore_mem>>
    %dma_start3A_14 = tpu.memref_squeeze %dma_start3A_13 : memref<1x!tpu.dma_semaphore, #tpu.memory_space<semaphore_mem>> -> memref<!tpu.dma_semaphore, #tpu.memory_space<semaphore_mem>>
    tpu.enqueue_indirect_dma source(%dma_start3A_12 : memref<100000x128xf32, #tpu.memory_space<hbm>>) target(%dma_start3A_7 : memref<128x128xf32, #tpu.memory_space<vmem>>) offsets(%dma_start3A_9 : memref<128xi32, #tpu.memory_space<vmem>>) semaphore(%dma_start3A_14 : memref<!tpu.dma_semaphore, #tpu.memory_space<semaphore_mem>>)
    %dma_start3A_15 = arith.constant 1 : i32
    %dma_start3A_16 = arith.constant 1 : i32
    %dma_start3A_17 = arith.constant 0 : i32
    %dma_start3A_18 = arith.constant 0 : i32
    %dma_start3A_19 = tpu.memref_slice %arg6[%dma_start3A_15, %dma_start3A_17, %dma_start3A_18] : memref<7x128x128xf32, #tpu.memory_space<vmem>> -> memref<1x128x128xf32, #tpu.memory_space<vmem>>
    %dma_start3A_20 = tpu.memref_squeeze %dma_start3A_19 : memref<1x128x128xf32, #tpu.memory_space<vmem>> -> memref<128x128xf32, #tpu.memory_space<vmem>>
    %dma_start3A_21 = arith.constant 128 : i32
    %dma_start3A_22 = tpu.memref_slice %arg5[%dma_start3A_21] : memref<6400xi32, #tpu.memory_space<vmem>> -> memref<128xi32, #tpu.memory_space<vmem>>
    %dma_start3A_23 = arith.constant 0 : i32
    %dma_start3A_24 = arith.constant 0 : i32
    %dma_start3A_25 = tpu.memref_slice %arg3[%dma_start3A_23, %dma_start3A_24] : memref<100000x128xf32, #tpu.memory_space<hbm>> -> memref<100000x128xf32, #tpu.memory_space<hbm>>
    %dma_start3A_26 = tpu.memref_slice %arg7[%dma_start3A_16] : memref<7x!tpu.dma_semaphore, #tpu.memory_space<semaphore_mem>> -> memref<1x!tpu.dma_semaphore, #tpu.memory_space<semaphore_mem>>
    %dma_start3A_27 = tpu.memref_squeeze %dma_start3A_26 : memref<1x!tpu.dma_semaphore, #tpu.memory_space<semaphore_mem>> -> memref<!tpu.dma_semaphore, #tpu.memory_space<semaphore_mem>>
    tpu.enqueue_indirect_dma source(%dma_start3A_25 : memref<100000x128xf32, #tpu.memory_space<hbm>>) target(%dma_start3A_20 : memref<128x128xf32, #tpu.memory_space<vmem>>) offsets(%dma_start3A_22 : memref<128xi32, #tpu.memory_space<vmem>>) semaphore(%dma_start3A_27 : memref<!tpu.dma_semaphore, #tpu.memory_space<semaphore_mem>>)
    %dma_start3A_28 = arith.constant 2 : i32
    %dma_start3A_29 = arith.constant 2 : i32
    %dma_start3A_30 = arith.constant 0 : i32
    %dma_start3A_31 = arith.constant 0 : i32
    %dma_start3A_32 = tpu.memref_slice %arg6[%dma_start3A_28, %dma_start3A_30, %dma_start3A_31] : memref<7x128x128xf32, #tpu.memory_space<vmem>> -> memref<1x128x128xf32, #tpu.memory_space<vmem>>
    %dma_start3A_33 = tpu.memref_squeeze %dma_start3A_32 : memref<1x128x128xf32, #tpu.memory_space<vmem>> -> memref<128x128xf32, #tpu.memory_space<vmem>>
    %dma_start3A_34 = arith.constant 256 : i32
    %dma_start3A_35 = tpu.memref_slice %arg5[%dma_start3A_34] : memref<6400xi32, #tpu.memory_space<vmem>> -> memref<128xi32, #tpu.memory_space<vmem>>
    %dma_start3A_36 = arith.constant 0 : i32
    %dma_start3A_37 = arith.constant 0 : i32
    %dma_start3A_38 = tpu.memref_slice %arg3[%dma_start3A_36, %dma_start3A_37] : memref<100000x128xf32, #tpu.memory_space<hbm>> -> memref<100000x128xf32, #tpu.memory_space<hbm>>
    %dma_start3A_39 = tpu.memref_slice %arg7[%dma_start3A_29] : memref<7x!tpu.dma_semaphore, #tpu.memory_space<semaphore_mem>> -> memref<1x!tpu.dma_semaphore, #tpu.memory_space<semaphore_mem>>
    %dma_start3A_40 = tpu.memref_squeeze %dma_start3A_39 : memref<1x!tpu.dma_semaphore, #tpu.memory_space<semaphore_mem>> -> memref<!tpu.dma_semaphore, #tpu.memory_space<semaphore_mem>>
    tpu.enqueue_indirect_dma source(%dma_start3A_38 : memref<100000x128xf32, #tpu.memory_space<hbm>>) target(%dma_start3A_33 : memref<128x128xf32, #tpu.memory_space<vmem>>) offsets(%dma_start3A_35 : memref<128xi32, #tpu.memory_space<vmem>>) semaphore(%dma_start3A_40 : memref<!tpu.dma_semaphore, #tpu.memory_space<semaphore_mem>>)
    %dma_start3A_41 = arith.constant 3 : i32
    %dma_start3A_42 = arith.constant 3 : i32
    %dma_start3A_43 = arith.constant 0 : i32
    %dma_start3A_44 = arith.constant 0 : i32
    %dma_start3A_45 = tpu.memref_slice %arg6[%dma_start3A_41, %dma_start3A_43, %dma_start3A_44] : memref<7x128x128xf32, #tpu.memory_space<vmem>> -> memref<1x128x128xf32, #tpu.memory_space<vmem>>
    %dma_start3A_46 = tpu.memref_squeeze %dma_start3A_45 : memref<1x128x128xf32, #tpu.memory_space<vmem>> -> memref<128x128xf32, #tpu.memory_space<vmem>>
    %dma_start3A_47 = arith.constant 384 : i32
    %dma_start3A_48 = tpu.memref_slice %arg5[%dma_start3A_47] : memref<6400xi32, #tpu.memory_space<vmem>> -> memref<128xi32, #tpu.memory_space<vmem>>
    %dma_start3A_49 = arith.constant 0 : i32
    %dma_start3A_50 = arith.constant 0 : i32
    %dma_start3A_51 = tpu.memref_slice %arg3[%dma_start3A_49, %dma_start3A_50] : memref<100000x128xf32, #tpu.memory_space<hbm>> -> memref<100000x128xf32, #tpu.memory_space<hbm>>
    %dma_start3A_52 = tpu.memref_slice %arg7[%dma_start3A_42] : memref<7x!tpu.dma_semaphore, #tpu.memory_space<semaphore_mem>> -> memref<1x!tpu.dma_semaphore, #tpu.memory_space<semaphore_mem>>
    %dma_start3A_53 = tpu.memref_squeeze %dma_start3A_52 : memref<1x!tpu.dma_semaphore, #tpu.memory_space<semaphore_mem>> -> memref<!tpu.dma_semaphore, #tpu.memory_space<semaphore_mem>>
    tpu.enqueue_indirect_dma source(%dma_start3A_51 : memref<100000x128xf32, #tpu.memory_space<hbm>>) target(%dma_start3A_46 : memref<128x128xf32, #tpu.memory_space<vmem>>) offsets(%dma_start3A_48 : memref<128xi32, #tpu.memory_space<vmem>>) semaphore(%dma_start3A_53 : memref<!tpu.dma_semaphore, #tpu.memory_space<semaphore_mem>>)
    %dma_start3A_54 = arith.constant 4 : i32
    %dma_start3A_55 = arith.constant 4 : i32
    %dma_start3A_56 = arith.constant 0 : i32
    %dma_start3A_57 = arith.constant 0 : i32
    %dma_start3A_58 = tpu.memref_slice %arg6[%dma_start3A_54, %dma_start3A_56, %dma_start3A_57] : memref<7x128x128xf32, #tpu.memory_space<vmem>> -> memref<1x128x128xf32, #tpu.memory_space<vmem>>
    %dma_start3A_59 = tpu.memref_squeeze %dma_start3A_58 : memref<1x128x128xf32, #tpu.memory_space<vmem>> -> memref<128x128xf32, #tpu.memory_space<vmem>>
    %dma_start3A_60 = arith.constant 512 : i32
    %dma_start3A_61 = tpu.memref_slice %arg5[%dma_start3A_60] : memref<6400xi32, #tpu.memory_space<vmem>> -> memref<128xi32, #tpu.memory_space<vmem>>
    %dma_start3A_62 = arith.constant 0 : i32
    %dma_start3A_63 = arith.constant 0 : i32
    %dma_start3A_64 = tpu.memref_slice %arg3[%dma_start3A_62, %dma_start3A_63] : memref<100000x128xf32, #tpu.memory_space<hbm>> -> memref<100000x128xf32, #tpu.memory_space<hbm>>
    %dma_start3A_65 = tpu.memref_slice %arg7[%dma_start3A_55] : memref<7x!tpu.dma_semaphore, #tpu.memory_space<semaphore_mem>> -> memref<1x!tpu.dma_semaphore, #tpu.memory_space<semaphore_mem>>
    %dma_start3A_66 = tpu.memref_squeeze %dma_start3A_65 : memref<1x!tpu.dma_semaphore, #tpu.memory_space<semaphore_mem>> -> memref<!tpu.dma_semaphore, #tpu.memory_space<semaphore_mem>>
    tpu.enqueue_indirect_dma source(%dma_start3A_64 : memref<100000x128xf32, #tpu.memory_space<hbm>>) target(%dma_start3A_59 : memref<128x128xf32, #tpu.memory_space<vmem>>) offsets(%dma_start3A_61 : memref<128xi32, #tpu.memory_space<vmem>>) semaphore(%dma_start3A_66 : memref<!tpu.dma_semaphore, #tpu.memory_space<semaphore_mem>>)
    %dma_wait3A = arith.constant 0 : i32
    %dma_wait3A_67 = arith.constant 0 : i32
    %dma_wait3A_68 = arith.constant 0 : i32
    %dma_wait3A_69 = arith.constant 0 : i32
    %dma_wait3A_70 = tpu.memref_slice %arg6[%dma_wait3A, %dma_wait3A_68, %dma_wait3A_69] : memref<7x128x128xf32, #tpu.memory_space<vmem>> -> memref<1x128x128xf32, #tpu.memory_space<vmem>>
    %dma_wait3A_71 = tpu.memref_squeeze %dma_wait3A_70 : memref<1x128x128xf32, #tpu.memory_space<vmem>> -> memref<128x128xf32, #tpu.memory_space<vmem>>
    %dma_wait3A_72 = arith.constant 0 : i32
    %dma_wait3A_73 = tpu.memref_slice %arg5[%dma_wait3A_72] : memref<6400xi32, #tpu.memory_space<vmem>> -> memref<128xi32, #tpu.memory_space<vmem>>
    %dma_wait3A_74 = arith.constant 0 : i32
    %dma_wait3A_75 = arith.constant 0 : i32
    %dma_wait3A_76 = tpu.memref_slice %arg3[%dma_wait3A_74, %dma_wait3A_75] : memref<100000x128xf32, #tpu.memory_space<hbm>> -> memref<100000x128xf32, #tpu.memory_space<hbm>>
    %dma_wait3A_77 = tpu.memref_slice %arg7[%dma_wait3A_67] : memref<7x!tpu.dma_semaphore, #tpu.memory_space<semaphore_mem>> -> memref<1x!tpu.dma_semaphore, #tpu.memory_space<semaphore_mem>>
    %dma_wait3A_78 = tpu.memref_squeeze %dma_wait3A_77 : memref<1x!tpu.dma_semaphore, #tpu.memory_space<semaphore_mem>> -> memref<!tpu.dma_semaphore, #tpu.memory_space<semaphore_mem>>
    tpu.wait_indirect_dma semaphore(%dma_wait3A_78 : memref<!tpu.dma_semaphore, #tpu.memory_space<semaphore_mem>>) src(%dma_wait3A_76 : memref<100000x128xf32, #tpu.memory_space<hbm>>) dst(%dma_wait3A_71 : memref<128x128xf32, #tpu.memory_space<vmem>>)
    %add3A_79 = arith.constant 0 : i32
    %add3A_80 = arith.addi %mul3A_2, %add3A_79 : i32
    %dma_start3A_81 = arith.constant 0 : i32
    %dma_start3A_82 = arith.constant 0 : i32
    %dma_start3A_83 = arith.constant 0 : i32
    %dma_start3A_84 = arith.constant 0 : i32
    %dma_start3A_85 = tpu.memref_slice %arg6[%dma_start3A_81, %dma_start3A_83, %dma_start3A_84] : memref<7x128x128xf32, #tpu.memory_space<vmem>> -> memref<1x128x128xf32, #tpu.memory_space<vmem>>
    %dma_start3A_86 = tpu.memref_squeeze %dma_start3A_85 : memref<1x128x128xf32, #tpu.memory_space<vmem>> -> memref<128x128xf32, #tpu.memory_space<vmem>>
    %dma_start3A_87 = arith.constant 0 : i32
    %dma_start3A_88 = tpu.memref_slice %arg4[%add3A_80, %dma_start3A_87] : memref<204800x128xf32, #tpu.memory_space<hbm>> -> memref<128x128xf32, #tpu.memory_space<hbm>>
    %dma_start3A_89 = tpu.memref_slice %arg8[%dma_start3A_82] : memref<7x!tpu.dma_semaphore, #tpu.memory_space<semaphore_mem>> -> memref<1x!tpu.dma_semaphore, #tpu.memory_space<semaphore_mem>>
    %dma_start3A_90 = tpu.memref_squeeze %dma_start3A_89 : memref<1x!tpu.dma_semaphore, #tpu.memory_space<semaphore_mem>> -> memref<!tpu.dma_semaphore, #tpu.memory_space<semaphore_mem>>
    %dma_start3A_91 = arith.constant 0 : i32
    %dma_start3A_92 = tpu.memref_slice %arg4[%add3A_80, %dma_start3A_91] : memref<204800x128xf32, #tpu.memory_space<hbm>> -> memref<128x128xf32, #tpu.memory_space<hbm>>
    %dma_start3A_93 = arith.constant 0 : i32
    %dma_start3A_94 = arith.constant 0 : i32
    %dma_start3A_95 = tpu.memref_slice %arg6[%dma_start3A_81, %dma_start3A_93, %dma_start3A_94] : memref<7x128x128xf32, #tpu.memory_space<vmem>> -> memref<1x128x128xf32, #tpu.memory_space<vmem>>
    %dma_start3A_96 = tpu.memref_squeeze %dma_start3A_95 : memref<1x128x128xf32, #tpu.memory_space<vmem>> -> memref<128x128xf32, #tpu.memory_space<vmem>>
    tpu.enqueue_dma source(%dma_start3A_96 : memref<128x128xf32, #tpu.memory_space<vmem>>) target(%dma_start3A_92 : memref<128x128xf32, #tpu.memory_space<hbm>>) target_semaphore(%dma_start3A_90 : memref<!tpu.dma_semaphore, #tpu.memory_space<semaphore_mem>>)
    %dma_start3A_97 = arith.constant 5 : i32
    %dma_start3A_98 = arith.constant 5 : i32
    %dma_start3A_99 = arith.constant 0 : i32
    %dma_start3A_100 = arith.constant 0 : i32
    %dma_start3A_101 = tpu.memref_slice %arg6[%dma_start3A_97, %dma_start3A_99, %dma_start3A_100] : memref<7x128x128xf32, #tpu.memory_space<vmem>> -> memref<1x128x128xf32, #tpu.memory_space<vmem>>
    %dma_start3A_102 = tpu.memref_squeeze %dma_start3A_101 : memref<1x128x128xf32, #tpu.memory_space<vmem>> -> memref<128x128xf32, #tpu.memory_space<vmem>>
    %dma_start3A_103 = arith.constant 640 : i32
    %dma_start3A_104 = tpu.memref_slice %arg5[%dma_start3A_103] : memref<6400xi32, #tpu.memory_space<vmem>> -> memref<128xi32, #tpu.memory_space<vmem>>
    %dma_start3A_105 = arith.constant 0 : i32
    %dma_start3A_106 = arith.constant 0 : i32
    %dma_start3A_107 = tpu.memref_slice %arg3[%dma_start3A_105, %dma_start3A_106] : memref<100000x128xf32, #tpu.memory_space<hbm>> -> memref<100000x128xf32, #tpu.memory_space<hbm>>
    %dma_start3A_108 = tpu.memref_slice %arg7[%dma_start3A_98] : memref<7x!tpu.dma_semaphore, #tpu.memory_space<semaphore_mem>> -> memref<1x!tpu.dma_semaphore, #tpu.memory_space<semaphore_mem>>
    %dma_start3A_109 = tpu.memref_squeeze %dma_start3A_108 : memref<1x!tpu.dma_semaphore, #tpu.memory_space<semaphore_mem>> -> memref<!tpu.dma_semaphore, #tpu.memory_space<semaphore_mem>>
    tpu.enqueue_indirect_dma source(%dma_start3A_107 : memref<100000x128xf32, #tpu.memory_space<hbm>>) target(%dma_start3A_102 : memref<128x128xf32, #tpu.memory_space<vmem>>) offsets(%dma_start3A_104 : memref<128xi32, #tpu.memory_space<vmem>>) semaphore(%dma_start3A_109 : memref<!tpu.dma_semaphore, #tpu.memory_space<semaphore_mem>>)
    %dma_wait3A_110 = arith.constant 1 : i32
    %dma_wait3A_111 = arith.constant 1 : i32
    %dma_wait3A_112 = arith.constant 0 : i32
    %dma_wait3A_113 = arith.constant 0 : i32
    %dma_wait3A_114 = tpu.memref_slice %arg6[%dma_wait3A_110, %dma_wait3A_112, %dma_wait3A_113] : memref<7x128x128xf32, #tpu.memory_space<vmem>> -> memref<1x128x128xf32, #tpu.memory_space<vmem>>
    %dma_wait3A_115 = tpu.memref_squeeze %dma_wait3A_114 : memref<1x128x128xf32, #tpu.memory_space<vmem>> -> memref<128x128xf32, #tpu.memory_space<vmem>>
    %dma_wait3A_116 = arith.constant 128 : i32
    %dma_wait3A_117 = tpu.memref_slice %arg5[%dma_wait3A_116] : memref<6400xi32, #tpu.memory_space<vmem>> -> memref<128xi32, #tpu.memory_space<vmem>>
    %dma_wait3A_118 = arith.constant 0 : i32
    %dma_wait3A_119 = arith.constant 0 : i32
    %dma_wait3A_120 = tpu.memref_slice %arg3[%dma_wait3A_118, %dma_wait3A_119] : memref<100000x128xf32, #tpu.memory_space<hbm>> -> memref<100000x128xf32, #tpu.memory_space<hbm>>
    %dma_wait3A_121 = tpu.memref_slice %arg7[%dma_wait3A_111] : memref<7x!tpu.dma_semaphore, #tpu.memory_space<semaphore_mem>> -> memref<1x!tpu.dma_semaphore, #tpu.memory_space<semaphore_mem>>
    %dma_wait3A_122 = tpu.memref_squeeze %dma_wait3A_121 : memref<1x!tpu.dma_semaphore, #tpu.memory_space<semaphore_mem>> -> memref<!tpu.dma_semaphore, #tpu.memory_space<semaphore_mem>>
    tpu.wait_indirect_dma semaphore(%dma_wait3A_122 : memref<!tpu.dma_semaphore, #tpu.memory_space<semaphore_mem>>) src(%dma_wait3A_120 : memref<100000x128xf32, #tpu.memory_space<hbm>>) dst(%dma_wait3A_115 : memref<128x128xf32, #tpu.memory_space<vmem>>)
    %add3A_123 = arith.constant 128 : i32
    %add3A_124 = arith.addi %mul3A_2, %add3A_123 : i32
    %dma_start3A_125 = arith.constant 1 : i32
    %dma_start3A_126 = arith.constant 1 : i32
    %dma_start3A_127 = arith.constant 0 : i32
    %dma_start3A_128 = arith.constant 0 : i32
    %dma_start3A_129 = tpu.memref_slice %arg6[%dma_start3A_125, %dma_start3A_127, %dma_start3A_128] : memref<7x128x128xf32, #tpu.memory_space<vmem>> -> memref<1x128x128xf32, #tpu.memory_space<vmem>>
    %dma_start3A_130 = tpu.memref_squeeze %dma_start3A_129 : memref<1x128x128xf32, #tpu.memory_space<vmem>> -> memref<128x128xf32, #tpu.memory_space<vmem>>
    %dma_start3A_131 = arith.constant 0 : i32
    %dma_start3A_132 = tpu.memref_slice %arg4[%add3A_124, %dma_start3A_131] : memref<204800x128xf32, #tpu.memory_space<hbm>> -> memref<128x128xf32, #tpu.memory_space<hbm>>
    %dma_start3A_133 = tpu.memref_slice %arg8[%dma_start3A_126] : memref<7x!tpu.dma_semaphore, #tpu.memory_space<semaphore_mem>> -> memref<1x!tpu.dma_semaphore, #tpu.memory_space<semaphore_mem>>
    %dma_start3A_134 = tpu.memref_squeeze %dma_start3A_133 : memref<1x!tpu.dma_semaphore, #tpu.memory_space<semaphore_mem>> -> memref<!tpu.dma_semaphore, #tpu.memory_space<semaphore_mem>>
    %dma_start3A_135 = arith.constant 0 : i32
    %dma_start3A_136 = tpu.memref_slice %arg4[%add3A_124, %dma_start3A_135] : memref<204800x128xf32, #tpu.memory_space<hbm>> -> memref<128x128xf32, #tpu.memory_space<hbm>>
    %dma_start3A_137 = arith.constant 0 : i32
    %dma_start3A_138 = arith.constant 0 : i32
    %dma_start3A_139 = tpu.memref_slice %arg6[%dma_start3A_125, %dma_start3A_137, %dma_start3A_138] : memref<7x128x128xf32, #tpu.memory_space<vmem>> -> memref<1x128x128xf32, #tpu.memory_space<vmem>>
    %dma_start3A_140 = tpu.memref_squeeze %dma_start3A_139 : memref<1x128x128xf32, #tpu.memory_space<vmem>> -> memref<128x128xf32, #tpu.memory_space<vmem>>
    tpu.enqueue_dma source(%dma_start3A_140 : memref<128x128xf32, #tpu.memory_space<vmem>>) target(%dma_start3A_136 : memref<128x128xf32, #tpu.memory_space<hbm>>) target_semaphore(%dma_start3A_134 : memref<!tpu.dma_semaphore, #tpu.memory_space<semaphore_mem>>)
    %dma_start3A_141 = arith.constant 6 : i32
    %dma_start3A_142 = arith.constant 6 : i32
    %dma_start3A_143 = arith.constant 0 : i32
    %dma_start3A_144 = arith.constant 0 : i32
    %dma_start3A_145 = tpu.memref_slice %arg6[%dma_start3A_141, %dma_start3A_143, %dma_start3A_144] : memref<7x128x128xf32, #tpu.memory_space<vmem>> -> memref<1x128x128xf32, #tpu.memory_space<vmem>>
    %dma_start3A_146 = tpu.memref_squeeze %dma_start3A_145 : memref<1x128x128xf32, #tpu.memory_space<vmem>> -> memref<128x128xf32, #tpu.memory_space<vmem>>
    %dma_start3A_147 = arith.constant 768 : i32
    %dma_start3A_148 = tpu.memref_slice %arg5[%dma_start3A_147] : memref<6400xi32, #tpu.memory_space<vmem>> -> memref<128xi32, #tpu.memory_space<vmem>>
    %dma_start3A_149 = arith.constant 0 : i32
    %dma_start3A_150 = arith.constant 0 : i32
    %dma_start3A_151 = tpu.memref_slice %arg3[%dma_start3A_149, %dma_start3A_150] : memref<100000x128xf32, #tpu.memory_space<hbm>> -> memref<100000x128xf32, #tpu.memory_space<hbm>>
    %dma_start3A_152 = tpu.memref_slice %arg7[%dma_start3A_142] : memref<7x!tpu.dma_semaphore, #tpu.memory_space<semaphore_mem>> -> memref<1x!tpu.dma_semaphore, #tpu.memory_space<semaphore_mem>>
    %dma_start3A_153 = tpu.memref_squeeze %dma_start3A_152 : memref<1x!tpu.dma_semaphore, #tpu.memory_space<semaphore_mem>> -> memref<!tpu.dma_semaphore, #tpu.memory_space<semaphore_mem>>
    tpu.enqueue_indirect_dma source(%dma_start3A_151 : memref<100000x128xf32, #tpu.memory_space<hbm>>) target(%dma_start3A_146 : memref<128x128xf32, #tpu.memory_space<vmem>>) offsets(%dma_start3A_148 : memref<128xi32, #tpu.memory_space<vmem>>) semaphore(%dma_start3A_153 : memref<!tpu.dma_semaphore, #tpu.memory_space<semaphore_mem>>)
    %dma_wait3A_154 = arith.constant 2 : i32
    %dma_wait3A_155 = arith.constant 2 : i32
    %dma_wait3A_156 = arith.constant 0 : i32
    %dma_wait3A_157 = arith.constant 0 : i32
    %dma_wait3A_158 = tpu.memref_slice %arg6[%dma_wait3A_154, %dma_wait3A_156, %dma_wait3A_157] : memref<7x128x128xf32, #tpu.memory_space<vmem>> -> memref<1x128x128xf32, #tpu.memory_space<vmem>>
    %dma_wait3A_159 = tpu.memref_squeeze %dma_wait3A_158 : memref<1x128x128xf32, #tpu.memory_space<vmem>> -> memref<128x128xf32, #tpu.memory_space<vmem>>
    %dma_wait3A_160 = arith.constant 256 : i32
    %dma_wait3A_161 = tpu.memref_slice %arg5[%dma_wait3A_160] : memref<6400xi32, #tpu.memory_space<vmem>> -> memref<128xi32, #tpu.memory_space<vmem>>
    %dma_wait3A_162 = arith.constant 0 : i32
    %dma_wait3A_163 = arith.constant 0 : i32
    %dma_wait3A_164 = tpu.memref_slice %arg3[%dma_wait3A_162, %dma_wait3A_163] : memref<100000x128xf32, #tpu.memory_space<hbm>> -> memref<100000x128xf32, #tpu.memory_space<hbm>>
    %dma_wait3A_165 = tpu.memref_slice %arg7[%dma_wait3A_155] : memref<7x!tpu.dma_semaphore, #tpu.memory_space<semaphore_mem>> -> memref<1x!tpu.dma_semaphore, #tpu.memory_space<semaphore_mem>>
    %dma_wait3A_166 = tpu.memref_squeeze %dma_wait3A_165 : memref<1x!tpu.dma_semaphore, #tpu.memory_space<semaphore_mem>> -> memref<!tpu.dma_semaphore, #tpu.memory_space<semaphore_mem>>
    tpu.wait_indirect_dma semaphore(%dma_wait3A_166 : memref<!tpu.dma_semaphore, #tpu.memory_space<semaphore_mem>>) src(%dma_wait3A_164 : memref<100000x128xf32, #tpu.memory_space<hbm>>) dst(%dma_wait3A_159 : memref<128x128xf32, #tpu.memory_space<vmem>>)
    %add3A_167 = arith.constant 256 : i32
    %add3A_168 = arith.addi %mul3A_2, %add3A_167 : i32
    %dma_start3A_169 = arith.constant 2 : i32
    %dma_start3A_170 = arith.constant 2 : i32
    %dma_start3A_171 = arith.constant 0 : i32
    %dma_start3A_172 = arith.constant 0 : i32
    %dma_start3A_173 = tpu.memref_slice %arg6[%dma_start3A_169, %dma_start3A_171, %dma_start3A_172] : memref<7x128x128xf32, #tpu.memory_space<vmem>> -> memref<1x128x128xf32, #tpu.memory_space<vmem>>
    %dma_start3A_174 = tpu.memref_squeeze %dma_start3A_173 : memref<1x128x128xf32, #tpu.memory_space<vmem>> -> memref<128x128xf32, #tpu.memory_space<vmem>>
    %dma_start3A_175 = arith.constant 0 : i32
    %dma_start3A_176 = tpu.memref_slice %arg4[%add3A_168, %dma_start3A_175] : memref<204800x128xf32, #tpu.memory_space<hbm>> -> memref<128x128xf32, #tpu.memory_space<hbm>>
    %dma_start3A_177 = tpu.memref_slice %arg8[%dma_start3A_170] : memref<7x!tpu.dma_semaphore, #tpu.memory_space<semaphore_mem>> -> memref<1x!tpu.dma_semaphore, #tpu.memory_space<semaphore_mem>>
    %dma_start3A_178 = tpu.memref_squeeze %dma_start3A_177 : memref<1x!tpu.dma_semaphore, #tpu.memory_space<semaphore_mem>> -> memref<!tpu.dma_semaphore, #tpu.memory_space<semaphore_mem>>
    %dma_start3A_179 = arith.constant 0 : i32
    %dma_start3A_180 = tpu.memref_slice %arg4[%add3A_168, %dma_start3A_179] : memref<204800x128xf32, #tpu.memory_space<hbm>> -> memref<128x128xf32, #tpu.memory_space<hbm>>
    %dma_start3A_181 = arith.constant 0 : i32
    %dma_start3A_182 = arith.constant 0 : i32
    %dma_start3A_183 = tpu.memref_slice %arg6[%dma_start3A_169, %dma_start3A_181, %dma_start3A_182] : memref<7x128x128xf32, #tpu.memory_space<vmem>> -> memref<1x128x128xf32, #tpu.memory_space<vmem>>
    %dma_start3A_184 = tpu.memref_squeeze %dma_start3A_183 : memref<1x128x128xf32, #tpu.memory_space<vmem>> -> memref<128x128xf32, #tpu.memory_space<vmem>>
    tpu.enqueue_dma source(%dma_start3A_184 : memref<128x128xf32, #tpu.memory_space<vmem>>) target(%dma_start3A_180 : memref<128x128xf32, #tpu.memory_space<hbm>>) target_semaphore(%dma_start3A_178 : memref<!tpu.dma_semaphore, #tpu.memory_space<semaphore_mem>>)
    %add3A_185 = arith.constant 0 : i32
    %add3A_186 = arith.addi %mul3A_2, %add3A_185 : i32
    %dma_wait3A_187 = arith.constant 0 : i32
    %dma_wait3A_188 = arith.constant 0 : i32
    %dma_wait3A_189 = arith.constant 0 : i32
    %dma_wait3A_190 = arith.constant 0 : i32
    %dma_wait3A_191 = tpu.memref_slice %arg6[%dma_wait3A_187, %dma_wait3A_189, %dma_wait3A_190] : memref<7x128x128xf32, #tpu.memory_space<vmem>> -> memref<1x128x128xf32, #tpu.memory_space<vmem>>
    %dma_wait3A_192 = tpu.memref_squeeze %dma_wait3A_191 : memref<1x128x128xf32, #tpu.memory_space<vmem>> -> memref<128x128xf32, #tpu.memory_space<vmem>>
    %dma_wait3A_193 = arith.constant 0 : i32
    %dma_wait3A_194 = tpu.memref_slice %arg4[%add3A_186, %dma_wait3A_193] : memref<204800x128xf32, #tpu.memory_space<hbm>> -> memref<128x128xf32, #tpu.memory_space<hbm>>
    %dma_wait3A_195 = tpu.memref_slice %arg8[%dma_wait3A_188] : memref<7x!tpu.dma_semaphore, #tpu.memory_space<semaphore_mem>> -> memref<1x!tpu.dma_semaphore, #tpu.memory_space<semaphore_mem>>
    %dma_wait3A_196 = tpu.memref_squeeze %dma_wait3A_195 : memref<1x!tpu.dma_semaphore, #tpu.memory_space<semaphore_mem>> -> memref<!tpu.dma_semaphore, #tpu.memory_space<semaphore_mem>>
    %dma_wait3A_197 = arith.constant 0 : i32
    %dma_wait3A_198 = tpu.memref_slice %arg4[%add3A_186, %dma_wait3A_197] : memref<204800x128xf32, #tpu.memory_space<hbm>> -> memref<128x128xf32, #tpu.memory_space<hbm>>
    %dma_wait3A_199 = arith.constant 0 : i32
    %dma_wait3A_200 = arith.constant 0 : i32
    %dma_wait3A_201 = tpu.memref_slice %arg6[%dma_wait3A_187, %dma_wait3A_199, %dma_wait3A_200] : memref<7x128x128xf32, #tpu.memory_space<vmem>> -> memref<1x128x128xf32, #tpu.memory_space<vmem>>
    %dma_wait3A_202 = tpu.memref_squeeze %dma_wait3A_201 : memref<1x128x128xf32, #tpu.memory_space<vmem>> -> memref<128x128xf32, #tpu.memory_space<vmem>>
    tpu.wait_dma2 semaphore(%dma_wait3A_196 : memref<!tpu.dma_semaphore, #tpu.memory_space<semaphore_mem>>) src(%dma_wait3A_202 : memref<128x128xf32, #tpu.memory_space<vmem>>) dst(%dma_wait3A_198 : memref<128x128xf32, #tpu.memory_space<hbm>>)
    %dma_start3A_203 = arith.constant 0 : i32
    %dma_start3A_204 = arith.constant 0 : i32
    %dma_start3A_205 = arith.constant 0 : i32
    %dma_start3A_206 = arith.constant 0 : i32
    %dma_start3A_207 = tpu.memref_slice %arg6[%dma_start3A_203, %dma_start3A_205, %dma_start3A_206] : memref<7x128x128xf32, #tpu.memory_space<vmem>> -> memref<1x128x128xf32, #tpu.memory_space<vmem>>
    %dma_start3A_208 = tpu.memref_squeeze %dma_start3A_207 : memref<1x128x128xf32, #tpu.memory_space<vmem>> -> memref<128x128xf32, #tpu.memory_space<vmem>>
    %dma_start3A_209 = arith.constant 896 : i32
    %dma_start3A_210 = tpu.memref_slice %arg5[%dma_start3A_209] : memref<6400xi32, #tpu.memory_space<vmem>> -> memref<128xi32, #tpu.memory_space<vmem>>
    %dma_start3A_211 = arith.constant 0 : i32
    %dma_start3A_212 = arith.constant 0 : i32
    %dma_start3A_213 = tpu.memref_slice %arg3[%dma_start3A_211, %dma_start3A_212] : memref<100000x128xf32, #tpu.memory_space<hbm>> -> memref<100000x128xf32, #tpu.memory_space<hbm>>
    %dma_start3A_214 = tpu.memref_slice %arg7[%dma_start3A_204] : memref<7x!tpu.dma_semaphore, #tpu.memory_space<semaphore_mem>> -> memref<1x!tpu.dma_semaphore, #tpu.memory_space<semaphore_mem>>
    %dma_start3A_215 = tpu.memref_squeeze %dma_start3A_214 : memref<1x!tpu.dma_semaphore, #tpu.memory_space<semaphore_mem>> -> memref<!tpu.dma_semaphore, #tpu.memory_space<semaphore_mem>>
    tpu.enqueue_indirect_dma source(%dma_start3A_213 : memref<100000x128xf32, #tpu.memory_space<hbm>>) target(%dma_start3A_208 : memref<128x128xf32, #tpu.memory_space<vmem>>) offsets(%dma_start3A_210 : memref<128xi32, #tpu.memory_space<vmem>>) semaphore(%dma_start3A_215 : memref<!tpu.dma_semaphore, #tpu.memory_space<semaphore_mem>>)
    %dma_wait3A_216 = arith.constant 3 : i32
    %dma_wait3A_217 = arith.constant 3 : i32
    %dma_wait3A_218 = arith.constant 0 : i32
    %dma_wait3A_219 = arith.constant 0 : i32
    %dma_wait3A_220 = tpu.memref_slice %arg6[%dma_wait3A_216, %dma_wait3A_218, %dma_wait3A_219] : memref<7x128x128xf32, #tpu.memory_space<vmem>> -> memref<1x128x128xf32, #tpu.memory_space<vmem>>
    %dma_wait3A_221 = tpu.memref_squeeze %dma_wait3A_220 : memref<1x128x128xf32, #tpu.memory_space<vmem>> -> memref<128x128xf32, #tpu.memory_space<vmem>>
    %dma_wait3A_222 = arith.constant 384 : i32
    %dma_wait3A_223 = tpu.memref_slice %arg5[%dma_wait3A_222] : memref<6400xi32, #tpu.memory_space<vmem>> -> memref<128xi32, #tpu.memory_space<vmem>>
    %dma_wait3A_224 = arith.constant 0 : i32
    %dma_wait3A_225 = arith.constant 0 : i32
    %dma_wait3A_226 = tpu.memref_slice %arg3[%dma_wait3A_224, %dma_wait3A_225] : memref<100000x128xf32, #tpu.memory_space<hbm>> -> memref<100000x128xf32, #tpu.memory_space<hbm>>
    %dma_wait3A_227 = tpu.memref_slice %arg7[%dma_wait3A_217] : memref<7x!tpu.dma_semaphore, #tpu.memory_space<semaphore_mem>> -> memref<1x!tpu.dma_semaphore, #tpu.memory_space<semaphore_mem>>
    %dma_wait3A_228 = tpu.memref_squeeze %dma_wait3A_227 : memref<1x!tpu.dma_semaphore, #tpu.memory_space<semaphore_mem>> -> memref<!tpu.dma_semaphore, #tpu.memory_space<semaphore_mem>>
    tpu.wait_indirect_dma semaphore(%dma_wait3A_228 : memref<!tpu.dma_semaphore, #tpu.memory_space<semaphore_mem>>) src(%dma_wait3A_226 : memref<100000x128xf32, #tpu.memory_space<hbm>>) dst(%dma_wait3A_221 : memref<128x128xf32, #tpu.memory_space<vmem>>)
    %add3A_229 = arith.constant 384 : i32
    %add3A_230 = arith.addi %mul3A_2, %add3A_229 : i32
    %dma_start3A_231 = arith.constant 3 : i32
    %dma_start3A_232 = arith.constant 3 : i32
    %dma_start3A_233 = arith.constant 0 : i32
    %dma_start3A_234 = arith.constant 0 : i32
    %dma_start3A_235 = tpu.memref_slice %arg6[%dma_start3A_231, %dma_start3A_233, %dma_start3A_234] : memref<7x128x128xf32, #tpu.memory_space<vmem>> -> memref<1x128x128xf32, #tpu.memory_space<vmem>>
    %dma_start3A_236 = tpu.memref_squeeze %dma_start3A_235 : memref<1x128x128xf32, #tpu.memory_space<vmem>> -> memref<128x128xf32, #tpu.memory_space<vmem>>
    %dma_start3A_237 = arith.constant 0 : i32
    %dma_start3A_238 = tpu.memref_slice %arg4[%add3A_230, %dma_start3A_237] : memref<204800x128xf32, #tpu.memory_space<hbm>> -> memref<128x128xf32, #tpu.memory_space<hbm>>
    %dma_start3A_239 = tpu.memref_slice %arg8[%dma_start3A_232] : memref<7x!tpu.dma_semaphore, #tpu.memory_space<semaphore_mem>> -> memref<1x!tpu.dma_semaphore, #tpu.memory_space<semaphore_mem>>
    %dma_start3A_240 = tpu.memref_squeeze %dma_start3A_239 : memref<1x!tpu.dma_semaphore, #tpu.memory_space<semaphore_mem>> -> memref<!tpu.dma_semaphore, #tpu.memory_space<semaphore_mem>>
    %dma_start3A_241 = arith.constant 0 : i32
    %dma_start3A_242 = tpu.memref_slice %arg4[%add3A_230, %dma_start3A_241] : memref<204800x128xf32, #tpu.memory_space<hbm>> -> memref<128x128xf32, #tpu.memory_space<hbm>>
    %dma_start3A_243 = arith.constant 0 : i32
    %dma_start3A_244 = arith.constant 0 : i32
    %dma_start3A_245 = tpu.memref_slice %arg6[%dma_start3A_231, %dma_start3A_243, %dma_start3A_244] : memref<7x128x128xf32, #tpu.memory_space<vmem>> -> memref<1x128x128xf32, #tpu.memory_space<vmem>>
    %dma_start3A_246 = tpu.memref_squeeze %dma_start3A_245 : memref<1x128x128xf32, #tpu.memory_space<vmem>> -> memref<128x128xf32, #tpu.memory_space<vmem>>
    tpu.enqueue_dma source(%dma_start3A_246 : memref<128x128xf32, #tpu.memory_space<vmem>>) target(%dma_start3A_242 : memref<128x128xf32, #tpu.memory_space<hbm>>) target_semaphore(%dma_start3A_240 : memref<!tpu.dma_semaphore, #tpu.memory_space<semaphore_mem>>)
    %add3A_247 = arith.constant 128 : i32
    %add3A_248 = arith.addi %mul3A_2, %add3A_247 : i32
    %dma_wait3A_249 = arith.constant 1 : i32
    %dma_wait3A_250 = arith.constant 1 : i32
    %dma_wait3A_251 = arith.constant 0 : i32
    %dma_wait3A_252 = arith.constant 0 : i32
    %dma_wait3A_253 = tpu.memref_slice %arg6[%dma_wait3A_249, %dma_wait3A_251, %dma_wait3A_252] : memref<7x128x128xf32, #tpu.memory_space<vmem>> -> memref<1x128x128xf32, #tpu.memory_space<vmem>>
    %dma_wait3A_254 = tpu.memref_squeeze %dma_wait3A_253 : memref<1x128x128xf32, #tpu.memory_space<vmem>> -> memref<128x128xf32, #tpu.memory_space<vmem>>
    %dma_wait3A_255 = arith.constant 0 : i32
    %dma_wait3A_256 = tpu.memref_slice %arg4[%add3A_248, %dma_wait3A_255] : memref<204800x128xf32, #tpu.memory_space<hbm>> -> memref<128x128xf32, #tpu.memory_space<hbm>>
    %dma_wait3A_257 = tpu.memref_slice %arg8[%dma_wait3A_250] : memref<7x!tpu.dma_semaphore, #tpu.memory_space<semaphore_mem>> -> memref<1x!tpu.dma_semaphore, #tpu.memory_space<semaphore_mem>>
    %dma_wait3A_258 = tpu.memref_squeeze %dma_wait3A_257 : memref<1x!tpu.dma_semaphore, #tpu.memory_space<semaphore_mem>> -> memref<!tpu.dma_semaphore, #tpu.memory_space<semaphore_mem>>
    %dma_wait3A_259 = arith.constant 0 : i32
    %dma_wait3A_260 = tpu.memref_slice %arg4[%add3A_248, %dma_wait3A_259] : memref<204800x128xf32, #tpu.memory_space<hbm>> -> memref<128x128xf32, #tpu.memory_space<hbm>>
    %dma_wait3A_261 = arith.constant 0 : i32
    %dma_wait3A_262 = arith.constant 0 : i32
    %dma_wait3A_263 = tpu.memref_slice %arg6[%dma_wait3A_249, %dma_wait3A_261, %dma_wait3A_262] : memref<7x128x128xf32, #tpu.memory_space<vmem>> -> memref<1x128x128xf32, #tpu.memory_space<vmem>>
    %dma_wait3A_264 = tpu.memref_squeeze %dma_wait3A_263 : memref<1x128x128xf32, #tpu.memory_space<vmem>> -> memref<128x128xf32, #tpu.memory_space<vmem>>
    tpu.wait_dma2 semaphore(%dma_wait3A_258 : memref<!tpu.dma_semaphore, #tpu.memory_space<semaphore_mem>>) src(%dma_wait3A_264 : memref<128x128xf32, #tpu.memory_space<vmem>>) dst(%dma_wait3A_260 : memref<128x128xf32, #tpu.memory_space<hbm>>)
    %dma_start3A_265 = arith.constant 1 : i32
    %dma_start3A_266 = arith.constant 1 : i32
    %dma_start3A_267 = arith.constant 0 : i32
    %dma_start3A_268 = arith.constant 0 : i32
    %dma_start3A_269 = tpu.memref_slice %arg6[%dma_start3A_265, %dma_start3A_267, %dma_start3A_268] : memref<7x128x128xf32, #tpu.memory_space<vmem>> -> memref<1x128x128xf32, #tpu.memory_space<vmem>>
    %dma_start3A_270 = tpu.memref_squeeze %dma_start3A_269 : memref<1x128x128xf32, #tpu.memory_space<vmem>> -> memref<128x128xf32, #tpu.memory_space<vmem>>
    %dma_start3A_271 = arith.constant 1024 : i32
    %dma_start3A_272 = tpu.memref_slice %arg5[%dma_start3A_271] : memref<6400xi32, #tpu.memory_space<vmem>> -> memref<128xi32, #tpu.memory_space<vmem>>
    %dma_start3A_273 = arith.constant 0 : i32
    %dma_start3A_274 = arith.constant 0 : i32
    %dma_start3A_275 = tpu.memref_slice %arg3[%dma_start3A_273, %dma_start3A_274] : memref<100000x128xf32, #tpu.memory_space<hbm>> -> memref<100000x128xf32, #tpu.memory_space<hbm>>
    %dma_start3A_276 = tpu.memref_slice %arg7[%dma_start3A_266] : memref<7x!tpu.dma_semaphore, #tpu.memory_space<semaphore_mem>> -> memref<1x!tpu.dma_semaphore, #tpu.memory_space<semaphore_mem>>
    %dma_start3A_277 = tpu.memref_squeeze %dma_start3A_276 : memref<1x!tpu.dma_semaphore, #tpu.memory_space<semaphore_mem>> -> memref<!tpu.dma_semaphore, #tpu.memory_space<semaphore_mem>>
    tpu.enqueue_indirect_dma source(%dma_start3A_275 : memref<100000x128xf32, #tpu.memory_space<hbm>>) target(%dma_start3A_270 : memref<128x128xf32, #tpu.memory_space<vmem>>) offsets(%dma_start3A_272 : memref<128xi32, #tpu.memory_space<vmem>>) semaphore(%dma_start3A_277 : memref<!tpu.dma_semaphore, #tpu.memory_space<semaphore_mem>>)
    %dma_wait3A_278 = arith.constant 4 : i32
    %dma_wait3A_279 = arith.constant 4 : i32
    %dma_wait3A_280 = arith.constant 0 : i32
    %dma_wait3A_281 = arith.constant 0 : i32
    %dma_wait3A_282 = tpu.memref_slice %arg6[%dma_wait3A_278, %dma_wait3A_280, %dma_wait3A_281] : memref<7x128x128xf32, #tpu.memory_space<vmem>> -> memref<1x128x128xf32, #tpu.memory_space<vmem>>
    %dma_wait3A_283 = tpu.memref_squeeze %dma_wait3A_282 : memref<1x128x128xf32, #tpu.memory_space<vmem>> -> memref<128x128xf32, #tpu.memory_space<vmem>>
    %dma_wait3A_284 = arith.constant 512 : i32
    %dma_wait3A_285 = tpu.memref_slice %arg5[%dma_wait3A_284] : memref<6400xi32, #tpu.memory_space<vmem>> -> memref<128xi32, #tpu.memory_space<vmem>>
    %dma_wait3A_286 = arith.constant 0 : i32
    %dma_wait3A_287 = arith.constant 0 : i32
    %dma_wait3A_288 = tpu.memref_slice %arg3[%dma_wait3A_286, %dma_wait3A_287] : memref<100000x128xf32, #tpu.memory_space<hbm>> -> memref<100000x128xf32, #tpu.memory_space<hbm>>
    %dma_wait3A_289 = tpu.memref_slice %arg7[%dma_wait3A_279] : memref<7x!tpu.dma_semaphore, #tpu.memory_space<semaphore_mem>> -> memref<1x!tpu.dma_semaphore, #tpu.memory_space<semaphore_mem>>
    %dma_wait3A_290 = tpu.memref_squeeze %dma_wait3A_289 : memref<1x!tpu.dma_semaphore, #tpu.memory_space<semaphore_mem>> -> memref<!tpu.dma_semaphore, #tpu.memory_space<semaphore_mem>>
    tpu.wait_indirect_dma semaphore(%dma_wait3A_290 : memref<!tpu.dma_semaphore, #tpu.memory_space<semaphore_mem>>) src(%dma_wait3A_288 : memref<100000x128xf32, #tpu.memory_space<hbm>>) dst(%dma_wait3A_283 : memref<128x128xf32, #tpu.memory_space<vmem>>)
    %add3A_291 = arith.constant 512 : i32
    %add3A_292 = arith.addi %mul3A_2, %add3A_291 : i32
    %dma_start3A_293 = arith.constant 4 : i32
    %dma_start3A_294 = arith.constant 4 : i32
    %dma_start3A_295 = arith.constant 0 : i32
    %dma_start3A_296 = arith.constant 0 : i32
    %dma_start3A_297 = tpu.memref_slice %arg6[%dma_start3A_293, %dma_start3A_295, %dma_start3A_296] : memref<7x128x128xf32, #tpu.memory_space<vmem>> -> memref<1x128x128xf32, #tpu.memory_space<vmem>>
    %dma_start3A_298 = tpu.memref_squeeze %dma_start3A_297 : memref<1x128x128xf32, #tpu.memory_space<vmem>> -> memref<128x128xf32, #tpu.memory_space<vmem>>
    %dma_start3A_299 = arith.constant 0 : i32
    %dma_start3A_300 = tpu.memref_slice %arg4[%add3A_292, %dma_start3A_299] : memref<204800x128xf32, #tpu.memory_space<hbm>> -> memref<128x128xf32, #tpu.memory_space<hbm>>
    %dma_start3A_301 = tpu.memref_slice %arg8[%dma_start3A_294] : memref<7x!tpu.dma_semaphore, #tpu.memory_space<semaphore_mem>> -> memref<1x!tpu.dma_semaphore, #tpu.memory_space<semaphore_mem>>
    %dma_start3A_302 = tpu.memref_squeeze %dma_start3A_301 : memref<1x!tpu.dma_semaphore, #tpu.memory_space<semaphore_mem>> -> memref<!tpu.dma_semaphore, #tpu.memory_space<semaphore_mem>>
    %dma_start3A_303 = arith.constant 0 : i32
    %dma_start3A_304 = tpu.memref_slice %arg4[%add3A_292, %dma_start3A_303] : memref<204800x128xf32, #tpu.memory_space<hbm>> -> memref<128x128xf32, #tpu.memory_space<hbm>>
    %dma_start3A_305 = arith.constant 0 : i32
    %dma_start3A_306 = arith.constant 0 : i32
    %dma_start3A_307 = tpu.memref_slice %arg6[%dma_start3A_293, %dma_start3A_305, %dma_start3A_306] : memref<7x128x128xf32, #tpu.memory_space<vmem>> -> memref<1x128x128xf32, #tpu.memory_space<vmem>>
    %dma_start3A_308 = tpu.memref_squeeze %dma_start3A_307 : memref<1x128x128xf32, #tpu.memory_space<vmem>> -> memref<128x128xf32, #tpu.memory_space<vmem>>
    tpu.enqueue_dma source(%dma_start3A_308 : memref<128x128xf32, #tpu.memory_space<vmem>>) target(%dma_start3A_304 : memref<128x128xf32, #tpu.memory_space<hbm>>) target_semaphore(%dma_start3A_302 : memref<!tpu.dma_semaphore, #tpu.memory_space<semaphore_mem>>)
    %add3A_309 = arith.constant 256 : i32
    %add3A_310 = arith.addi %mul3A_2, %add3A_309 : i32
    %dma_wait3A_311 = arith.constant 2 : i32
    %dma_wait3A_312 = arith.constant 2 : i32
    %dma_wait3A_313 = arith.constant 0 : i32
    %dma_wait3A_314 = arith.constant 0 : i32
    %dma_wait3A_315 = tpu.memref_slice %arg6[%dma_wait3A_311, %dma_wait3A_313, %dma_wait3A_314] : memref<7x128x128xf32, #tpu.memory_space<vmem>> -> memref<1x128x128xf32, #tpu.memory_space<vmem>>
    %dma_wait3A_316 = tpu.memref_squeeze %dma_wait3A_315 : memref<1x128x128xf32, #tpu.memory_space<vmem>> -> memref<128x128xf32, #tpu.memory_space<vmem>>
    %dma_wait3A_317 = arith.constant 0 : i32
    %dma_wait3A_318 = tpu.memref_slice %arg4[%add3A_310, %dma_wait3A_317] : memref<204800x128xf32, #tpu.memory_space<hbm>> -> memref<128x128xf32, #tpu.memory_space<hbm>>
    %dma_wait3A_319 = tpu.memref_slice %arg8[%dma_wait3A_312] : memref<7x!tpu.dma_semaphore, #tpu.memory_space<semaphore_mem>> -> memref<1x!tpu.dma_semaphore, #tpu.memory_space<semaphore_mem>>
    %dma_wait3A_320 = tpu.memref_squeeze %dma_wait3A_319 : memref<1x!tpu.dma_semaphore, #tpu.memory_space<semaphore_mem>> -> memref<!tpu.dma_semaphore, #tpu.memory_space<semaphore_mem>>
    %dma_wait3A_321 = arith.constant 0 : i32
    %dma_wait3A_322 = tpu.memref_slice %arg4[%add3A_310, %dma_wait3A_321] : memref<204800x128xf32, #tpu.memory_space<hbm>> -> memref<128x128xf32, #tpu.memory_space<hbm>>
    %dma_wait3A_323 = arith.constant 0 : i32
    %dma_wait3A_324 = arith.constant 0 : i32
    %dma_wait3A_325 = tpu.memref_slice %arg6[%dma_wait3A_311, %dma_wait3A_323, %dma_wait3A_324] : memref<7x128x128xf32, #tpu.memory_space<vmem>> -> memref<1x128x128xf32, #tpu.memory_space<vmem>>
    %dma_wait3A_326 = tpu.memref_squeeze %dma_wait3A_325 : memref<1x128x128xf32, #tpu.memory_space<vmem>> -> memref<128x128xf32, #tpu.memory_space<vmem>>
    tpu.wait_dma2 semaphore(%dma_wait3A_320 : memref<!tpu.dma_semaphore, #tpu.memory_space<semaphore_mem>>) src(%dma_wait3A_326 : memref<128x128xf32, #tpu.memory_space<vmem>>) dst(%dma_wait3A_322 : memref<128x128xf32, #tpu.memory_space<hbm>>)
    %dma_start3A_327 = arith.constant 2 : i32
    %dma_start3A_328 = arith.constant 2 : i32
    %dma_start3A_329 = arith.constant 0 : i32
    %dma_start3A_330 = arith.constant 0 : i32
    %dma_start3A_331 = tpu.memref_slice %arg6[%dma_start3A_327, %dma_start3A_329, %dma_start3A_330] : memref<7x128x128xf32, #tpu.memory_space<vmem>> -> memref<1x128x128xf32, #tpu.memory_space<vmem>>
    %dma_start3A_332 = tpu.memref_squeeze %dma_start3A_331 : memref<1x128x128xf32, #tpu.memory_space<vmem>> -> memref<128x128xf32, #tpu.memory_space<vmem>>
    %dma_start3A_333 = arith.constant 1152 : i32
    %dma_start3A_334 = tpu.memref_slice %arg5[%dma_start3A_333] : memref<6400xi32, #tpu.memory_space<vmem>> -> memref<128xi32, #tpu.memory_space<vmem>>
    %dma_start3A_335 = arith.constant 0 : i32
    %dma_start3A_336 = arith.constant 0 : i32
    %dma_start3A_337 = tpu.memref_slice %arg3[%dma_start3A_335, %dma_start3A_336] : memref<100000x128xf32, #tpu.memory_space<hbm>> -> memref<100000x128xf32, #tpu.memory_space<hbm>>
    %dma_start3A_338 = tpu.memref_slice %arg7[%dma_start3A_328] : memref<7x!tpu.dma_semaphore, #tpu.memory_space<semaphore_mem>> -> memref<1x!tpu.dma_semaphore, #tpu.memory_space<semaphore_mem>>
    %dma_start3A_339 = tpu.memref_squeeze %dma_start3A_338 : memref<1x!tpu.dma_semaphore, #tpu.memory_space<semaphore_mem>> -> memref<!tpu.dma_semaphore, #tpu.memory_space<semaphore_mem>>
    tpu.enqueue_indirect_dma source(%dma_start3A_337 : memref<100000x128xf32, #tpu.memory_space<hbm>>) target(%dma_start3A_332 : memref<128x128xf32, #tpu.memory_space<vmem>>) offsets(%dma_start3A_334 : memref<128xi32, #tpu.memory_space<vmem>>) semaphore(%dma_start3A_339 : memref<!tpu.dma_semaphore, #tpu.memory_space<semaphore_mem>>)
    %dma_wait3A_340 = arith.constant 5 : i32
    %dma_wait3A_341 = arith.constant 5 : i32
    %dma_wait3A_342 = arith.constant 0 : i32
    %dma_wait3A_343 = arith.constant 0 : i32
    %dma_wait3A_344 = tpu.memref_slice %arg6[%dma_wait3A_340, %dma_wait3A_342, %dma_wait3A_343] : memref<7x128x128xf32, #tpu.memory_space<vmem>> -> memref<1x128x128xf32, #tpu.memory_space<vmem>>
    %dma_wait3A_345 = tpu.memref_squeeze %dma_wait3A_344 : memref<1x128x128xf32, #tpu.memory_space<vmem>> -> memref<128x128xf32, #tpu.memory_space<vmem>>
    %dma_wait3A_346 = arith.constant 640 : i32
    %dma_wait3A_347 = tpu.memref_slice %arg5[%dma_wait3A_346] : memref<6400xi32, #tpu.memory_space<vmem>> -> memref<128xi32, #tpu.memory_space<vmem>>
    %dma_wait3A_348 = arith.constant 0 : i32
    %dma_wait3A_349 = arith.constant 0 : i32
    %dma_wait3A_350 = tpu.memref_slice %arg3[%dma_wait3A_348, %dma_wait3A_349] : memref<100000x128xf32, #tpu.memory_space<hbm>> -> memref<100000x128xf32, #tpu.memory_space<hbm>>
    %dma_wait3A_351 = tpu.memref_slice %arg7[%dma_wait3A_341] : memref<7x!tpu.dma_semaphore, #tpu.memory_space<semaphore_mem>> -> memref<1x!tpu.dma_semaphore, #tpu.memory_space<semaphore_mem>>
    %dma_wait3A_352 = tpu.memref_squeeze %dma_wait3A_351 : memref<1x!tpu.dma_semaphore, #tpu.memory_space<semaphore_mem>> -> memref<!tpu.dma_semaphore, #tpu.memory_space<semaphore_mem>>
    tpu.wait_indirect_dma semaphore(%dma_wait3A_352 : memref<!tpu.dma_semaphore, #tpu.memory_space<semaphore_mem>>) src(%dma_wait3A_350 : memref<100000x128xf32, #tpu.memory_space<hbm>>) dst(%dma_wait3A_345 : memref<128x128xf32, #tpu.memory_space<vmem>>)
    %add3A_353 = arith.constant 640 : i32
    %add3A_354 = arith.addi %mul3A_2, %add3A_353 : i32
    %dma_start3A_355 = arith.constant 5 : i32
    %dma_start3A_356 = arith.constant 5 : i32
    %dma_start3A_357 = arith.constant 0 : i32
    %dma_start3A_358 = arith.constant 0 : i32
    %dma_start3A_359 = tpu.memref_slice %arg6[%dma_start3A_355, %dma_start3A_357, %dma_start3A_358] : memref<7x128x128xf32, #tpu.memory_space<vmem>> -> memref<1x128x128xf32, #tpu.memory_space<vmem>>
    %dma_start3A_360 = tpu.memref_squeeze %dma_start3A_359 : memref<1x128x128xf32, #tpu.memory_space<vmem>> -> memref<128x128xf32, #tpu.memory_space<vmem>>
    %dma_start3A_361 = arith.constant 0 : i32
    %dma_start3A_362 = tpu.memref_slice %arg4[%add3A_354, %dma_start3A_361] : memref<204800x128xf32, #tpu.memory_space<hbm>> -> memref<128x128xf32, #tpu.memory_space<hbm>>
    %dma_start3A_363 = tpu.memref_slice %arg8[%dma_start3A_356] : memref<7x!tpu.dma_semaphore, #tpu.memory_space<semaphore_mem>> -> memref<1x!tpu.dma_semaphore, #tpu.memory_space<semaphore_mem>>
    %dma_start3A_364 = tpu.memref_squeeze %dma_start3A_363 : memref<1x!tpu.dma_semaphore, #tpu.memory_space<semaphore_mem>> -> memref<!tpu.dma_semaphore, #tpu.memory_space<semaphore_mem>>
    %dma_start3A_365 = arith.constant 0 : i32
    %dma_start3A_366 = tpu.memref_slice %arg4[%add3A_354, %dma_start3A_365] : memref<204800x128xf32, #tpu.memory_space<hbm>> -> memref<128x128xf32, #tpu.memory_space<hbm>>
    %dma_start3A_367 = arith.constant 0 : i32
    %dma_start3A_368 = arith.constant 0 : i32
    %dma_start3A_369 = tpu.memref_slice %arg6[%dma_start3A_355, %dma_start3A_367, %dma_start3A_368] : memref<7x128x128xf32, #tpu.memory_space<vmem>> -> memref<1x128x128xf32, #tpu.memory_space<vmem>>
    %dma_start3A_370 = tpu.memref_squeeze %dma_start3A_369 : memref<1x128x128xf32, #tpu.memory_space<vmem>> -> memref<128x128xf32, #tpu.memory_space<vmem>>
    tpu.enqueue_dma source(%dma_start3A_370 : memref<128x128xf32, #tpu.memory_space<vmem>>) target(%dma_start3A_366 : memref<128x128xf32, #tpu.memory_space<hbm>>) target_semaphore(%dma_start3A_364 : memref<!tpu.dma_semaphore, #tpu.memory_space<semaphore_mem>>)
    %add3A_371 = arith.constant 384 : i32
    %add3A_372 = arith.addi %mul3A_2, %add3A_371 : i32
    %dma_wait3A_373 = arith.constant 3 : i32
    %dma_wait3A_374 = arith.constant 3 : i32
    %dma_wait3A_375 = arith.constant 0 : i32
    %dma_wait3A_376 = arith.constant 0 : i32
    %dma_wait3A_377 = tpu.memref_slice %arg6[%dma_wait3A_373, %dma_wait3A_375, %dma_wait3A_376] : memref<7x128x128xf32, #tpu.memory_space<vmem>> -> memref<1x128x128xf32, #tpu.memory_space<vmem>>
    %dma_wait3A_378 = tpu.memref_squeeze %dma_wait3A_377 : memref<1x128x128xf32, #tpu.memory_space<vmem>> -> memref<128x128xf32, #tpu.memory_space<vmem>>
    %dma_wait3A_379 = arith.constant 0 : i32
    %dma_wait3A_380 = tpu.memref_slice %arg4[%add3A_372, %dma_wait3A_379] : memref<204800x128xf32, #tpu.memory_space<hbm>> -> memref<128x128xf32, #tpu.memory_space<hbm>>
    %dma_wait3A_381 = tpu.memref_slice %arg8[%dma_wait3A_374] : memref<7x!tpu.dma_semaphore, #tpu.memory_space<semaphore_mem>> -> memref<1x!tpu.dma_semaphore, #tpu.memory_space<semaphore_mem>>
    %dma_wait3A_382 = tpu.memref_squeeze %dma_wait3A_381 : memref<1x!tpu.dma_semaphore, #tpu.memory_space<semaphore_mem>> -> memref<!tpu.dma_semaphore, #tpu.memory_space<semaphore_mem>>
    %dma_wait3A_383 = arith.constant 0 : i32
    %dma_wait3A_384 = tpu.memref_slice %arg4[%add3A_372, %dma_wait3A_383] : memref<204800x128xf32, #tpu.memory_space<hbm>> -> memref<128x128xf32, #tpu.memory_space<hbm>>
    %dma_wait3A_385 = arith.constant 0 : i32
    %dma_wait3A_386 = arith.constant 0 : i32
    %dma_wait3A_387 = tpu.memref_slice %arg6[%dma_wait3A_373, %dma_wait3A_385, %dma_wait3A_386] : memref<7x128x128xf32, #tpu.memory_space<vmem>> -> memref<1x128x128xf32, #tpu.memory_space<vmem>>
    %dma_wait3A_388 = tpu.memref_squeeze %dma_wait3A_387 : memref<1x128x128xf32, #tpu.memory_space<vmem>> -> memref<128x128xf32, #tpu.memory_space<vmem>>
    tpu.wait_dma2 semaphore(%dma_wait3A_382 : memref<!tpu.dma_semaphore, #tpu.memory_space<semaphore_mem>>) src(%dma_wait3A_388 : memref<128x128xf32, #tpu.memory_space<vmem>>) dst(%dma_wait3A_384 : memref<128x128xf32, #tpu.memory_space<hbm>>)
    %dma_start3A_389 = arith.constant 3 : i32
    %dma_start3A_390 = arith.constant 3 : i32
    %dma_start3A_391 = arith.constant 0 : i32
    %dma_start3A_392 = arith.constant 0 : i32
    %dma_start3A_393 = tpu.memref_slice %arg6[%dma_start3A_389, %dma_start3A_391, %dma_start3A_392] : memref<7x128x128xf32, #tpu.memory_space<vmem>> -> memref<1x128x128xf32, #tpu.memory_space<vmem>>
    %dma_start3A_394 = tpu.memref_squeeze %dma_start3A_393 : memref<1x128x128xf32, #tpu.memory_space<vmem>> -> memref<128x128xf32, #tpu.memory_space<vmem>>
    %dma_start3A_395 = arith.constant 1280 : i32
    %dma_start3A_396 = tpu.memref_slice %arg5[%dma_start3A_395] : memref<6400xi32, #tpu.memory_space<vmem>> -> memref<128xi32, #tpu.memory_space<vmem>>
    %dma_start3A_397 = arith.constant 0 : i32
    %dma_start3A_398 = arith.constant 0 : i32
    %dma_start3A_399 = tpu.memref_slice %arg3[%dma_start3A_397, %dma_start3A_398] : memref<100000x128xf32, #tpu.memory_space<hbm>> -> memref<100000x128xf32, #tpu.memory_space<hbm>>
    %dma_start3A_400 = tpu.memref_slice %arg7[%dma_start3A_390] : memref<7x!tpu.dma_semaphore, #tpu.memory_space<semaphore_mem>> -> memref<1x!tpu.dma_semaphore, #tpu.memory_space<semaphore_mem>>
    %dma_start3A_401 = tpu.memref_squeeze %dma_start3A_400 : memref<1x!tpu.dma_semaphore, #tpu.memory_space<semaphore_mem>> -> memref<!tpu.dma_semaphore, #tpu.memory_space<semaphore_mem>>
    tpu.enqueue_indirect_dma source(%dma_start3A_399 : memref<100000x128xf32, #tpu.memory_space<hbm>>) target(%dma_start3A_394 : memref<128x128xf32, #tpu.memory_space<vmem>>) offsets(%dma_start3A_396 : memref<128xi32, #tpu.memory_space<vmem>>) semaphore(%dma_start3A_401 : memref<!tpu.dma_semaphore, #tpu.memory_space<semaphore_mem>>)
    %dma_wait3A_402 = arith.constant 6 : i32
    %dma_wait3A_403 = arith.constant 6 : i32
    %dma_wait3A_404 = arith.constant 0 : i32
    %dma_wait3A_405 = arith.constant 0 : i32
    %dma_wait3A_406 = tpu.memref_slice %arg6[%dma_wait3A_402, %dma_wait3A_404, %dma_wait3A_405] : memref<7x128x128xf32, #tpu.memory_space<vmem>> -> memref<1x128x128xf32, #tpu.memory_space<vmem>>
    %dma_wait3A_407 = tpu.memref_squeeze %dma_wait3A_406 : memref<1x128x128xf32, #tpu.memory_space<vmem>> -> memref<128x128xf32, #tpu.memory_space<vmem>>
    %dma_wait3A_408 = arith.constant 768 : i32
    %dma_wait3A_409 = tpu.memref_slice %arg5[%dma_wait3A_408] : memref<6400xi32, #tpu.memory_space<vmem>> -> memref<128xi32, #tpu.memory_space<vmem>>
    %dma_wait3A_410 = arith.constant 0 : i32
    %dma_wait3A_411 = arith.constant 0 : i32
    %dma_wait3A_412 = tpu.memref_slice %arg3[%dma_wait3A_410, %dma_wait3A_411] : memref<100000x128xf32, #tpu.memory_space<hbm>> -> memref<100000x128xf32, #tpu.memory_space<hbm>>
    %dma_wait3A_413 = tpu.memref_slice %arg7[%dma_wait3A_403] : memref<7x!tpu.dma_semaphore, #tpu.memory_space<semaphore_mem>> -> memref<1x!tpu.dma_semaphore, #tpu.memory_space<semaphore_mem>>
    %dma_wait3A_414 = tpu.memref_squeeze %dma_wait3A_413 : memref<1x!tpu.dma_semaphore, #tpu.memory_space<semaphore_mem>> -> memref<!tpu.dma_semaphore, #tpu.memory_space<semaphore_mem>>
    tpu.wait_indirect_dma semaphore(%dma_wait3A_414 : memref<!tpu.dma_semaphore, #tpu.memory_space<semaphore_mem>>) src(%dma_wait3A_412 : memref<100000x128xf32, #tpu.memory_space<hbm>>) dst(%dma_wait3A_407 : memref<128x128xf32, #tpu.memory_space<vmem>>)
    %add3A_415 = arith.constant 768 : i32
    %add3A_416 = arith.addi %mul3A_2, %add3A_415 : i32
    %dma_start3A_417 = arith.constant 6 : i32
    %dma_start3A_418 = arith.constant 6 : i32
    %dma_start3A_419 = arith.constant 0 : i32
    %dma_start3A_420 = arith.constant 0 : i32
    %dma_start3A_421 = tpu.memref_slice %arg6[%dma_start3A_417, %dma_start3A_419, %dma_start3A_420] : memref<7x128x128xf32, #tpu.memory_space<vmem>> -> memref<1x128x128xf32, #tpu.memory_space<vmem>>
    %dma_start3A_422 = tpu.memref_squeeze %dma_start3A_421 : memref<1x128x128xf32, #tpu.memory_space<vmem>> -> memref<128x128xf32, #tpu.memory_space<vmem>>
    %dma_start3A_423 = arith.constant 0 : i32
    %dma_start3A_424 = tpu.memref_slice %arg4[%add3A_416, %dma_start3A_423] : memref<204800x128xf32, #tpu.memory_space<hbm>> -> memref<128x128xf32, #tpu.memory_space<hbm>>
    %dma_start3A_425 = tpu.memref_slice %arg8[%dma_start3A_418] : memref<7x!tpu.dma_semaphore, #tpu.memory_space<semaphore_mem>> -> memref<1x!tpu.dma_semaphore, #tpu.memory_space<semaphore_mem>>
    %dma_start3A_426 = tpu.memref_squeeze %dma_start3A_425 : memref<1x!tpu.dma_semaphore, #tpu.memory_space<semaphore_mem>> -> memref<!tpu.dma_semaphore, #tpu.memory_space<semaphore_mem>>
    %dma_start3A_427 = arith.constant 0 : i32
    %dma_start3A_428 = tpu.memref_slice %arg4[%add3A_416, %dma_start3A_427] : memref<204800x128xf32, #tpu.memory_space<hbm>> -> memref<128x128xf32, #tpu.memory_space<hbm>>
    %dma_start3A_429 = arith.constant 0 : i32
    %dma_start3A_430 = arith.constant 0 : i32
    %dma_start3A_431 = tpu.memref_slice %arg6[%dma_start3A_417, %dma_start3A_429, %dma_start3A_430] : memref<7x128x128xf32, #tpu.memory_space<vmem>> -> memref<1x128x128xf32, #tpu.memory_space<vmem>>
    %dma_start3A_432 = tpu.memref_squeeze %dma_start3A_431 : memref<1x128x128xf32, #tpu.memory_space<vmem>> -> memref<128x128xf32, #tpu.memory_space<vmem>>
    tpu.enqueue_dma source(%dma_start3A_432 : memref<128x128xf32, #tpu.memory_space<vmem>>) target(%dma_start3A_428 : memref<128x128xf32, #tpu.memory_space<hbm>>) target_semaphore(%dma_start3A_426 : memref<!tpu.dma_semaphore, #tpu.memory_space<semaphore_mem>>)
    %add3A_433 = arith.constant 512 : i32
    %add3A_434 = arith.addi %mul3A_2, %add3A_433 : i32
    %dma_wait3A_435 = arith.constant 4 : i32
    %dma_wait3A_436 = arith.constant 4 : i32
    %dma_wait3A_437 = arith.constant 0 : i32
    %dma_wait3A_438 = arith.constant 0 : i32
    %dma_wait3A_439 = tpu.memref_slice %arg6[%dma_wait3A_435, %dma_wait3A_437, %dma_wait3A_438] : memref<7x128x128xf32, #tpu.memory_space<vmem>> -> memref<1x128x128xf32, #tpu.memory_space<vmem>>
    %dma_wait3A_440 = tpu.memref_squeeze %dma_wait3A_439 : memref<1x128x128xf32, #tpu.memory_space<vmem>> -> memref<128x128xf32, #tpu.memory_space<vmem>>
    %dma_wait3A_441 = arith.constant 0 : i32
    %dma_wait3A_442 = tpu.memref_slice %arg4[%add3A_434, %dma_wait3A_441] : memref<204800x128xf32, #tpu.memory_space<hbm>> -> memref<128x128xf32, #tpu.memory_space<hbm>>
    %dma_wait3A_443 = tpu.memref_slice %arg8[%dma_wait3A_436] : memref<7x!tpu.dma_semaphore, #tpu.memory_space<semaphore_mem>> -> memref<1x!tpu.dma_semaphore, #tpu.memory_space<semaphore_mem>>
    %dma_wait3A_444 = tpu.memref_squeeze %dma_wait3A_443 : memref<1x!tpu.dma_semaphore, #tpu.memory_space<semaphore_mem>> -> memref<!tpu.dma_semaphore, #tpu.memory_space<semaphore_mem>>
    %dma_wait3A_445 = arith.constant 0 : i32
    %dma_wait3A_446 = tpu.memref_slice %arg4[%add3A_434, %dma_wait3A_445] : memref<204800x128xf32, #tpu.memory_space<hbm>> -> memref<128x128xf32, #tpu.memory_space<hbm>>
    %dma_wait3A_447 = arith.constant 0 : i32
    %dma_wait3A_448 = arith.constant 0 : i32
    %dma_wait3A_449 = tpu.memref_slice %arg6[%dma_wait3A_435, %dma_wait3A_447, %dma_wait3A_448] : memref<7x128x128xf32, #tpu.memory_space<vmem>> -> memref<1x128x128xf32, #tpu.memory_space<vmem>>
    %dma_wait3A_450 = tpu.memref_squeeze %dma_wait3A_449 : memref<1x128x128xf32, #tpu.memory_space<vmem>> -> memref<128x128xf32, #tpu.memory_space<vmem>>
    tpu.wait_dma2 semaphore(%dma_wait3A_444 : memref<!tpu.dma_semaphore, #tpu.memory_space<semaphore_mem>>) src(%dma_wait3A_450 : memref<128x128xf32, #tpu.memory_space<vmem>>) dst(%dma_wait3A_446 : memref<128x128xf32, #tpu.memory_space<hbm>>)
    %dma_start3A_451 = arith.constant 4 : i32
    %dma_start3A_452 = arith.constant 4 : i32
    %dma_start3A_453 = arith.constant 0 : i32
    %dma_start3A_454 = arith.constant 0 : i32
    %dma_start3A_455 = tpu.memref_slice %arg6[%dma_start3A_451, %dma_start3A_453, %dma_start3A_454] : memref<7x128x128xf32, #tpu.memory_space<vmem>> -> memref<1x128x128xf32, #tpu.memory_space<vmem>>
    %dma_start3A_456 = tpu.memref_squeeze %dma_start3A_455 : memref<1x128x128xf32, #tpu.memory_space<vmem>> -> memref<128x128xf32, #tpu.memory_space<vmem>>
    %dma_start3A_457 = arith.constant 1408 : i32
    %dma_start3A_458 = tpu.memref_slice %arg5[%dma_start3A_457] : memref<6400xi32, #tpu.memory_space<vmem>> -> memref<128xi32, #tpu.memory_space<vmem>>
    %dma_start3A_459 = arith.constant 0 : i32
    %dma_start3A_460 = arith.constant 0 : i32
    %dma_start3A_461 = tpu.memref_slice %arg3[%dma_start3A_459, %dma_start3A_460] : memref<100000x128xf32, #tpu.memory_space<hbm>> -> memref<100000x128xf32, #tpu.memory_space<hbm>>
    %dma_start3A_462 = tpu.memref_slice %arg7[%dma_start3A_452] : memref<7x!tpu.dma_semaphore, #tpu.memory_space<semaphore_mem>> -> memref<1x!tpu.dma_semaphore, #tpu.memory_space<semaphore_mem>>
    %dma_start3A_463 = tpu.memref_squeeze %dma_start3A_462 : memref<1x!tpu.dma_semaphore, #tpu.memory_space<semaphore_mem>> -> memref<!tpu.dma_semaphore, #tpu.memory_space<semaphore_mem>>
    tpu.enqueue_indirect_dma source(%dma_start3A_461 : memref<100000x128xf32, #tpu.memory_space<hbm>>) target(%dma_start3A_456 : memref<128x128xf32, #tpu.memory_space<vmem>>) offsets(%dma_start3A_458 : memref<128xi32, #tpu.memory_space<vmem>>) semaphore(%dma_start3A_463 : memref<!tpu.dma_semaphore, #tpu.memory_space<semaphore_mem>>)
    %scan3A = arith.constant 0 : i32
    %scan3A_464 = arith.constant 5 : i32
    %scan3A_465 = arith.addi %scan3A, %scan3A_464 : i32
    %scan3A_466 = arith.constant 1 : i32
    scf.for %scan3A_935 = %scan3A to %scan3A_465 step %scan3A_466  : i32 {
      %mul3A_936 = arith.constant 7 : i32
      %mul3A_937 = arith.muli %scan3A_935, %mul3A_936 : i32
      %add3A_938 = arith.constant 7 : i32
      %add3A_939 = arith.addi %add3A_938, %mul3A_937 : i32
      %add3A_940 = arith.constant 0 : i32
      %add3A_941 = arith.addi %add3A_939, %add3A_940 : i32
      %mul3A_942 = arith.constant 128 : i32
      %mul3A_943 = arith.muli %add3A_941, %mul3A_942 : i32
      %dma_wait3A_944 = arith.constant 0 : i32
      %dma_wait3A_945 = arith.constant 0 : i32
      %dma_wait3A_946 = arith.constant 0 : i32
      %dma_wait3A_947 = arith.constant 0 : i32
      %dma_wait3A_948 = tpu.memref_slice %arg6[%dma_wait3A_944, %dma_wait3A_946, %dma_wait3A_947] : memref<7x128x128xf32, #tpu.memory_space<vmem>> -> memref<1x128x128xf32, #tpu.memory_space<vmem>>
      %dma_wait3A_949 = tpu.memref_squeeze %dma_wait3A_948 : memref<1x128x128xf32, #tpu.memory_space<vmem>> -> memref<128x128xf32, #tpu.memory_space<vmem>>
      %dma_wait3A_950 = tpu.memref_slice %arg5[%mul3A_943] : memref<6400xi32, #tpu.memory_space<vmem>> -> memref<128xi32, #tpu.memory_space<vmem>>
      %dma_wait3A_951 = arith.constant 0 : i32
      %dma_wait3A_952 = arith.constant 0 : i32
      %dma_wait3A_953 = tpu.memref_slice %arg3[%dma_wait3A_951, %dma_wait3A_952] : memref<100000x128xf32, #tpu.memory_space<hbm>> -> memref<100000x128xf32, #tpu.memory_space<hbm>>
      %dma_wait3A_954 = tpu.memref_slice %arg7[%dma_wait3A_945] : memref<7x!tpu.dma_semaphore, #tpu.memory_space<semaphore_mem>> -> memref<1x!tpu.dma_semaphore, #tpu.memory_space<semaphore_mem>>
      %dma_wait3A_955 = tpu.memref_squeeze %dma_wait3A_954 : memref<1x!tpu.dma_semaphore, #tpu.memory_space<semaphore_mem>> -> memref<!tpu.dma_semaphore, #tpu.memory_space<semaphore_mem>>
      tpu.wait_indirect_dma semaphore(%dma_wait3A_955 : memref<!tpu.dma_semaphore, #tpu.memory_space<semaphore_mem>>) src(%dma_wait3A_953 : memref<100000x128xf32, #tpu.memory_space<hbm>>) dst(%dma_wait3A_949 : memref<128x128xf32, #tpu.memory_space<vmem>>)
      %mul3A_956 = arith.constant 128 : i32
      %mul3A_957 = arith.muli %add3A_941, %mul3A_956 : i32
      %add3A_958 = arith.addi %mul3A_2, %mul3A_957 : i32
      %dma_start3A_959 = arith.constant 0 : i32
      %dma_start3A_960 = arith.constant 0 : i32
      %dma_start3A_961 = arith.constant 0 : i32
      %dma_start3A_962 = arith.constant 0 : i32
      %dma_start3A_963 = tpu.memref_slice %arg6[%dma_start3A_959, %dma_start3A_961, %dma_start3A_962] : memref<7x128x128xf32, #tpu.memory_space<vmem>> -> memref<1x128x128xf32, #tpu.memory_space<vmem>>
      %dma_start3A_964 = tpu.memref_squeeze %dma_start3A_963 : memref<1x128x128xf32, #tpu.memory_space<vmem>> -> memref<128x128xf32, #tpu.memory_space<vmem>>
      %dma_start3A_965 = arith.constant 0 : i32
      %dma_start3A_966 = tpu.memref_slice %arg4[%add3A_958, %dma_start3A_965] : memref<204800x128xf32, #tpu.memory_space<hbm>> -> memref<128x128xf32, #tpu.memory_space<hbm>>
      %dma_start3A_967 = tpu.memref_slice %arg8[%dma_start3A_960] : memref<7x!tpu.dma_semaphore, #tpu.memory_space<semaphore_mem>> -> memref<1x!tpu.dma_semaphore, #tpu.memory_space<semaphore_mem>>
      %dma_start3A_968 = tpu.memref_squeeze %dma_start3A_967 : memref<1x!tpu.dma_semaphore, #tpu.memory_space<semaphore_mem>> -> memref<!tpu.dma_semaphore, #tpu.memory_space<semaphore_mem>>
      %dma_start3A_969 = arith.constant 0 : i32
      %dma_start3A_970 = tpu.memref_slice %arg4[%add3A_958, %dma_start3A_969] : memref<204800x128xf32, #tpu.memory_space<hbm>> -> memref<128x128xf32, #tpu.memory_space<hbm>>
      %dma_start3A_971 = arith.constant 0 : i32
      %dma_start3A_972 = arith.constant 0 : i32
      %dma_start3A_973 = tpu.memref_slice %arg6[%dma_start3A_959, %dma_start3A_971, %dma_start3A_972] : memref<7x128x128xf32, #tpu.memory_space<vmem>> -> memref<1x128x128xf32, #tpu.memory_space<vmem>>
      %dma_start3A_974 = tpu.memref_squeeze %dma_start3A_973 : memref<1x128x128xf32, #tpu.memory_space<vmem>> -> memref<128x128xf32, #tpu.memory_space<vmem>>
      tpu.enqueue_dma source(%dma_start3A_974 : memref<128x128xf32, #tpu.memory_space<vmem>>) target(%dma_start3A_970 : memref<128x128xf32, #tpu.memory_space<hbm>>) target_semaphore(%dma_start3A_968 : memref<!tpu.dma_semaphore, #tpu.memory_space<semaphore_mem>>)
      %add3A_975 = arith.constant 5 : i32
      %add3A_976 = arith.addi %add3A_941, %add3A_975 : i32
      %sub3A = arith.constant 7 : i32
      %sub3A_977 = arith.subi %add3A_976, %sub3A : i32
      %mul3A_978 = arith.constant 128 : i32
      %mul3A_979 = arith.muli %sub3A_977, %mul3A_978 : i32
      %add3A_980 = arith.addi %mul3A_2, %mul3A_979 : i32
      %dma_wait3A_981 = arith.constant 5 : i32
      %dma_wait3A_982 = arith.constant 5 : i32
      %dma_wait3A_983 = arith.constant 0 : i32
      %dma_wait3A_984 = arith.constant 0 : i32
      %dma_wait3A_985 = tpu.memref_slice %arg6[%dma_wait3A_981, %dma_wait3A_983, %dma_wait3A_984] : memref<7x128x128xf32, #tpu.memory_space<vmem>> -> memref<1x128x128xf32, #tpu.memory_space<vmem>>
      %dma_wait3A_986 = tpu.memref_squeeze %dma_wait3A_985 : memref<1x128x128xf32, #tpu.memory_space<vmem>> -> memref<128x128xf32, #tpu.memory_space<vmem>>
      %dma_wait3A_987 = arith.constant 0 : i32
      %dma_wait3A_988 = tpu.memref_slice %arg4[%add3A_980, %dma_wait3A_987] : memref<204800x128xf32, #tpu.memory_space<hbm>> -> memref<128x128xf32, #tpu.memory_space<hbm>>
      %dma_wait3A_989 = tpu.memref_slice %arg8[%dma_wait3A_982] : memref<7x!tpu.dma_semaphore, #tpu.memory_space<semaphore_mem>> -> memref<1x!tpu.dma_semaphore, #tpu.memory_space<semaphore_mem>>
      %dma_wait3A_990 = tpu.memref_squeeze %dma_wait3A_989 : memref<1x!tpu.dma_semaphore, #tpu.memory_space<semaphore_mem>> -> memref<!tpu.dma_semaphore, #tpu.memory_space<semaphore_mem>>
      %dma_wait3A_991 = arith.constant 0 : i32
      %dma_wait3A_992 = tpu.memref_slice %arg4[%add3A_980, %dma_wait3A_991] : memref<204800x128xf32, #tpu.memory_space<hbm>> -> memref<128x128xf32, #tpu.memory_space<hbm>>
      %dma_wait3A_993 = arith.constant 0 : i32
      %dma_wait3A_994 = arith.constant 0 : i32
      %dma_wait3A_995 = tpu.memref_slice %arg6[%dma_wait3A_981, %dma_wait3A_993, %dma_wait3A_994] : memref<7x128x128xf32, #tpu.memory_space<vmem>> -> memref<1x128x128xf32, #tpu.memory_space<vmem>>
      %dma_wait3A_996 = tpu.memref_squeeze %dma_wait3A_995 : memref<1x128x128xf32, #tpu.memory_space<vmem>> -> memref<128x128xf32, #tpu.memory_space<vmem>>
      tpu.wait_dma2 semaphore(%dma_wait3A_990 : memref<!tpu.dma_semaphore, #tpu.memory_space<semaphore_mem>>) src(%dma_wait3A_996 : memref<128x128xf32, #tpu.memory_space<vmem>>) dst(%dma_wait3A_992 : memref<128x128xf32, #tpu.memory_space<hbm>>)
      %add3A_997 = arith.constant 5 : i32
      %add3A_998 = arith.addi %add3A_941, %add3A_997 : i32
      %mul3A_999 = arith.constant 128 : i32
      %mul3A_1000 = arith.muli %add3A_998, %mul3A_999 : i32
      %dma_start3A_1001 = arith.constant 5 : i32
      %dma_start3A_1002 = arith.constant 5 : i32
      %dma_start3A_1003 = arith.constant 0 : i32
      %dma_start3A_1004 = arith.constant 0 : i32
      %dma_start3A_1005 = tpu.memref_slice %arg6[%dma_start3A_1001, %dma_start3A_1003, %dma_start3A_1004] : memref<7x128x128xf32, #tpu.memory_space<vmem>> -> memref<1x128x128xf32, #tpu.memory_space<vmem>>
      %dma_start3A_1006 = tpu.memref_squeeze %dma_start3A_1005 : memref<1x128x128xf32, #tpu.memory_space<vmem>> -> memref<128x128xf32, #tpu.memory_space<vmem>>
      %dma_start3A_1007 = tpu.memref_slice %arg5[%mul3A_1000] : memref<6400xi32, #tpu.memory_space<vmem>> -> memref<128xi32, #tpu.memory_space<vmem>>
      %dma_start3A_1008 = arith.constant 0 : i32
      %dma_start3A_1009 = arith.constant 0 : i32
      %dma_start3A_1010 = tpu.memref_slice %arg3[%dma_start3A_1008, %dma_start3A_1009] : memref<100000x128xf32, #tpu.memory_space<hbm>> -> memref<100000x128xf32, #tpu.memory_space<hbm>>
      %dma_start3A_1011 = tpu.memref_slice %arg7[%dma_start3A_1002] : memref<7x!tpu.dma_semaphore, #tpu.memory_space<semaphore_mem>> -> memref<1x!tpu.dma_semaphore, #tpu.memory_space<semaphore_mem>>
      %dma_start3A_1012 = tpu.memref_squeeze %dma_start3A_1011 : memref<1x!tpu.dma_semaphore, #tpu.memory_space<semaphore_mem>> -> memref<!tpu.dma_semaphore, #tpu.memory_space<semaphore_mem>>
      tpu.enqueue_indirect_dma source(%dma_start3A_1010 : memref<100000x128xf32, #tpu.memory_space<hbm>>) target(%dma_start3A_1006 : memref<128x128xf32, #tpu.memory_space<vmem>>) offsets(%dma_start3A_1007 : memref<128xi32, #tpu.memory_space<vmem>>) semaphore(%dma_start3A_1012 : memref<!tpu.dma_semaphore, #tpu.memory_space<semaphore_mem>>)
      %add3A_1013 = arith.constant 1 : i32
      %add3A_1014 = arith.addi %add3A_939, %add3A_1013 : i32
      %mul3A_1015 = arith.constant 128 : i32
      %mul3A_1016 = arith.muli %add3A_1014, %mul3A_1015 : i32
      %dma_wait3A_1017 = arith.constant 1 : i32
      %dma_wait3A_1018 = arith.constant 1 : i32
      %dma_wait3A_1019 = arith.constant 0 : i32
      %dma_wait3A_1020 = arith.constant 0 : i32
      %dma_wait3A_1021 = tpu.memref_slice %arg6[%dma_wait3A_1017, %dma_wait3A_1019, %dma_wait3A_1020] : memref<7x128x128xf32, #tpu.memory_space<vmem>> -> memref<1x128x128xf32, #tpu.memory_space<vmem>>
      %dma_wait3A_1022 = tpu.memref_squeeze %dma_wait3A_1021 : memref<1x128x128xf32, #tpu.memory_space<vmem>> -> memref<128x128xf32, #tpu.memory_space<vmem>>
      %dma_wait3A_1023 = tpu.memref_slice %arg5[%mul3A_1016] : memref<6400xi32, #tpu.memory_space<vmem>> -> memref<128xi32, #tpu.memory_space<vmem>>
      %dma_wait3A_1024 = arith.constant 0 : i32
      %dma_wait3A_1025 = arith.constant 0 : i32
      %dma_wait3A_1026 = tpu.memref_slice %arg3[%dma_wait3A_1024, %dma_wait3A_1025] : memref<100000x128xf32, #tpu.memory_space<hbm>> -> memref<100000x128xf32, #tpu.memory_space<hbm>>
      %dma_wait3A_1027 = tpu.memref_slice %arg7[%dma_wait3A_1018] : memref<7x!tpu.dma_semaphore, #tpu.memory_space<semaphore_mem>> -> memref<1x!tpu.dma_semaphore, #tpu.memory_space<semaphore_mem>>
      %dma_wait3A_1028 = tpu.memref_squeeze %dma_wait3A_1027 : memref<1x!tpu.dma_semaphore, #tpu.memory_space<semaphore_mem>> -> memref<!tpu.dma_semaphore, #tpu.memory_space<semaphore_mem>>
      tpu.wait_indirect_dma semaphore(%dma_wait3A_1028 : memref<!tpu.dma_semaphore, #tpu.memory_space<semaphore_mem>>) src(%dma_wait3A_1026 : memref<100000x128xf32, #tpu.memory_space<hbm>>) dst(%dma_wait3A_1022 : memref<128x128xf32, #tpu.memory_space<vmem>>)
      %mul3A_1029 = arith.constant 128 : i32
      %mul3A_1030 = arith.muli %add3A_1014, %mul3A_1029 : i32
      %add3A_1031 = arith.addi %mul3A_2, %mul3A_1030 : i32
      %dma_start3A_1032 = arith.constant 1 : i32
      %dma_start3A_1033 = arith.constant 1 : i32
      %dma_start3A_1034 = arith.constant 0 : i32
      %dma_start3A_1035 = arith.constant 0 : i32
      %dma_start3A_1036 = tpu.memref_slice %arg6[%dma_start3A_1032, %dma_start3A_1034, %dma_start3A_1035] : memref<7x128x128xf32, #tpu.memory_space<vmem>> -> memref<1x128x128xf32, #tpu.memory_space<vmem>>
      %dma_start3A_1037 = tpu.memref_squeeze %dma_start3A_1036 : memref<1x128x128xf32, #tpu.memory_space<vmem>> -> memref<128x128xf32, #tpu.memory_space<vmem>>
      %dma_start3A_1038 = arith.constant 0 : i32
      %dma_start3A_1039 = tpu.memref_slice %arg4[%add3A_1031, %dma_start3A_1038] : memref<204800x128xf32, #tpu.memory_space<hbm>> -> memref<128x128xf32, #tpu.memory_space<hbm>>
      %dma_start3A_1040 = tpu.memref_slice %arg8[%dma_start3A_1033] : memref<7x!tpu.dma_semaphore, #tpu.memory_space<semaphore_mem>> -> memref<1x!tpu.dma_semaphore, #tpu.memory_space<semaphore_mem>>
      %dma_start3A_1041 = tpu.memref_squeeze %dma_start3A_1040 : memref<1x!tpu.dma_semaphore, #tpu.memory_space<semaphore_mem>> -> memref<!tpu.dma_semaphore, #tpu.memory_space<semaphore_mem>>
      %dma_start3A_1042 = arith.constant 0 : i32
      %dma_start3A_1043 = tpu.memref_slice %arg4[%add3A_1031, %dma_start3A_1042] : memref<204800x128xf32, #tpu.memory_space<hbm>> -> memref<128x128xf32, #tpu.memory_space<hbm>>
      %dma_start3A_1044 = arith.constant 0 : i32
      %dma_start3A_1045 = arith.constant 0 : i32
      %dma_start3A_1046 = tpu.memref_slice %arg6[%dma_start3A_1032, %dma_start3A_1044, %dma_start3A_1045] : memref<7x128x128xf32, #tpu.memory_space<vmem>> -> memref<1x128x128xf32, #tpu.memory_space<vmem>>
      %dma_start3A_1047 = tpu.memref_squeeze %dma_start3A_1046 : memref<1x128x128xf32, #tpu.memory_space<vmem>> -> memref<128x128xf32, #tpu.memory_space<vmem>>
      tpu.enqueue_dma source(%dma_start3A_1047 : memref<128x128xf32, #tpu.memory_space<vmem>>) target(%dma_start3A_1043 : memref<128x128xf32, #tpu.memory_space<hbm>>) target_semaphore(%dma_start3A_1041 : memref<!tpu.dma_semaphore, #tpu.memory_space<semaphore_mem>>)
      %add3A_1048 = arith.constant 5 : i32
      %add3A_1049 = arith.addi %add3A_1014, %add3A_1048 : i32
      %sub3A_1050 = arith.constant 7 : i32
      %sub3A_1051 = arith.subi %add3A_1049, %sub3A_1050 : i32
      %mul3A_1052 = arith.constant 128 : i32
      %mul3A_1053 = arith.muli %sub3A_1051, %mul3A_1052 : i32
      %add3A_1054 = arith.addi %mul3A_2, %mul3A_1053 : i32
      %dma_wait3A_1055 = arith.constant 6 : i32
      %dma_wait3A_1056 = arith.constant 6 : i32
      %dma_wait3A_1057 = arith.constant 0 : i32
      %dma_wait3A_1058 = arith.constant 0 : i32
      %dma_wait3A_1059 = tpu.memref_slice %arg6[%dma_wait3A_1055, %dma_wait3A_1057, %dma_wait3A_1058] : memref<7x128x128xf32, #tpu.memory_space<vmem>> -> memref<1x128x128xf32, #tpu.memory_space<vmem>>
      %dma_wait3A_1060 = tpu.memref_squeeze %dma_wait3A_1059 : memref<1x128x128xf32, #tpu.memory_space<vmem>> -> memref<128x128xf32, #tpu.memory_space<vmem>>
      %dma_wait3A_1061 = arith.constant 0 : i32
      %dma_wait3A_1062 = tpu.memref_slice %arg4[%add3A_1054, %dma_wait3A_1061] : memref<204800x128xf32, #tpu.memory_space<hbm>> -> memref<128x128xf32, #tpu.memory_space<hbm>>
      %dma_wait3A_1063 = tpu.memref_slice %arg8[%dma_wait3A_1056] : memref<7x!tpu.dma_semaphore, #tpu.memory_space<semaphore_mem>> -> memref<1x!tpu.dma_semaphore, #tpu.memory_space<semaphore_mem>>
      %dma_wait3A_1064 = tpu.memref_squeeze %dma_wait3A_1063 : memref<1x!tpu.dma_semaphore, #tpu.memory_space<semaphore_mem>> -> memref<!tpu.dma_semaphore, #tpu.memory_space<semaphore_mem>>
      %dma_wait3A_1065 = arith.constant 0 : i32
      %dma_wait3A_1066 = tpu.memref_slice %arg4[%add3A_1054, %dma_wait3A_1065] : memref<204800x128xf32, #tpu.memory_space<hbm>> -> memref<128x128xf32, #tpu.memory_space<hbm>>
      %dma_wait3A_1067 = arith.constant 0 : i32
      %dma_wait3A_1068 = arith.constant 0 : i32
      %dma_wait3A_1069 = tpu.memref_slice %arg6[%dma_wait3A_1055, %dma_wait3A_1067, %dma_wait3A_1068] : memref<7x128x128xf32, #tpu.memory_space<vmem>> -> memref<1x128x128xf32, #tpu.memory_space<vmem>>
      %dma_wait3A_1070 = tpu.memref_squeeze %dma_wait3A_1069 : memref<1x128x128xf32, #tpu.memory_space<vmem>> -> memref<128x128xf32, #tpu.memory_space<vmem>>
      tpu.wait_dma2 semaphore(%dma_wait3A_1064 : memref<!tpu.dma_semaphore, #tpu.memory_space<semaphore_mem>>) src(%dma_wait3A_1070 : memref<128x128xf32, #tpu.memory_space<vmem>>) dst(%dma_wait3A_1066 : memref<128x128xf32, #tpu.memory_space<hbm>>)
      %add3A_1071 = arith.constant 5 : i32
      %add3A_1072 = arith.addi %add3A_1014, %add3A_1071 : i32
      %mul3A_1073 = arith.constant 128 : i32
      %mul3A_1074 = arith.muli %add3A_1072, %mul3A_1073 : i32
      %dma_start3A_1075 = arith.constant 6 : i32
      %dma_start3A_1076 = arith.constant 6 : i32
      %dma_start3A_1077 = arith.constant 0 : i32
      %dma_start3A_1078 = arith.constant 0 : i32
      %dma_start3A_1079 = tpu.memref_slice %arg6[%dma_start3A_1075, %dma_start3A_1077, %dma_start3A_1078] : memref<7x128x128xf32, #tpu.memory_space<vmem>> -> memref<1x128x128xf32, #tpu.memory_space<vmem>>
      %dma_start3A_1080 = tpu.memref_squeeze %dma_start3A_1079 : memref<1x128x128xf32, #tpu.memory_space<vmem>> -> memref<128x128xf32, #tpu.memory_space<vmem>>
      %dma_start3A_1081 = tpu.memref_slice %arg5[%mul3A_1074] : memref<6400xi32, #tpu.memory_space<vmem>> -> memref<128xi32, #tpu.memory_space<vmem>>
      %dma_start3A_1082 = arith.constant 0 : i32
      %dma_start3A_1083 = arith.constant 0 : i32
      %dma_start3A_1084 = tpu.memref_slice %arg3[%dma_start3A_1082, %dma_start3A_1083] : memref<100000x128xf32, #tpu.memory_space<hbm>> -> memref<100000x128xf32, #tpu.memory_space<hbm>>
      %dma_start3A_1085 = tpu.memref_slice %arg7[%dma_start3A_1076] : memref<7x!tpu.dma_semaphore, #tpu.memory_space<semaphore_mem>> -> memref<1x!tpu.dma_semaphore, #tpu.memory_space<semaphore_mem>>
      %dma_start3A_1086 = tpu.memref_squeeze %dma_start3A_1085 : memref<1x!tpu.dma_semaphore, #tpu.memory_space<semaphore_mem>> -> memref<!tpu.dma_semaphore, #tpu.memory_space<semaphore_mem>>
      tpu.enqueue_indirect_dma source(%dma_start3A_1084 : memref<100000x128xf32, #tpu.memory_space<hbm>>) target(%dma_start3A_1080 : memref<128x128xf32, #tpu.memory_space<vmem>>) offsets(%dma_start3A_1081 : memref<128xi32, #tpu.memory_space<vmem>>) semaphore(%dma_start3A_1086 : memref<!tpu.dma_semaphore, #tpu.memory_space<semaphore_mem>>)
      %add3A_1087 = arith.constant 2 : i32
      %add3A_1088 = arith.addi %add3A_939, %add3A_1087 : i32
      %mul3A_1089 = arith.constant 128 : i32
      %mul3A_1090 = arith.muli %add3A_1088, %mul3A_1089 : i32
      %dma_wait3A_1091 = arith.constant 2 : i32
      %dma_wait3A_1092 = arith.constant 2 : i32
      %dma_wait3A_1093 = arith.constant 0 : i32
      %dma_wait3A_1094 = arith.constant 0 : i32
      %dma_wait3A_1095 = tpu.memref_slice %arg6[%dma_wait3A_1091, %dma_wait3A_1093, %dma_wait3A_1094] : memref<7x128x128xf32, #tpu.memory_space<vmem>> -> memref<1x128x128xf32, #tpu.memory_space<vmem>>
      %dma_wait3A_1096 = tpu.memref_squeeze %dma_wait3A_1095 : memref<1x128x128xf32, #tpu.memory_space<vmem>> -> memref<128x128xf32, #tpu.memory_space<vmem>>
      %dma_wait3A_1097 = tpu.memref_slice %arg5[%mul3A_1090] : memref<6400xi32, #tpu.memory_space<vmem>> -> memref<128xi32, #tpu.memory_space<vmem>>
      %dma_wait3A_1098 = arith.constant 0 : i32
      %dma_wait3A_1099 = arith.constant 0 : i32
      %dma_wait3A_1100 = tpu.memref_slice %arg3[%dma_wait3A_1098, %dma_wait3A_1099] : memref<100000x128xf32, #tpu.memory_space<hbm>> -> memref<100000x128xf32, #tpu.memory_space<hbm>>
      %dma_wait3A_1101 = tpu.memref_slice %arg7[%dma_wait3A_1092] : memref<7x!tpu.dma_semaphore, #tpu.memory_space<semaphore_mem>> -> memref<1x!tpu.dma_semaphore, #tpu.memory_space<semaphore_mem>>
      %dma_wait3A_1102 = tpu.memref_squeeze %dma_wait3A_1101 : memref<1x!tpu.dma_semaphore, #tpu.memory_space<semaphore_mem>> -> memref<!tpu.dma_semaphore, #tpu.memory_space<semaphore_mem>>
      tpu.wait_indirect_dma semaphore(%dma_wait3A_1102 : memref<!tpu.dma_semaphore, #tpu.memory_space<semaphore_mem>>) src(%dma_wait3A_1100 : memref<100000x128xf32, #tpu.memory_space<hbm>>) dst(%dma_wait3A_1096 : memref<128x128xf32, #tpu.memory_space<vmem>>)
      %mul3A_1103 = arith.constant 128 : i32
      %mul3A_1104 = arith.muli %add3A_1088, %mul3A_1103 : i32
      %add3A_1105 = arith.addi %mul3A_2, %mul3A_1104 : i32
      %dma_start3A_1106 = arith.constant 2 : i32
      %dma_start3A_1107 = arith.constant 2 : i32
      %dma_start3A_1108 = arith.constant 0 : i32
      %dma_start3A_1109 = arith.constant 0 : i32
      %dma_start3A_1110 = tpu.memref_slice %arg6[%dma_start3A_1106, %dma_start3A_1108, %dma_start3A_1109] : memref<7x128x128xf32, #tpu.memory_space<vmem>> -> memref<1x128x128xf32, #tpu.memory_space<vmem>>
      %dma_start3A_1111 = tpu.memref_squeeze %dma_start3A_1110 : memref<1x128x128xf32, #tpu.memory_space<vmem>> -> memref<128x128xf32, #tpu.memory_space<vmem>>
      %dma_start3A_1112 = arith.constant 0 : i32
      %dma_start3A_1113 = tpu.memref_slice %arg4[%add3A_1105, %dma_start3A_1112] : memref<204800x128xf32, #tpu.memory_space<hbm>> -> memref<128x128xf32, #tpu.memory_space<hbm>>
      %dma_start3A_1114 = tpu.memref_slice %arg8[%dma_start3A_1107] : memref<7x!tpu.dma_semaphore, #tpu.memory_space<semaphore_mem>> -> memref<1x!tpu.dma_semaphore, #tpu.memory_space<semaphore_mem>>
      %dma_start3A_1115 = tpu.memref_squeeze %dma_start3A_1114 : memref<1x!tpu.dma_semaphore, #tpu.memory_space<semaphore_mem>> -> memref<!tpu.dma_semaphore, #tpu.memory_space<semaphore_mem>>
      %dma_start3A_1116 = arith.constant 0 : i32
      %dma_start3A_1117 = tpu.memref_slice %arg4[%add3A_1105, %dma_start3A_1116] : memref<204800x128xf32, #tpu.memory_space<hbm>> -> memref<128x128xf32, #tpu.memory_space<hbm>>
      %dma_start3A_1118 = arith.constant 0 : i32
      %dma_start3A_1119 = arith.constant 0 : i32
      %dma_start3A_1120 = tpu.memref_slice %arg6[%dma_start3A_1106, %dma_start3A_1118, %dma_start3A_1119] : memref<7x128x128xf32, #tpu.memory_space<vmem>> -> memref<1x128x128xf32, #tpu.memory_space<vmem>>
      %dma_start3A_1121 = tpu.memref_squeeze %dma_start3A_1120 : memref<1x128x128xf32, #tpu.memory_space<vmem>> -> memref<128x128xf32, #tpu.memory_space<vmem>>
      tpu.enqueue_dma source(%dma_start3A_1121 : memref<128x128xf32, #tpu.memory_space<vmem>>) target(%dma_start3A_1117 : memref<128x128xf32, #tpu.memory_space<hbm>>) target_semaphore(%dma_start3A_1115 : memref<!tpu.dma_semaphore, #tpu.memory_space<semaphore_mem>>)
      %add3A_1122 = arith.constant 5 : i32
      %add3A_1123 = arith.addi %add3A_1088, %add3A_1122 : i32
      %sub3A_1124 = arith.constant 7 : i32
      %sub3A_1125 = arith.subi %add3A_1123, %sub3A_1124 : i32
      %mul3A_1126 = arith.constant 128 : i32
      %mul3A_1127 = arith.muli %sub3A_1125, %mul3A_1126 : i32
      %add3A_1128 = arith.addi %mul3A_2, %mul3A_1127 : i32
      %dma_wait3A_1129 = arith.constant 0 : i32
      %dma_wait3A_1130 = arith.constant 0 : i32
      %dma_wait3A_1131 = arith.constant 0 : i32
      %dma_wait3A_1132 = arith.constant 0 : i32
      %dma_wait3A_1133 = tpu.memref_slice %arg6[%dma_wait3A_1129, %dma_wait3A_1131, %dma_wait3A_1132] : memref<7x128x128xf32, #tpu.memory_space<vmem>> -> memref<1x128x128xf32, #tpu.memory_space<vmem>>
      %dma_wait3A_1134 = tpu.memref_squeeze %dma_wait3A_1133 : memref<1x128x128xf32, #tpu.memory_space<vmem>> -> memref<128x128xf32, #tpu.memory_space<vmem>>
      %dma_wait3A_1135 = arith.constant 0 : i32
      %dma_wait3A_1136 = tpu.memref_slice %arg4[%add3A_1128, %dma_wait3A_1135] : memref<204800x128xf32, #tpu.memory_space<hbm>> -> memref<128x128xf32, #tpu.memory_space<hbm>>
      %dma_wait3A_1137 = tpu.memref_slice %arg8[%dma_wait3A_1130] : memref<7x!tpu.dma_semaphore, #tpu.memory_space<semaphore_mem>> -> memref<1x!tpu.dma_semaphore, #tpu.memory_space<semaphore_mem>>
      %dma_wait3A_1138 = tpu.memref_squeeze %dma_wait3A_1137 : memref<1x!tpu.dma_semaphore, #tpu.memory_space<semaphore_mem>> -> memref<!tpu.dma_semaphore, #tpu.memory_space<semaphore_mem>>
      %dma_wait3A_1139 = arith.constant 0 : i32
      %dma_wait3A_1140 = tpu.memref_slice %arg4[%add3A_1128, %dma_wait3A_1139] : memref<204800x128xf32, #tpu.memory_space<hbm>> -> memref<128x128xf32, #tpu.memory_space<hbm>>
      %dma_wait3A_1141 = arith.constant 0 : i32
      %dma_wait3A_1142 = arith.constant 0 : i32
      %dma_wait3A_1143 = tpu.memref_slice %arg6[%dma_wait3A_1129, %dma_wait3A_1141, %dma_wait3A_1142] : memref<7x128x128xf32, #tpu.memory_space<vmem>> -> memref<1x128x128xf32, #tpu.memory_space<vmem>>
      %dma_wait3A_1144 = tpu.memref_squeeze %dma_wait3A_1143 : memref<1x128x128xf32, #tpu.memory_space<vmem>> -> memref<128x128xf32, #tpu.memory_space<vmem>>
      tpu.wait_dma2 semaphore(%dma_wait3A_1138 : memref<!tpu.dma_semaphore, #tpu.memory_space<semaphore_mem>>) src(%dma_wait3A_1144 : memref<128x128xf32, #tpu.memory_space<vmem>>) dst(%dma_wait3A_1140 : memref<128x128xf32, #tpu.memory_space<hbm>>)
      %add3A_1145 = arith.constant 5 : i32
      %add3A_1146 = arith.addi %add3A_1088, %add3A_1145 : i32
      %mul3A_1147 = arith.constant 128 : i32
      %mul3A_1148 = arith.muli %add3A_1146, %mul3A_1147 : i32
      %dma_start3A_1149 = arith.constant 0 : i32
      %dma_start3A_1150 = arith.constant 0 : i32
      %dma_start3A_1151 = arith.constant 0 : i32
      %dma_start3A_1152 = arith.constant 0 : i32
      %dma_start3A_1153 = tpu.memref_slice %arg6[%dma_start3A_1149, %dma_start3A_1151, %dma_start3A_1152] : memref<7x128x128xf32, #tpu.memory_space<vmem>> -> memref<1x128x128xf32, #tpu.memory_space<vmem>>
      %dma_start3A_1154 = tpu.memref_squeeze %dma_start3A_1153 : memref<1x128x128xf32, #tpu.memory_space<vmem>> -> memref<128x128xf32, #tpu.memory_space<vmem>>
      %dma_start3A_1155 = tpu.memref_slice %arg5[%mul3A_1148] : memref<6400xi32, #tpu.memory_space<vmem>> -> memref<128xi32, #tpu.memory_space<vmem>>
      %dma_start3A_1156 = arith.constant 0 : i32
      %dma_start3A_1157 = arith.constant 0 : i32
      %dma_start3A_1158 = tpu.memref_slice %arg3[%dma_start3A_1156, %dma_start3A_1157] : memref<100000x128xf32, #tpu.memory_space<hbm>> -> memref<100000x128xf32, #tpu.memory_space<hbm>>
      %dma_start3A_1159 = tpu.memref_slice %arg7[%dma_start3A_1150] : memref<7x!tpu.dma_semaphore, #tpu.memory_space<semaphore_mem>> -> memref<1x!tpu.dma_semaphore, #tpu.memory_space<semaphore_mem>>
      %dma_start3A_1160 = tpu.memref_squeeze %dma_start3A_1159 : memref<1x!tpu.dma_semaphore, #tpu.memory_space<semaphore_mem>> -> memref<!tpu.dma_semaphore, #tpu.memory_space<semaphore_mem>>
      tpu.enqueue_indirect_dma source(%dma_start3A_1158 : memref<100000x128xf32, #tpu.memory_space<hbm>>) target(%dma_start3A_1154 : memref<128x128xf32, #tpu.memory_space<vmem>>) offsets(%dma_start3A_1155 : memref<128xi32, #tpu.memory_space<vmem>>) semaphore(%dma_start3A_1160 : memref<!tpu.dma_semaphore, #tpu.memory_space<semaphore_mem>>)
      %add3A_1161 = arith.constant 3 : i32
      %add3A_1162 = arith.addi %add3A_939, %add3A_1161 : i32
      %mul3A_1163 = arith.constant 128 : i32
      %mul3A_1164 = arith.muli %add3A_1162, %mul3A_1163 : i32
      %dma_wait3A_1165 = arith.constant 3 : i32
      %dma_wait3A_1166 = arith.constant 3 : i32
      %dma_wait3A_1167 = arith.constant 0 : i32
      %dma_wait3A_1168 = arith.constant 0 : i32
      %dma_wait3A_1169 = tpu.memref_slice %arg6[%dma_wait3A_1165, %dma_wait3A_1167, %dma_wait3A_1168] : memref<7x128x128xf32, #tpu.memory_space<vmem>> -> memref<1x128x128xf32, #tpu.memory_space<vmem>>
      %dma_wait3A_1170 = tpu.memref_squeeze %dma_wait3A_1169 : memref<1x128x128xf32, #tpu.memory_space<vmem>> -> memref<128x128xf32, #tpu.memory_space<vmem>>
      %dma_wait3A_1171 = tpu.memref_slice %arg5[%mul3A_1164] : memref<6400xi32, #tpu.memory_space<vmem>> -> memref<128xi32, #tpu.memory_space<vmem>>
      %dma_wait3A_1172 = arith.constant 0 : i32
      %dma_wait3A_1173 = arith.constant 0 : i32
      %dma_wait3A_1174 = tpu.memref_slice %arg3[%dma_wait3A_1172, %dma_wait3A_1173] : memref<100000x128xf32, #tpu.memory_space<hbm>> -> memref<100000x128xf32, #tpu.memory_space<hbm>>
      %dma_wait3A_1175 = tpu.memref_slice %arg7[%dma_wait3A_1166] : memref<7x!tpu.dma_semaphore, #tpu.memory_space<semaphore_mem>> -> memref<1x!tpu.dma_semaphore, #tpu.memory_space<semaphore_mem>>
      %dma_wait3A_1176 = tpu.memref_squeeze %dma_wait3A_1175 : memref<1x!tpu.dma_semaphore, #tpu.memory_space<semaphore_mem>> -> memref<!tpu.dma_semaphore, #tpu.memory_space<semaphore_mem>>
      tpu.wait_indirect_dma semaphore(%dma_wait3A_1176 : memref<!tpu.dma_semaphore, #tpu.memory_space<semaphore_mem>>) src(%dma_wait3A_1174 : memref<100000x128xf32, #tpu.memory_space<hbm>>) dst(%dma_wait3A_1170 : memref<128x128xf32, #tpu.memory_space<vmem>>)
      %mul3A_1177 = arith.constant 128 : i32
      %mul3A_1178 = arith.muli %add3A_1162, %mul3A_1177 : i32
      %add3A_1179 = arith.addi %mul3A_2, %mul3A_1178 : i32
      %dma_start3A_1180 = arith.constant 3 : i32
      %dma_start3A_1181 = arith.constant 3 : i32
      %dma_start3A_1182 = arith.constant 0 : i32
      %dma_start3A_1183 = arith.constant 0 : i32
      %dma_start3A_1184 = tpu.memref_slice %arg6[%dma_start3A_1180, %dma_start3A_1182, %dma_start3A_1183] : memref<7x128x128xf32, #tpu.memory_space<vmem>> -> memref<1x128x128xf32, #tpu.memory_space<vmem>>
      %dma_start3A_1185 = tpu.memref_squeeze %dma_start3A_1184 : memref<1x128x128xf32, #tpu.memory_space<vmem>> -> memref<128x128xf32, #tpu.memory_space<vmem>>
      %dma_start3A_1186 = arith.constant 0 : i32
      %dma_start3A_1187 = tpu.memref_slice %arg4[%add3A_1179, %dma_start3A_1186] : memref<204800x128xf32, #tpu.memory_space<hbm>> -> memref<128x128xf32, #tpu.memory_space<hbm>>
      %dma_start3A_1188 = tpu.memref_slice %arg8[%dma_start3A_1181] : memref<7x!tpu.dma_semaphore, #tpu.memory_space<semaphore_mem>> -> memref<1x!tpu.dma_semaphore, #tpu.memory_space<semaphore_mem>>
      %dma_start3A_1189 = tpu.memref_squeeze %dma_start3A_1188 : memref<1x!tpu.dma_semaphore, #tpu.memory_space<semaphore_mem>> -> memref<!tpu.dma_semaphore, #tpu.memory_space<semaphore_mem>>
      %dma_start3A_1190 = arith.constant 0 : i32
      %dma_start3A_1191 = tpu.memref_slice %arg4[%add3A_1179, %dma_start3A_1190] : memref<204800x128xf32, #tpu.memory_space<hbm>> -> memref<128x128xf32, #tpu.memory_space<hbm>>
      %dma_start3A_1192 = arith.constant 0 : i32
      %dma_start3A_1193 = arith.constant 0 : i32
      %dma_start3A_1194 = tpu.memref_slice %arg6[%dma_start3A_1180, %dma_start3A_1192, %dma_start3A_1193] : memref<7x128x128xf32, #tpu.memory_space<vmem>> -> memref<1x128x128xf32, #tpu.memory_space<vmem>>
      %dma_start3A_1195 = tpu.memref_squeeze %dma_start3A_1194 : memref<1x128x128xf32, #tpu.memory_space<vmem>> -> memref<128x128xf32, #tpu.memory_space<vmem>>
      tpu.enqueue_dma source(%dma_start3A_1195 : memref<128x128xf32, #tpu.memory_space<vmem>>) target(%dma_start3A_1191 : memref<128x128xf32, #tpu.memory_space<hbm>>) target_semaphore(%dma_start3A_1189 : memref<!tpu.dma_semaphore, #tpu.memory_space<semaphore_mem>>)
      %add3A_1196 = arith.constant 5 : i32
      %add3A_1197 = arith.addi %add3A_1162, %add3A_1196 : i32
      %sub3A_1198 = arith.constant 7 : i32
      %sub3A_1199 = arith.subi %add3A_1197, %sub3A_1198 : i32
      %mul3A_1200 = arith.constant 128 : i32
      %mul3A_1201 = arith.muli %sub3A_1199, %mul3A_1200 : i32
      %add3A_1202 = arith.addi %mul3A_2, %mul3A_1201 : i32
      %dma_wait3A_1203 = arith.constant 1 : i32
      %dma_wait3A_1204 = arith.constant 1 : i32
      %dma_wait3A_1205 = arith.constant 0 : i32
      %dma_wait3A_1206 = arith.constant 0 : i32
      %dma_wait3A_1207 = tpu.memref_slice %arg6[%dma_wait3A_1203, %dma_wait3A_1205, %dma_wait3A_1206] : memref<7x128x128xf32, #tpu.memory_space<vmem>> -> memref<1x128x128xf32, #tpu.memory_space<vmem>>
      %dma_wait3A_1208 = tpu.memref_squeeze %dma_wait3A_1207 : memref<1x128x128xf32, #tpu.memory_space<vmem>> -> memref<128x128xf32, #tpu.memory_space<vmem>>
      %dma_wait3A_1209 = arith.constant 0 : i32
      %dma_wait3A_1210 = tpu.memref_slice %arg4[%add3A_1202, %dma_wait3A_1209] : memref<204800x128xf32, #tpu.memory_space<hbm>> -> memref<128x128xf32, #tpu.memory_space<hbm>>
      %dma_wait3A_1211 = tpu.memref_slice %arg8[%dma_wait3A_1204] : memref<7x!tpu.dma_semaphore, #tpu.memory_space<semaphore_mem>> -> memref<1x!tpu.dma_semaphore, #tpu.memory_space<semaphore_mem>>
      %dma_wait3A_1212 = tpu.memref_squeeze %dma_wait3A_1211 : memref<1x!tpu.dma_semaphore, #tpu.memory_space<semaphore_mem>> -> memref<!tpu.dma_semaphore, #tpu.memory_space<semaphore_mem>>
      %dma_wait3A_1213 = arith.constant 0 : i32
      %dma_wait3A_1214 = tpu.memref_slice %arg4[%add3A_1202, %dma_wait3A_1213] : memref<204800x128xf32, #tpu.memory_space<hbm>> -> memref<128x128xf32, #tpu.memory_space<hbm>>
      %dma_wait3A_1215 = arith.constant 0 : i32
      %dma_wait3A_1216 = arith.constant 0 : i32
      %dma_wait3A_1217 = tpu.memref_slice %arg6[%dma_wait3A_1203, %dma_wait3A_1215, %dma_wait3A_1216] : memref<7x128x128xf32, #tpu.memory_space<vmem>> -> memref<1x128x128xf32, #tpu.memory_space<vmem>>
      %dma_wait3A_1218 = tpu.memref_squeeze %dma_wait3A_1217 : memref<1x128x128xf32, #tpu.memory_space<vmem>> -> memref<128x128xf32, #tpu.memory_space<vmem>>
      tpu.wait_dma2 semaphore(%dma_wait3A_1212 : memref<!tpu.dma_semaphore, #tpu.memory_space<semaphore_mem>>) src(%dma_wait3A_1218 : memref<128x128xf32, #tpu.memory_space<vmem>>) dst(%dma_wait3A_1214 : memref<128x128xf32, #tpu.memory_space<hbm>>)
      %add3A_1219 = arith.constant 5 : i32
      %add3A_1220 = arith.addi %add3A_1162, %add3A_1219 : i32
      %mul3A_1221 = arith.constant 128 : i32
      %mul3A_1222 = arith.muli %add3A_1220, %mul3A_1221 : i32
      %dma_start3A_1223 = arith.constant 1 : i32
      %dma_start3A_1224 = arith.constant 1 : i32
      %dma_start3A_1225 = arith.constant 0 : i32
      %dma_start3A_1226 = arith.constant 0 : i32
      %dma_start3A_1227 = tpu.memref_slice %arg6[%dma_start3A_1223, %dma_start3A_1225, %dma_start3A_1226] : memref<7x128x128xf32, #tpu.memory_space<vmem>> -> memref<1x128x128xf32, #tpu.memory_space<vmem>>
      %dma_start3A_1228 = tpu.memref_squeeze %dma_start3A_1227 : memref<1x128x128xf32, #tpu.memory_space<vmem>> -> memref<128x128xf32, #tpu.memory_space<vmem>>
      %dma_start3A_1229 = tpu.memref_slice %arg5[%mul3A_1222] : memref<6400xi32, #tpu.memory_space<vmem>> -> memref<128xi32, #tpu.memory_space<vmem>>
      %dma_start3A_1230 = arith.constant 0 : i32
      %dma_start3A_1231 = arith.constant 0 : i32
      %dma_start3A_1232 = tpu.memref_slice %arg3[%dma_start3A_1230, %dma_start3A_1231] : memref<100000x128xf32, #tpu.memory_space<hbm>> -> memref<100000x128xf32, #tpu.memory_space<hbm>>
      %dma_start3A_1233 = tpu.memref_slice %arg7[%dma_start3A_1224] : memref<7x!tpu.dma_semaphore, #tpu.memory_space<semaphore_mem>> -> memref<1x!tpu.dma_semaphore, #tpu.memory_space<semaphore_mem>>
      %dma_start3A_1234 = tpu.memref_squeeze %dma_start3A_1233 : memref<1x!tpu.dma_semaphore, #tpu.memory_space<semaphore_mem>> -> memref<!tpu.dma_semaphore, #tpu.memory_space<semaphore_mem>>
      tpu.enqueue_indirect_dma source(%dma_start3A_1232 : memref<100000x128xf32, #tpu.memory_space<hbm>>) target(%dma_start3A_1228 : memref<128x128xf32, #tpu.memory_space<vmem>>) offsets(%dma_start3A_1229 : memref<128xi32, #tpu.memory_space<vmem>>) semaphore(%dma_start3A_1234 : memref<!tpu.dma_semaphore, #tpu.memory_space<semaphore_mem>>)
      %add3A_1235 = arith.constant 4 : i32
      %add3A_1236 = arith.addi %add3A_939, %add3A_1235 : i32
      %mul3A_1237 = arith.constant 128 : i32
      %mul3A_1238 = arith.muli %add3A_1236, %mul3A_1237 : i32
      %dma_wait3A_1239 = arith.constant 4 : i32
      %dma_wait3A_1240 = arith.constant 4 : i32
      %dma_wait3A_1241 = arith.constant 0 : i32
      %dma_wait3A_1242 = arith.constant 0 : i32
      %dma_wait3A_1243 = tpu.memref_slice %arg6[%dma_wait3A_1239, %dma_wait3A_1241, %dma_wait3A_1242] : memref<7x128x128xf32, #tpu.memory_space<vmem>> -> memref<1x128x128xf32, #tpu.memory_space<vmem>>
      %dma_wait3A_1244 = tpu.memref_squeeze %dma_wait3A_1243 : memref<1x128x128xf32, #tpu.memory_space<vmem>> -> memref<128x128xf32, #tpu.memory_space<vmem>>
      %dma_wait3A_1245 = tpu.memref_slice %arg5[%mul3A_1238] : memref<6400xi32, #tpu.memory_space<vmem>> -> memref<128xi32, #tpu.memory_space<vmem>>
      %dma_wait3A_1246 = arith.constant 0 : i32
      %dma_wait3A_1247 = arith.constant 0 : i32
      %dma_wait3A_1248 = tpu.memref_slice %arg3[%dma_wait3A_1246, %dma_wait3A_1247] : memref<100000x128xf32, #tpu.memory_space<hbm>> -> memref<100000x128xf32, #tpu.memory_space<hbm>>
      %dma_wait3A_1249 = tpu.memref_slice %arg7[%dma_wait3A_1240] : memref<7x!tpu.dma_semaphore, #tpu.memory_space<semaphore_mem>> -> memref<1x!tpu.dma_semaphore, #tpu.memory_space<semaphore_mem>>
      %dma_wait3A_1250 = tpu.memref_squeeze %dma_wait3A_1249 : memref<1x!tpu.dma_semaphore, #tpu.memory_space<semaphore_mem>> -> memref<!tpu.dma_semaphore, #tpu.memory_space<semaphore_mem>>
      tpu.wait_indirect_dma semaphore(%dma_wait3A_1250 : memref<!tpu.dma_semaphore, #tpu.memory_space<semaphore_mem>>) src(%dma_wait3A_1248 : memref<100000x128xf32, #tpu.memory_space<hbm>>) dst(%dma_wait3A_1244 : memref<128x128xf32, #tpu.memory_space<vmem>>)
      %mul3A_1251 = arith.constant 128 : i32
      %mul3A_1252 = arith.muli %add3A_1236, %mul3A_1251 : i32
      %add3A_1253 = arith.addi %mul3A_2, %mul3A_1252 : i32
      %dma_start3A_1254 = arith.constant 4 : i32
      %dma_start3A_1255 = arith.constant 4 : i32
      %dma_start3A_1256 = arith.constant 0 : i32
      %dma_start3A_1257 = arith.constant 0 : i32
      %dma_start3A_1258 = tpu.memref_slice %arg6[%dma_start3A_1254, %dma_start3A_1256, %dma_start3A_1257] : memref<7x128x128xf32, #tpu.memory_space<vmem>> -> memref<1x128x128xf32, #tpu.memory_space<vmem>>
      %dma_start3A_1259 = tpu.memref_squeeze %dma_start3A_1258 : memref<1x128x128xf32, #tpu.memory_space<vmem>> -> memref<128x128xf32, #tpu.memory_space<vmem>>
      %dma_start3A_1260 = arith.constant 0 : i32
      %dma_start3A_1261 = tpu.memref_slice %arg4[%add3A_1253, %dma_start3A_1260] : memref<204800x128xf32, #tpu.memory_space<hbm>> -> memref<128x128xf32, #tpu.memory_space<hbm>>
      %dma_start3A_1262 = tpu.memref_slice %arg8[%dma_start3A_1255] : memref<7x!tpu.dma_semaphore, #tpu.memory_space<semaphore_mem>> -> memref<1x!tpu.dma_semaphore, #tpu.memory_space<semaphore_mem>>
      %dma_start3A_1263 = tpu.memref_squeeze %dma_start3A_1262 : memref<1x!tpu.dma_semaphore, #tpu.memory_space<semaphore_mem>> -> memref<!tpu.dma_semaphore, #tpu.memory_space<semaphore_mem>>
      %dma_start3A_1264 = arith.constant 0 : i32
      %dma_start3A_1265 = tpu.memref_slice %arg4[%add3A_1253, %dma_start3A_1264] : memref<204800x128xf32, #tpu.memory_space<hbm>> -> memref<128x128xf32, #tpu.memory_space<hbm>>
      %dma_start3A_1266 = arith.constant 0 : i32
      %dma_start3A_1267 = arith.constant 0 : i32
      %dma_start3A_1268 = tpu.memref_slice %arg6[%dma_start3A_1254, %dma_start3A_1266, %dma_start3A_1267] : memref<7x128x128xf32, #tpu.memory_space<vmem>> -> memref<1x128x128xf32, #tpu.memory_space<vmem>>
      %dma_start3A_1269 = tpu.memref_squeeze %dma_start3A_1268 : memref<1x128x128xf32, #tpu.memory_space<vmem>> -> memref<128x128xf32, #tpu.memory_space<vmem>>
      tpu.enqueue_dma source(%dma_start3A_1269 : memref<128x128xf32, #tpu.memory_space<vmem>>) target(%dma_start3A_1265 : memref<128x128xf32, #tpu.memory_space<hbm>>) target_semaphore(%dma_start3A_1263 : memref<!tpu.dma_semaphore, #tpu.memory_space<semaphore_mem>>)
      %add3A_1270 = arith.constant 5 : i32
      %add3A_1271 = arith.addi %add3A_1236, %add3A_1270 : i32
      %sub3A_1272 = arith.constant 7 : i32
      %sub3A_1273 = arith.subi %add3A_1271, %sub3A_1272 : i32
      %mul3A_1274 = arith.constant 128 : i32
      %mul3A_1275 = arith.muli %sub3A_1273, %mul3A_1274 : i32
      %add3A_1276 = arith.addi %mul3A_2, %mul3A_1275 : i32
      %dma_wait3A_1277 = arith.constant 2 : i32
      %dma_wait3A_1278 = arith.constant 2 : i32
      %dma_wait3A_1279 = arith.constant 0 : i32
      %dma_wait3A_1280 = arith.constant 0 : i32
      %dma_wait3A_1281 = tpu.memref_slice %arg6[%dma_wait3A_1277, %dma_wait3A_1279, %dma_wait3A_1280] : memref<7x128x128xf32, #tpu.memory_space<vmem>> -> memref<1x128x128xf32, #tpu.memory_space<vmem>>
      %dma_wait3A_1282 = tpu.memref_squeeze %dma_wait3A_1281 : memref<1x128x128xf32, #tpu.memory_space<vmem>> -> memref<128x128xf32, #tpu.memory_space<vmem>>
      %dma_wait3A_1283 = arith.constant 0 : i32
      %dma_wait3A_1284 = tpu.memref_slice %arg4[%add3A_1276, %dma_wait3A_1283] : memref<204800x128xf32, #tpu.memory_space<hbm>> -> memref<128x128xf32, #tpu.memory_space<hbm>>
      %dma_wait3A_1285 = tpu.memref_slice %arg8[%dma_wait3A_1278] : memref<7x!tpu.dma_semaphore, #tpu.memory_space<semaphore_mem>> -> memref<1x!tpu.dma_semaphore, #tpu.memory_space<semaphore_mem>>
      %dma_wait3A_1286 = tpu.memref_squeeze %dma_wait3A_1285 : memref<1x!tpu.dma_semaphore, #tpu.memory_space<semaphore_mem>> -> memref<!tpu.dma_semaphore, #tpu.memory_space<semaphore_mem>>
      %dma_wait3A_1287 = arith.constant 0 : i32
      %dma_wait3A_1288 = tpu.memref_slice %arg4[%add3A_1276, %dma_wait3A_1287] : memref<204800x128xf32, #tpu.memory_space<hbm>> -> memref<128x128xf32, #tpu.memory_space<hbm>>
      %dma_wait3A_1289 = arith.constant 0 : i32
      %dma_wait3A_1290 = arith.constant 0 : i32
      %dma_wait3A_1291 = tpu.memref_slice %arg6[%dma_wait3A_1277, %dma_wait3A_1289, %dma_wait3A_1290] : memref<7x128x128xf32, #tpu.memory_space<vmem>> -> memref<1x128x128xf32, #tpu.memory_space<vmem>>
      %dma_wait3A_1292 = tpu.memref_squeeze %dma_wait3A_1291 : memref<1x128x128xf32, #tpu.memory_space<vmem>> -> memref<128x128xf32, #tpu.memory_space<vmem>>
      tpu.wait_dma2 semaphore(%dma_wait3A_1286 : memref<!tpu.dma_semaphore, #tpu.memory_space<semaphore_mem>>) src(%dma_wait3A_1292 : memref<128x128xf32, #tpu.memory_space<vmem>>) dst(%dma_wait3A_1288 : memref<128x128xf32, #tpu.memory_space<hbm>>)
      %add3A_1293 = arith.constant 5 : i32
      %add3A_1294 = arith.addi %add3A_1236, %add3A_1293 : i32
      %mul3A_1295 = arith.constant 128 : i32
      %mul3A_1296 = arith.muli %add3A_1294, %mul3A_1295 : i32
      %dma_start3A_1297 = arith.constant 2 : i32
      %dma_start3A_1298 = arith.constant 2 : i32
      %dma_start3A_1299 = arith.constant 0 : i32
      %dma_start3A_1300 = arith.constant 0 : i32
      %dma_start3A_1301 = tpu.memref_slice %arg6[%dma_start3A_1297, %dma_start3A_1299, %dma_start3A_1300] : memref<7x128x128xf32, #tpu.memory_space<vmem>> -> memref<1x128x128xf32, #tpu.memory_space<vmem>>
      %dma_start3A_1302 = tpu.memref_squeeze %dma_start3A_1301 : memref<1x128x128xf32, #tpu.memory_space<vmem>> -> memref<128x128xf32, #tpu.memory_space<vmem>>
      %dma_start3A_1303 = tpu.memref_slice %arg5[%mul3A_1296] : memref<6400xi32, #tpu.memory_space<vmem>> -> memref<128xi32, #tpu.memory_space<vmem>>
      %dma_start3A_1304 = arith.constant 0 : i32
      %dma_start3A_1305 = arith.constant 0 : i32
      %dma_start3A_1306 = tpu.memref_slice %arg3[%dma_start3A_1304, %dma_start3A_1305] : memref<100000x128xf32, #tpu.memory_space<hbm>> -> memref<100000x128xf32, #tpu.memory_space<hbm>>
      %dma_start3A_1307 = tpu.memref_slice %arg7[%dma_start3A_1298] : memref<7x!tpu.dma_semaphore, #tpu.memory_space<semaphore_mem>> -> memref<1x!tpu.dma_semaphore, #tpu.memory_space<semaphore_mem>>
      %dma_start3A_1308 = tpu.memref_squeeze %dma_start3A_1307 : memref<1x!tpu.dma_semaphore, #tpu.memory_space<semaphore_mem>> -> memref<!tpu.dma_semaphore, #tpu.memory_space<semaphore_mem>>
      tpu.enqueue_indirect_dma source(%dma_start3A_1306 : memref<100000x128xf32, #tpu.memory_space<hbm>>) target(%dma_start3A_1302 : memref<128x128xf32, #tpu.memory_space<vmem>>) offsets(%dma_start3A_1303 : memref<128xi32, #tpu.memory_space<vmem>>) semaphore(%dma_start3A_1308 : memref<!tpu.dma_semaphore, #tpu.memory_space<semaphore_mem>>)
      %add3A_1309 = arith.constant 5 : i32
      %add3A_1310 = arith.addi %add3A_939, %add3A_1309 : i32
      %mul3A_1311 = arith.constant 128 : i32
      %mul3A_1312 = arith.muli %add3A_1310, %mul3A_1311 : i32
      %dma_wait3A_1313 = arith.constant 5 : i32
      %dma_wait3A_1314 = arith.constant 5 : i32
      %dma_wait3A_1315 = arith.constant 0 : i32
      %dma_wait3A_1316 = arith.constant 0 : i32
      %dma_wait3A_1317 = tpu.memref_slice %arg6[%dma_wait3A_1313, %dma_wait3A_1315, %dma_wait3A_1316] : memref<7x128x128xf32, #tpu.memory_space<vmem>> -> memref<1x128x128xf32, #tpu.memory_space<vmem>>
      %dma_wait3A_1318 = tpu.memref_squeeze %dma_wait3A_1317 : memref<1x128x128xf32, #tpu.memory_space<vmem>> -> memref<128x128xf32, #tpu.memory_space<vmem>>
      %dma_wait3A_1319 = tpu.memref_slice %arg5[%mul3A_1312] : memref<6400xi32, #tpu.memory_space<vmem>> -> memref<128xi32, #tpu.memory_space<vmem>>
      %dma_wait3A_1320 = arith.constant 0 : i32
      %dma_wait3A_1321 = arith.constant 0 : i32
      %dma_wait3A_1322 = tpu.memref_slice %arg3[%dma_wait3A_1320, %dma_wait3A_1321] : memref<100000x128xf32, #tpu.memory_space<hbm>> -> memref<100000x128xf32, #tpu.memory_space<hbm>>
      %dma_wait3A_1323 = tpu.memref_slice %arg7[%dma_wait3A_1314] : memref<7x!tpu.dma_semaphore, #tpu.memory_space<semaphore_mem>> -> memref<1x!tpu.dma_semaphore, #tpu.memory_space<semaphore_mem>>
      %dma_wait3A_1324 = tpu.memref_squeeze %dma_wait3A_1323 : memref<1x!tpu.dma_semaphore, #tpu.memory_space<semaphore_mem>> -> memref<!tpu.dma_semaphore, #tpu.memory_space<semaphore_mem>>
      tpu.wait_indirect_dma semaphore(%dma_wait3A_1324 : memref<!tpu.dma_semaphore, #tpu.memory_space<semaphore_mem>>) src(%dma_wait3A_1322 : memref<100000x128xf32, #tpu.memory_space<hbm>>) dst(%dma_wait3A_1318 : memref<128x128xf32, #tpu.memory_space<vmem>>)
      %mul3A_1325 = arith.constant 128 : i32
      %mul3A_1326 = arith.muli %add3A_1310, %mul3A_1325 : i32
      %add3A_1327 = arith.addi %mul3A_2, %mul3A_1326 : i32
      %dma_start3A_1328 = arith.constant 5 : i32
      %dma_start3A_1329 = arith.constant 5 : i32
      %dma_start3A_1330 = arith.constant 0 : i32
      %dma_start3A_1331 = arith.constant 0 : i32
      %dma_start3A_1332 = tpu.memref_slice %arg6[%dma_start3A_1328, %dma_start3A_1330, %dma_start3A_1331] : memref<7x128x128xf32, #tpu.memory_space<vmem>> -> memref<1x128x128xf32, #tpu.memory_space<vmem>>
      %dma_start3A_1333 = tpu.memref_squeeze %dma_start3A_1332 : memref<1x128x128xf32, #tpu.memory_space<vmem>> -> memref<128x128xf32, #tpu.memory_space<vmem>>
      %dma_start3A_1334 = arith.constant 0 : i32
      %dma_start3A_1335 = tpu.memref_slice %arg4[%add3A_1327, %dma_start3A_1334] : memref<204800x128xf32, #tpu.memory_space<hbm>> -> memref<128x128xf32, #tpu.memory_space<hbm>>
      %dma_start3A_1336 = tpu.memref_slice %arg8[%dma_start3A_1329] : memref<7x!tpu.dma_semaphore, #tpu.memory_space<semaphore_mem>> -> memref<1x!tpu.dma_semaphore, #tpu.memory_space<semaphore_mem>>
      %dma_start3A_1337 = tpu.memref_squeeze %dma_start3A_1336 : memref<1x!tpu.dma_semaphore, #tpu.memory_space<semaphore_mem>> -> memref<!tpu.dma_semaphore, #tpu.memory_space<semaphore_mem>>
      %dma_start3A_1338 = arith.constant 0 : i32
      %dma_start3A_1339 = tpu.memref_slice %arg4[%add3A_1327, %dma_start3A_1338] : memref<204800x128xf32, #tpu.memory_space<hbm>> -> memref<128x128xf32, #tpu.memory_space<hbm>>
      %dma_start3A_1340 = arith.constant 0 : i32
      %dma_start3A_1341 = arith.constant 0 : i32
      %dma_start3A_1342 = tpu.memref_slice %arg6[%dma_start3A_1328, %dma_start3A_1340, %dma_start3A_1341] : memref<7x128x128xf32, #tpu.memory_space<vmem>> -> memref<1x128x128xf32, #tpu.memory_space<vmem>>
      %dma_start3A_1343 = tpu.memref_squeeze %dma_start3A_1342 : memref<1x128x128xf32, #tpu.memory_space<vmem>> -> memref<128x128xf32, #tpu.memory_space<vmem>>
      tpu.enqueue_dma source(%dma_start3A_1343 : memref<128x128xf32, #tpu.memory_space<vmem>>) target(%dma_start3A_1339 : memref<128x128xf32, #tpu.memory_space<hbm>>) target_semaphore(%dma_start3A_1337 : memref<!tpu.dma_semaphore, #tpu.memory_space<semaphore_mem>>)
      %add3A_1344 = arith.constant 5 : i32
      %add3A_1345 = arith.addi %add3A_1310, %add3A_1344 : i32
      %sub3A_1346 = arith.constant 7 : i32
      %sub3A_1347 = arith.subi %add3A_1345, %sub3A_1346 : i32
      %mul3A_1348 = arith.constant 128 : i32
      %mul3A_1349 = arith.muli %sub3A_1347, %mul3A_1348 : i32
      %add3A_1350 = arith.addi %mul3A_2, %mul3A_1349 : i32
      %dma_wait3A_1351 = arith.constant 3 : i32
      %dma_wait3A_1352 = arith.constant 3 : i32
      %dma_wait3A_1353 = arith.constant 0 : i32
      %dma_wait3A_1354 = arith.constant 0 : i32
      %dma_wait3A_1355 = tpu.memref_slice %arg6[%dma_wait3A_1351, %dma_wait3A_1353, %dma_wait3A_1354] : memref<7x128x128xf32, #tpu.memory_space<vmem>> -> memref<1x128x128xf32, #tpu.memory_space<vmem>>
      %dma_wait3A_1356 = tpu.memref_squeeze %dma_wait3A_1355 : memref<1x128x128xf32, #tpu.memory_space<vmem>> -> memref<128x128xf32, #tpu.memory_space<vmem>>
      %dma_wait3A_1357 = arith.constant 0 : i32
      %dma_wait3A_1358 = tpu.memref_slice %arg4[%add3A_1350, %dma_wait3A_1357] : memref<204800x128xf32, #tpu.memory_space<hbm>> -> memref<128x128xf32, #tpu.memory_space<hbm>>
      %dma_wait3A_1359 = tpu.memref_slice %arg8[%dma_wait3A_1352] : memref<7x!tpu.dma_semaphore, #tpu.memory_space<semaphore_mem>> -> memref<1x!tpu.dma_semaphore, #tpu.memory_space<semaphore_mem>>
      %dma_wait3A_1360 = tpu.memref_squeeze %dma_wait3A_1359 : memref<1x!tpu.dma_semaphore, #tpu.memory_space<semaphore_mem>> -> memref<!tpu.dma_semaphore, #tpu.memory_space<semaphore_mem>>
      %dma_wait3A_1361 = arith.constant 0 : i32
      %dma_wait3A_1362 = tpu.memref_slice %arg4[%add3A_1350, %dma_wait3A_1361] : memref<204800x128xf32, #tpu.memory_space<hbm>> -> memref<128x128xf32, #tpu.memory_space<hbm>>
      %dma_wait3A_1363 = arith.constant 0 : i32
      %dma_wait3A_1364 = arith.constant 0 : i32
      %dma_wait3A_1365 = tpu.memref_slice %arg6[%dma_wait3A_1351, %dma_wait3A_1363, %dma_wait3A_1364] : memref<7x128x128xf32, #tpu.memory_space<vmem>> -> memref<1x128x128xf32, #tpu.memory_space<vmem>>
      %dma_wait3A_1366 = tpu.memref_squeeze %dma_wait3A_1365 : memref<1x128x128xf32, #tpu.memory_space<vmem>> -> memref<128x128xf32, #tpu.memory_space<vmem>>
      tpu.wait_dma2 semaphore(%dma_wait3A_1360 : memref<!tpu.dma_semaphore, #tpu.memory_space<semaphore_mem>>) src(%dma_wait3A_1366 : memref<128x128xf32, #tpu.memory_space<vmem>>) dst(%dma_wait3A_1362 : memref<128x128xf32, #tpu.memory_space<hbm>>)
      %add3A_1367 = arith.constant 5 : i32
      %add3A_1368 = arith.addi %add3A_1310, %add3A_1367 : i32
      %mul3A_1369 = arith.constant 128 : i32
      %mul3A_1370 = arith.muli %add3A_1368, %mul3A_1369 : i32
      %dma_start3A_1371 = arith.constant 3 : i32
      %dma_start3A_1372 = arith.constant 3 : i32
      %dma_start3A_1373 = arith.constant 0 : i32
      %dma_start3A_1374 = arith.constant 0 : i32
      %dma_start3A_1375 = tpu.memref_slice %arg6[%dma_start3A_1371, %dma_start3A_1373, %dma_start3A_1374] : memref<7x128x128xf32, #tpu.memory_space<vmem>> -> memref<1x128x128xf32, #tpu.memory_space<vmem>>
      %dma_start3A_1376 = tpu.memref_squeeze %dma_start3A_1375 : memref<1x128x128xf32, #tpu.memory_space<vmem>> -> memref<128x128xf32, #tpu.memory_space<vmem>>
      %dma_start3A_1377 = tpu.memref_slice %arg5[%mul3A_1370] : memref<6400xi32, #tpu.memory_space<vmem>> -> memref<128xi32, #tpu.memory_space<vmem>>
      %dma_start3A_1378 = arith.constant 0 : i32
      %dma_start3A_1379 = arith.constant 0 : i32
      %dma_start3A_1380 = tpu.memref_slice %arg3[%dma_start3A_1378, %dma_start3A_1379] : memref<100000x128xf32, #tpu.memory_space<hbm>> -> memref<100000x128xf32, #tpu.memory_space<hbm>>
      %dma_start3A_1381 = tpu.memref_slice %arg7[%dma_start3A_1372] : memref<7x!tpu.dma_semaphore, #tpu.memory_space<semaphore_mem>> -> memref<1x!tpu.dma_semaphore, #tpu.memory_space<semaphore_mem>>
      %dma_start3A_1382 = tpu.memref_squeeze %dma_start3A_1381 : memref<1x!tpu.dma_semaphore, #tpu.memory_space<semaphore_mem>> -> memref<!tpu.dma_semaphore, #tpu.memory_space<semaphore_mem>>
      tpu.enqueue_indirect_dma source(%dma_start3A_1380 : memref<100000x128xf32, #tpu.memory_space<hbm>>) target(%dma_start3A_1376 : memref<128x128xf32, #tpu.memory_space<vmem>>) offsets(%dma_start3A_1377 : memref<128xi32, #tpu.memory_space<vmem>>) semaphore(%dma_start3A_1382 : memref<!tpu.dma_semaphore, #tpu.memory_space<semaphore_mem>>)
      %add3A_1383 = arith.constant 6 : i32
      %add3A_1384 = arith.addi %add3A_939, %add3A_1383 : i32
      %mul3A_1385 = arith.constant 128 : i32
      %mul3A_1386 = arith.muli %add3A_1384, %mul3A_1385 : i32
      %dma_wait3A_1387 = arith.constant 6 : i32
      %dma_wait3A_1388 = arith.constant 6 : i32
      %dma_wait3A_1389 = arith.constant 0 : i32
      %dma_wait3A_1390 = arith.constant 0 : i32
      %dma_wait3A_1391 = tpu.memref_slice %arg6[%dma_wait3A_1387, %dma_wait3A_1389, %dma_wait3A_1390] : memref<7x128x128xf32, #tpu.memory_space<vmem>> -> memref<1x128x128xf32, #tpu.memory_space<vmem>>
      %dma_wait3A_1392 = tpu.memref_squeeze %dma_wait3A_1391 : memref<1x128x128xf32, #tpu.memory_space<vmem>> -> memref<128x128xf32, #tpu.memory_space<vmem>>
      %dma_wait3A_1393 = tpu.memref_slice %arg5[%mul3A_1386] : memref<6400xi32, #tpu.memory_space<vmem>> -> memref<128xi32, #tpu.memory_space<vmem>>
      %dma_wait3A_1394 = arith.constant 0 : i32
      %dma_wait3A_1395 = arith.constant 0 : i32
      %dma_wait3A_1396 = tpu.memref_slice %arg3[%dma_wait3A_1394, %dma_wait3A_1395] : memref<100000x128xf32, #tpu.memory_space<hbm>> -> memref<100000x128xf32, #tpu.memory_space<hbm>>
      %dma_wait3A_1397 = tpu.memref_slice %arg7[%dma_wait3A_1388] : memref<7x!tpu.dma_semaphore, #tpu.memory_space<semaphore_mem>> -> memref<1x!tpu.dma_semaphore, #tpu.memory_space<semaphore_mem>>
      %dma_wait3A_1398 = tpu.memref_squeeze %dma_wait3A_1397 : memref<1x!tpu.dma_semaphore, #tpu.memory_space<semaphore_mem>> -> memref<!tpu.dma_semaphore, #tpu.memory_space<semaphore_mem>>
      tpu.wait_indirect_dma semaphore(%dma_wait3A_1398 : memref<!tpu.dma_semaphore, #tpu.memory_space<semaphore_mem>>) src(%dma_wait3A_1396 : memref<100000x128xf32, #tpu.memory_space<hbm>>) dst(%dma_wait3A_1392 : memref<128x128xf32, #tpu.memory_space<vmem>>)
      %mul3A_1399 = arith.constant 128 : i32
      %mul3A_1400 = arith.muli %add3A_1384, %mul3A_1399 : i32
      %add3A_1401 = arith.addi %mul3A_2, %mul3A_1400 : i32
      %dma_start3A_1402 = arith.constant 6 : i32
      %dma_start3A_1403 = arith.constant 6 : i32
      %dma_start3A_1404 = arith.constant 0 : i32
      %dma_start3A_1405 = arith.constant 0 : i32
      %dma_start3A_1406 = tpu.memref_slice %arg6[%dma_start3A_1402, %dma_start3A_1404, %dma_start3A_1405] : memref<7x128x128xf32, #tpu.memory_space<vmem>> -> memref<1x128x128xf32, #tpu.memory_space<vmem>>
      %dma_start3A_1407 = tpu.memref_squeeze %dma_start3A_1406 : memref<1x128x128xf32, #tpu.memory_space<vmem>> -> memref<128x128xf32, #tpu.memory_space<vmem>>
      %dma_start3A_1408 = arith.constant 0 : i32
      %dma_start3A_1409 = tpu.memref_slice %arg4[%add3A_1401, %dma_start3A_1408] : memref<204800x128xf32, #tpu.memory_space<hbm>> -> memref<128x128xf32, #tpu.memory_space<hbm>>
      %dma_start3A_1410 = tpu.memref_slice %arg8[%dma_start3A_1403] : memref<7x!tpu.dma_semaphore, #tpu.memory_space<semaphore_mem>> -> memref<1x!tpu.dma_semaphore, #tpu.memory_space<semaphore_mem>>
      %dma_start3A_1411 = tpu.memref_squeeze %dma_start3A_1410 : memref<1x!tpu.dma_semaphore, #tpu.memory_space<semaphore_mem>> -> memref<!tpu.dma_semaphore, #tpu.memory_space<semaphore_mem>>
      %dma_start3A_1412 = arith.constant 0 : i32
      %dma_start3A_1413 = tpu.memref_slice %arg4[%add3A_1401, %dma_start3A_1412] : memref<204800x128xf32, #tpu.memory_space<hbm>> -> memref<128x128xf32, #tpu.memory_space<hbm>>
      %dma_start3A_1414 = arith.constant 0 : i32
      %dma_start3A_1415 = arith.constant 0 : i32
      %dma_start3A_1416 = tpu.memref_slice %arg6[%dma_start3A_1402, %dma_start3A_1414, %dma_start3A_1415] : memref<7x128x128xf32, #tpu.memory_space<vmem>> -> memref<1x128x128xf32, #tpu.memory_space<vmem>>
      %dma_start3A_1417 = tpu.memref_squeeze %dma_start3A_1416 : memref<1x128x128xf32, #tpu.memory_space<vmem>> -> memref<128x128xf32, #tpu.memory_space<vmem>>
      tpu.enqueue_dma source(%dma_start3A_1417 : memref<128x128xf32, #tpu.memory_space<vmem>>) target(%dma_start3A_1413 : memref<128x128xf32, #tpu.memory_space<hbm>>) target_semaphore(%dma_start3A_1411 : memref<!tpu.dma_semaphore, #tpu.memory_space<semaphore_mem>>)
      %add3A_1418 = arith.constant 5 : i32
      %add3A_1419 = arith.addi %add3A_1384, %add3A_1418 : i32
      %sub3A_1420 = arith.constant 7 : i32
      %sub3A_1421 = arith.subi %add3A_1419, %sub3A_1420 : i32
      %mul3A_1422 = arith.constant 128 : i32
      %mul3A_1423 = arith.muli %sub3A_1421, %mul3A_1422 : i32
      %add3A_1424 = arith.addi %mul3A_2, %mul3A_1423 : i32
      %dma_wait3A_1425 = arith.constant 4 : i32
      %dma_wait3A_1426 = arith.constant 4 : i32
      %dma_wait3A_1427 = arith.constant 0 : i32
      %dma_wait3A_1428 = arith.constant 0 : i32
      %dma_wait3A_1429 = tpu.memref_slice %arg6[%dma_wait3A_1425, %dma_wait3A_1427, %dma_wait3A_1428] : memref<7x128x128xf32, #tpu.memory_space<vmem>> -> memref<1x128x128xf32, #tpu.memory_space<vmem>>
      %dma_wait3A_1430 = tpu.memref_squeeze %dma_wait3A_1429 : memref<1x128x128xf32, #tpu.memory_space<vmem>> -> memref<128x128xf32, #tpu.memory_space<vmem>>
      %dma_wait3A_1431 = arith.constant 0 : i32
      %dma_wait3A_1432 = tpu.memref_slice %arg4[%add3A_1424, %dma_wait3A_1431] : memref<204800x128xf32, #tpu.memory_space<hbm>> -> memref<128x128xf32, #tpu.memory_space<hbm>>
      %dma_wait3A_1433 = tpu.memref_slice %arg8[%dma_wait3A_1426] : memref<7x!tpu.dma_semaphore, #tpu.memory_space<semaphore_mem>> -> memref<1x!tpu.dma_semaphore, #tpu.memory_space<semaphore_mem>>
      %dma_wait3A_1434 = tpu.memref_squeeze %dma_wait3A_1433 : memref<1x!tpu.dma_semaphore, #tpu.memory_space<semaphore_mem>> -> memref<!tpu.dma_semaphore, #tpu.memory_space<semaphore_mem>>
      %dma_wait3A_1435 = arith.constant 0 : i32
      %dma_wait3A_1436 = tpu.memref_slice %arg4[%add3A_1424, %dma_wait3A_1435] : memref<204800x128xf32, #tpu.memory_space<hbm>> -> memref<128x128xf32, #tpu.memory_space<hbm>>
      %dma_wait3A_1437 = arith.constant 0 : i32
      %dma_wait3A_1438 = arith.constant 0 : i32
      %dma_wait3A_1439 = tpu.memref_slice %arg6[%dma_wait3A_1425, %dma_wait3A_1437, %dma_wait3A_1438] : memref<7x128x128xf32, #tpu.memory_space<vmem>> -> memref<1x128x128xf32, #tpu.memory_space<vmem>>
      %dma_wait3A_1440 = tpu.memref_squeeze %dma_wait3A_1439 : memref<1x128x128xf32, #tpu.memory_space<vmem>> -> memref<128x128xf32, #tpu.memory_space<vmem>>
      tpu.wait_dma2 semaphore(%dma_wait3A_1434 : memref<!tpu.dma_semaphore, #tpu.memory_space<semaphore_mem>>) src(%dma_wait3A_1440 : memref<128x128xf32, #tpu.memory_space<vmem>>) dst(%dma_wait3A_1436 : memref<128x128xf32, #tpu.memory_space<hbm>>)
      %add3A_1441 = arith.constant 5 : i32
      %add3A_1442 = arith.addi %add3A_1384, %add3A_1441 : i32
      %mul3A_1443 = arith.constant 128 : i32
      %mul3A_1444 = arith.muli %add3A_1442, %mul3A_1443 : i32
      %dma_start3A_1445 = arith.constant 4 : i32
      %dma_start3A_1446 = arith.constant 4 : i32
      %dma_start3A_1447 = arith.constant 0 : i32
      %dma_start3A_1448 = arith.constant 0 : i32
      %dma_start3A_1449 = tpu.memref_slice %arg6[%dma_start3A_1445, %dma_start3A_1447, %dma_start3A_1448] : memref<7x128x128xf32, #tpu.memory_space<vmem>> -> memref<1x128x128xf32, #tpu.memory_space<vmem>>
      %dma_start3A_1450 = tpu.memref_squeeze %dma_start3A_1449 : memref<1x128x128xf32, #tpu.memory_space<vmem>> -> memref<128x128xf32, #tpu.memory_space<vmem>>
      %dma_start3A_1451 = tpu.memref_slice %arg5[%mul3A_1444] : memref<6400xi32, #tpu.memory_space<vmem>> -> memref<128xi32, #tpu.memory_space<vmem>>
      %dma_start3A_1452 = arith.constant 0 : i32
      %dma_start3A_1453 = arith.constant 0 : i32
      %dma_start3A_1454 = tpu.memref_slice %arg3[%dma_start3A_1452, %dma_start3A_1453] : memref<100000x128xf32, #tpu.memory_space<hbm>> -> memref<100000x128xf32, #tpu.memory_space<hbm>>
      %dma_start3A_1455 = tpu.memref_slice %arg7[%dma_start3A_1446] : memref<7x!tpu.dma_semaphore, #tpu.memory_space<semaphore_mem>> -> memref<1x!tpu.dma_semaphore, #tpu.memory_space<semaphore_mem>>
      %dma_start3A_1456 = tpu.memref_squeeze %dma_start3A_1455 : memref<1x!tpu.dma_semaphore, #tpu.memory_space<semaphore_mem>> -> memref<!tpu.dma_semaphore, #tpu.memory_space<semaphore_mem>>
      tpu.enqueue_indirect_dma source(%dma_start3A_1454 : memref<100000x128xf32, #tpu.memory_space<hbm>>) target(%dma_start3A_1450 : memref<128x128xf32, #tpu.memory_space<vmem>>) offsets(%dma_start3A_1451 : memref<128xi32, #tpu.memory_space<vmem>>) semaphore(%dma_start3A_1456 : memref<!tpu.dma_semaphore, #tpu.memory_space<semaphore_mem>>)
    }
    %scan3A_467 = arith.constant 5 : i32
    %dma_wait3A_468 = arith.constant 0 : i32
    %dma_wait3A_469 = arith.constant 0 : i32
    %dma_wait3A_470 = arith.constant 0 : i32
    %dma_wait3A_471 = arith.constant 0 : i32
    %dma_wait3A_472 = tpu.memref_slice %arg6[%dma_wait3A_468, %dma_wait3A_470, %dma_wait3A_471] : memref<7x128x128xf32, #tpu.memory_space<vmem>> -> memref<1x128x128xf32, #tpu.memory_space<vmem>>
    %dma_wait3A_473 = tpu.memref_squeeze %dma_wait3A_472 : memref<1x128x128xf32, #tpu.memory_space<vmem>> -> memref<128x128xf32, #tpu.memory_space<vmem>>
    %dma_wait3A_474 = arith.constant 5376 : i32
    %dma_wait3A_475 = tpu.memref_slice %arg5[%dma_wait3A_474] : memref<6400xi32, #tpu.memory_space<vmem>> -> memref<128xi32, #tpu.memory_space<vmem>>
    %dma_wait3A_476 = arith.constant 0 : i32
    %dma_wait3A_477 = arith.constant 0 : i32
    %dma_wait3A_478 = tpu.memref_slice %arg3[%dma_wait3A_476, %dma_wait3A_477] : memref<100000x128xf32, #tpu.memory_space<hbm>> -> memref<100000x128xf32, #tpu.memory_space<hbm>>
    %dma_wait3A_479 = tpu.memref_slice %arg7[%dma_wait3A_469] : memref<7x!tpu.dma_semaphore, #tpu.memory_space<semaphore_mem>> -> memref<1x!tpu.dma_semaphore, #tpu.memory_space<semaphore_mem>>
    %dma_wait3A_480 = tpu.memref_squeeze %dma_wait3A_479 : memref<1x!tpu.dma_semaphore, #tpu.memory_space<semaphore_mem>> -> memref<!tpu.dma_semaphore, #tpu.memory_space<semaphore_mem>>
    tpu.wait_indirect_dma semaphore(%dma_wait3A_480 : memref<!tpu.dma_semaphore, #tpu.memory_space<semaphore_mem>>) src(%dma_wait3A_478 : memref<100000x128xf32, #tpu.memory_space<hbm>>) dst(%dma_wait3A_473 : memref<128x128xf32, #tpu.memory_space<vmem>>)
    %add3A_481 = arith.constant 5376 : i32
    %add3A_482 = arith.addi %mul3A_2, %add3A_481 : i32
    %dma_start3A_483 = arith.constant 0 : i32
    %dma_start3A_484 = arith.constant 0 : i32
    %dma_start3A_485 = arith.constant 0 : i32
    %dma_start3A_486 = arith.constant 0 : i32
    %dma_start3A_487 = tpu.memref_slice %arg6[%dma_start3A_483, %dma_start3A_485, %dma_start3A_486] : memref<7x128x128xf32, #tpu.memory_space<vmem>> -> memref<1x128x128xf32, #tpu.memory_space<vmem>>
    %dma_start3A_488 = tpu.memref_squeeze %dma_start3A_487 : memref<1x128x128xf32, #tpu.memory_space<vmem>> -> memref<128x128xf32, #tpu.memory_space<vmem>>
    %dma_start3A_489 = arith.constant 0 : i32
    %dma_start3A_490 = tpu.memref_slice %arg4[%add3A_482, %dma_start3A_489] : memref<204800x128xf32, #tpu.memory_space<hbm>> -> memref<128x128xf32, #tpu.memory_space<hbm>>
    %dma_start3A_491 = tpu.memref_slice %arg8[%dma_start3A_484] : memref<7x!tpu.dma_semaphore, #tpu.memory_space<semaphore_mem>> -> memref<1x!tpu.dma_semaphore, #tpu.memory_space<semaphore_mem>>
    %dma_start3A_492 = tpu.memref_squeeze %dma_start3A_491 : memref<1x!tpu.dma_semaphore, #tpu.memory_space<semaphore_mem>> -> memref<!tpu.dma_semaphore, #tpu.memory_space<semaphore_mem>>
    %dma_start3A_493 = arith.constant 0 : i32
    %dma_start3A_494 = tpu.memref_slice %arg4[%add3A_482, %dma_start3A_493] : memref<204800x128xf32, #tpu.memory_space<hbm>> -> memref<128x128xf32, #tpu.memory_space<hbm>>
    %dma_start3A_495 = arith.constant 0 : i32
    %dma_start3A_496 = arith.constant 0 : i32
    %dma_start3A_497 = tpu.memref_slice %arg6[%dma_start3A_483, %dma_start3A_495, %dma_start3A_496] : memref<7x128x128xf32, #tpu.memory_space<vmem>> -> memref<1x128x128xf32, #tpu.memory_space<vmem>>
    %dma_start3A_498 = tpu.memref_squeeze %dma_start3A_497 : memref<1x128x128xf32, #tpu.memory_space<vmem>> -> memref<128x128xf32, #tpu.memory_space<vmem>>
    tpu.enqueue_dma source(%dma_start3A_498 : memref<128x128xf32, #tpu.memory_space<vmem>>) target(%dma_start3A_494 : memref<128x128xf32, #tpu.memory_space<hbm>>) target_semaphore(%dma_start3A_492 : memref<!tpu.dma_semaphore, #tpu.memory_space<semaphore_mem>>)
    %add3A_499 = arith.constant 5120 : i32
    %add3A_500 = arith.addi %mul3A_2, %add3A_499 : i32
    %dma_wait3A_501 = arith.constant 5 : i32
    %dma_wait3A_502 = arith.constant 5 : i32
    %dma_wait3A_503 = arith.constant 0 : i32
    %dma_wait3A_504 = arith.constant 0 : i32
    %dma_wait3A_505 = tpu.memref_slice %arg6[%dma_wait3A_501, %dma_wait3A_503, %dma_wait3A_504] : memref<7x128x128xf32, #tpu.memory_space<vmem>> -> memref<1x128x128xf32, #tpu.memory_space<vmem>>
    %dma_wait3A_506 = tpu.memref_squeeze %dma_wait3A_505 : memref<1x128x128xf32, #tpu.memory_space<vmem>> -> memref<128x128xf32, #tpu.memory_space<vmem>>
    %dma_wait3A_507 = arith.constant 0 : i32
    %dma_wait3A_508 = tpu.memref_slice %arg4[%add3A_500, %dma_wait3A_507] : memref<204800x128xf32, #tpu.memory_space<hbm>> -> memref<128x128xf32, #tpu.memory_space<hbm>>
    %dma_wait3A_509 = tpu.memref_slice %arg8[%dma_wait3A_502] : memref<7x!tpu.dma_semaphore, #tpu.memory_space<semaphore_mem>> -> memref<1x!tpu.dma_semaphore, #tpu.memory_space<semaphore_mem>>
    %dma_wait3A_510 = tpu.memref_squeeze %dma_wait3A_509 : memref<1x!tpu.dma_semaphore, #tpu.memory_space<semaphore_mem>> -> memref<!tpu.dma_semaphore, #tpu.memory_space<semaphore_mem>>
    %dma_wait3A_511 = arith.constant 0 : i32
    %dma_wait3A_512 = tpu.memref_slice %arg4[%add3A_500, %dma_wait3A_511] : memref<204800x128xf32, #tpu.memory_space<hbm>> -> memref<128x128xf32, #tpu.memory_space<hbm>>
    %dma_wait3A_513 = arith.constant 0 : i32
    %dma_wait3A_514 = arith.constant 0 : i32
    %dma_wait3A_515 = tpu.memref_slice %arg6[%dma_wait3A_501, %dma_wait3A_513, %dma_wait3A_514] : memref<7x128x128xf32, #tpu.memory_space<vmem>> -> memref<1x128x128xf32, #tpu.memory_space<vmem>>
    %dma_wait3A_516 = tpu.memref_squeeze %dma_wait3A_515 : memref<1x128x128xf32, #tpu.memory_space<vmem>> -> memref<128x128xf32, #tpu.memory_space<vmem>>
    tpu.wait_dma2 semaphore(%dma_wait3A_510 : memref<!tpu.dma_semaphore, #tpu.memory_space<semaphore_mem>>) src(%dma_wait3A_516 : memref<128x128xf32, #tpu.memory_space<vmem>>) dst(%dma_wait3A_512 : memref<128x128xf32, #tpu.memory_space<hbm>>)
    %dma_start3A_517 = arith.constant 5 : i32
    %dma_start3A_518 = arith.constant 5 : i32
    %dma_start3A_519 = arith.constant 0 : i32
    %dma_start3A_520 = arith.constant 0 : i32
    %dma_start3A_521 = tpu.memref_slice %arg6[%dma_start3A_517, %dma_start3A_519, %dma_start3A_520] : memref<7x128x128xf32, #tpu.memory_space<vmem>> -> memref<1x128x128xf32, #tpu.memory_space<vmem>>
    %dma_start3A_522 = tpu.memref_squeeze %dma_start3A_521 : memref<1x128x128xf32, #tpu.memory_space<vmem>> -> memref<128x128xf32, #tpu.memory_space<vmem>>
    %dma_start3A_523 = arith.constant 6016 : i32
    %dma_start3A_524 = tpu.memref_slice %arg5[%dma_start3A_523] : memref<6400xi32, #tpu.memory_space<vmem>> -> memref<128xi32, #tpu.memory_space<vmem>>
    %dma_start3A_525 = arith.constant 0 : i32
    %dma_start3A_526 = arith.constant 0 : i32
    %dma_start3A_527 = tpu.memref_slice %arg3[%dma_start3A_525, %dma_start3A_526] : memref<100000x128xf32, #tpu.memory_space<hbm>> -> memref<100000x128xf32, #tpu.memory_space<hbm>>
    %dma_start3A_528 = tpu.memref_slice %arg7[%dma_start3A_518] : memref<7x!tpu.dma_semaphore, #tpu.memory_space<semaphore_mem>> -> memref<1x!tpu.dma_semaphore, #tpu.memory_space<semaphore_mem>>
    %dma_start3A_529 = tpu.memref_squeeze %dma_start3A_528 : memref<1x!tpu.dma_semaphore, #tpu.memory_space<semaphore_mem>> -> memref<!tpu.dma_semaphore, #tpu.memory_space<semaphore_mem>>
    tpu.enqueue_indirect_dma source(%dma_start3A_527 : memref<100000x128xf32, #tpu.memory_space<hbm>>) target(%dma_start3A_522 : memref<128x128xf32, #tpu.memory_space<vmem>>) offsets(%dma_start3A_524 : memref<128xi32, #tpu.memory_space<vmem>>) semaphore(%dma_start3A_529 : memref<!tpu.dma_semaphore, #tpu.memory_space<semaphore_mem>>)
    %dma_wait3A_530 = arith.constant 1 : i32
    %dma_wait3A_531 = arith.constant 1 : i32
    %dma_wait3A_532 = arith.constant 0 : i32
    %dma_wait3A_533 = arith.constant 0 : i32
    %dma_wait3A_534 = tpu.memref_slice %arg6[%dma_wait3A_530, %dma_wait3A_532, %dma_wait3A_533] : memref<7x128x128xf32, #tpu.memory_space<vmem>> -> memref<1x128x128xf32, #tpu.memory_space<vmem>>
    %dma_wait3A_535 = tpu.memref_squeeze %dma_wait3A_534 : memref<1x128x128xf32, #tpu.memory_space<vmem>> -> memref<128x128xf32, #tpu.memory_space<vmem>>
    %dma_wait3A_536 = arith.constant 5504 : i32
    %dma_wait3A_537 = tpu.memref_slice %arg5[%dma_wait3A_536] : memref<6400xi32, #tpu.memory_space<vmem>> -> memref<128xi32, #tpu.memory_space<vmem>>
    %dma_wait3A_538 = arith.constant 0 : i32
    %dma_wait3A_539 = arith.constant 0 : i32
    %dma_wait3A_540 = tpu.memref_slice %arg3[%dma_wait3A_538, %dma_wait3A_539] : memref<100000x128xf32, #tpu.memory_space<hbm>> -> memref<100000x128xf32, #tpu.memory_space<hbm>>
    %dma_wait3A_541 = tpu.memref_slice %arg7[%dma_wait3A_531] : memref<7x!tpu.dma_semaphore, #tpu.memory_space<semaphore_mem>> -> memref<1x!tpu.dma_semaphore, #tpu.memory_space<semaphore_mem>>
    %dma_wait3A_542 = tpu.memref_squeeze %dma_wait3A_541 : memref<1x!tpu.dma_semaphore, #tpu.memory_space<semaphore_mem>> -> memref<!tpu.dma_semaphore, #tpu.memory_space<semaphore_mem>>
    tpu.wait_indirect_dma semaphore(%dma_wait3A_542 : memref<!tpu.dma_semaphore, #tpu.memory_space<semaphore_mem>>) src(%dma_wait3A_540 : memref<100000x128xf32, #tpu.memory_space<hbm>>) dst(%dma_wait3A_535 : memref<128x128xf32, #tpu.memory_space<vmem>>)
    %add3A_543 = arith.constant 5504 : i32
    %add3A_544 = arith.addi %mul3A_2, %add3A_543 : i32
    %dma_start3A_545 = arith.constant 1 : i32
    %dma_start3A_546 = arith.constant 1 : i32
    %dma_start3A_547 = arith.constant 0 : i32
    %dma_start3A_548 = arith.constant 0 : i32
    %dma_start3A_549 = tpu.memref_slice %arg6[%dma_start3A_545, %dma_start3A_547, %dma_start3A_548] : memref<7x128x128xf32, #tpu.memory_space<vmem>> -> memref<1x128x128xf32, #tpu.memory_space<vmem>>
    %dma_start3A_550 = tpu.memref_squeeze %dma_start3A_549 : memref<1x128x128xf32, #tpu.memory_space<vmem>> -> memref<128x128xf32, #tpu.memory_space<vmem>>
    %dma_start3A_551 = arith.constant 0 : i32
    %dma_start3A_552 = tpu.memref_slice %arg4[%add3A_544, %dma_start3A_551] : memref<204800x128xf32, #tpu.memory_space<hbm>> -> memref<128x128xf32, #tpu.memory_space<hbm>>
    %dma_start3A_553 = tpu.memref_slice %arg8[%dma_start3A_546] : memref<7x!tpu.dma_semaphore, #tpu.memory_space<semaphore_mem>> -> memref<1x!tpu.dma_semaphore, #tpu.memory_space<semaphore_mem>>
    %dma_start3A_554 = tpu.memref_squeeze %dma_start3A_553 : memref<1x!tpu.dma_semaphore, #tpu.memory_space<semaphore_mem>> -> memref<!tpu.dma_semaphore, #tpu.memory_space<semaphore_mem>>
    %dma_start3A_555 = arith.constant 0 : i32
    %dma_start3A_556 = tpu.memref_slice %arg4[%add3A_544, %dma_start3A_555] : memref<204800x128xf32, #tpu.memory_space<hbm>> -> memref<128x128xf32, #tpu.memory_space<hbm>>
    %dma_start3A_557 = arith.constant 0 : i32
    %dma_start3A_558 = arith.constant 0 : i32
    %dma_start3A_559 = tpu.memref_slice %arg6[%dma_start3A_545, %dma_start3A_557, %dma_start3A_558] : memref<7x128x128xf32, #tpu.memory_space<vmem>> -> memref<1x128x128xf32, #tpu.memory_space<vmem>>
    %dma_start3A_560 = tpu.memref_squeeze %dma_start3A_559 : memref<1x128x128xf32, #tpu.memory_space<vmem>> -> memref<128x128xf32, #tpu.memory_space<vmem>>
    tpu.enqueue_dma source(%dma_start3A_560 : memref<128x128xf32, #tpu.memory_space<vmem>>) target(%dma_start3A_556 : memref<128x128xf32, #tpu.memory_space<hbm>>) target_semaphore(%dma_start3A_554 : memref<!tpu.dma_semaphore, #tpu.memory_space<semaphore_mem>>)
    %add3A_561 = arith.constant 5248 : i32
    %add3A_562 = arith.addi %mul3A_2, %add3A_561 : i32
    %dma_wait3A_563 = arith.constant 6 : i32
    %dma_wait3A_564 = arith.constant 6 : i32
    %dma_wait3A_565 = arith.constant 0 : i32
    %dma_wait3A_566 = arith.constant 0 : i32
    %dma_wait3A_567 = tpu.memref_slice %arg6[%dma_wait3A_563, %dma_wait3A_565, %dma_wait3A_566] : memref<7x128x128xf32, #tpu.memory_space<vmem>> -> memref<1x128x128xf32, #tpu.memory_space<vmem>>
    %dma_wait3A_568 = tpu.memref_squeeze %dma_wait3A_567 : memref<1x128x128xf32, #tpu.memory_space<vmem>> -> memref<128x128xf32, #tpu.memory_space<vmem>>
    %dma_wait3A_569 = arith.constant 0 : i32
    %dma_wait3A_570 = tpu.memref_slice %arg4[%add3A_562, %dma_wait3A_569] : memref<204800x128xf32, #tpu.memory_space<hbm>> -> memref<128x128xf32, #tpu.memory_space<hbm>>
    %dma_wait3A_571 = tpu.memref_slice %arg8[%dma_wait3A_564] : memref<7x!tpu.dma_semaphore, #tpu.memory_space<semaphore_mem>> -> memref<1x!tpu.dma_semaphore, #tpu.memory_space<semaphore_mem>>
    %dma_wait3A_572 = tpu.memref_squeeze %dma_wait3A_571 : memref<1x!tpu.dma_semaphore, #tpu.memory_space<semaphore_mem>> -> memref<!tpu.dma_semaphore, #tpu.memory_space<semaphore_mem>>
    %dma_wait3A_573 = arith.constant 0 : i32
    %dma_wait3A_574 = tpu.memref_slice %arg4[%add3A_562, %dma_wait3A_573] : memref<204800x128xf32, #tpu.memory_space<hbm>> -> memref<128x128xf32, #tpu.memory_space<hbm>>
    %dma_wait3A_575 = arith.constant 0 : i32
    %dma_wait3A_576 = arith.constant 0 : i32
    %dma_wait3A_577 = tpu.memref_slice %arg6[%dma_wait3A_563, %dma_wait3A_575, %dma_wait3A_576] : memref<7x128x128xf32, #tpu.memory_space<vmem>> -> memref<1x128x128xf32, #tpu.memory_space<vmem>>
    %dma_wait3A_578 = tpu.memref_squeeze %dma_wait3A_577 : memref<1x128x128xf32, #tpu.memory_space<vmem>> -> memref<128x128xf32, #tpu.memory_space<vmem>>
    tpu.wait_dma2 semaphore(%dma_wait3A_572 : memref<!tpu.dma_semaphore, #tpu.memory_space<semaphore_mem>>) src(%dma_wait3A_578 : memref<128x128xf32, #tpu.memory_space<vmem>>) dst(%dma_wait3A_574 : memref<128x128xf32, #tpu.memory_space<hbm>>)
    %dma_start3A_579 = arith.constant 6 : i32
    %dma_start3A_580 = arith.constant 6 : i32
    %dma_start3A_581 = arith.constant 0 : i32
    %dma_start3A_582 = arith.constant 0 : i32
    %dma_start3A_583 = tpu.memref_slice %arg6[%dma_start3A_579, %dma_start3A_581, %dma_start3A_582] : memref<7x128x128xf32, #tpu.memory_space<vmem>> -> memref<1x128x128xf32, #tpu.memory_space<vmem>>
    %dma_start3A_584 = tpu.memref_squeeze %dma_start3A_583 : memref<1x128x128xf32, #tpu.memory_space<vmem>> -> memref<128x128xf32, #tpu.memory_space<vmem>>
    %dma_start3A_585 = arith.constant 6144 : i32
    %dma_start3A_586 = tpu.memref_slice %arg5[%dma_start3A_585] : memref<6400xi32, #tpu.memory_space<vmem>> -> memref<128xi32, #tpu.memory_space<vmem>>
    %dma_start3A_587 = arith.constant 0 : i32
    %dma_start3A_588 = arith.constant 0 : i32
    %dma_start3A_589 = tpu.memref_slice %arg3[%dma_start3A_587, %dma_start3A_588] : memref<100000x128xf32, #tpu.memory_space<hbm>> -> memref<100000x128xf32, #tpu.memory_space<hbm>>
    %dma_start3A_590 = tpu.memref_slice %arg7[%dma_start3A_580] : memref<7x!tpu.dma_semaphore, #tpu.memory_space<semaphore_mem>> -> memref<1x!tpu.dma_semaphore, #tpu.memory_space<semaphore_mem>>
    %dma_start3A_591 = tpu.memref_squeeze %dma_start3A_590 : memref<1x!tpu.dma_semaphore, #tpu.memory_space<semaphore_mem>> -> memref<!tpu.dma_semaphore, #tpu.memory_space<semaphore_mem>>
    tpu.enqueue_indirect_dma source(%dma_start3A_589 : memref<100000x128xf32, #tpu.memory_space<hbm>>) target(%dma_start3A_584 : memref<128x128xf32, #tpu.memory_space<vmem>>) offsets(%dma_start3A_586 : memref<128xi32, #tpu.memory_space<vmem>>) semaphore(%dma_start3A_591 : memref<!tpu.dma_semaphore, #tpu.memory_space<semaphore_mem>>)
    %dma_wait3A_592 = arith.constant 2 : i32
    %dma_wait3A_593 = arith.constant 2 : i32
    %dma_wait3A_594 = arith.constant 0 : i32
    %dma_wait3A_595 = arith.constant 0 : i32
    %dma_wait3A_596 = tpu.memref_slice %arg6[%dma_wait3A_592, %dma_wait3A_594, %dma_wait3A_595] : memref<7x128x128xf32, #tpu.memory_space<vmem>> -> memref<1x128x128xf32, #tpu.memory_space<vmem>>
    %dma_wait3A_597 = tpu.memref_squeeze %dma_wait3A_596 : memref<1x128x128xf32, #tpu.memory_space<vmem>> -> memref<128x128xf32, #tpu.memory_space<vmem>>
    %dma_wait3A_598 = arith.constant 5632 : i32
    %dma_wait3A_599 = tpu.memref_slice %arg5[%dma_wait3A_598] : memref<6400xi32, #tpu.memory_space<vmem>> -> memref<128xi32, #tpu.memory_space<vmem>>
    %dma_wait3A_600 = arith.constant 0 : i32
    %dma_wait3A_601 = arith.constant 0 : i32
    %dma_wait3A_602 = tpu.memref_slice %arg3[%dma_wait3A_600, %dma_wait3A_601] : memref<100000x128xf32, #tpu.memory_space<hbm>> -> memref<100000x128xf32, #tpu.memory_space<hbm>>
    %dma_wait3A_603 = tpu.memref_slice %arg7[%dma_wait3A_593] : memref<7x!tpu.dma_semaphore, #tpu.memory_space<semaphore_mem>> -> memref<1x!tpu.dma_semaphore, #tpu.memory_space<semaphore_mem>>
    %dma_wait3A_604 = tpu.memref_squeeze %dma_wait3A_603 : memref<1x!tpu.dma_semaphore, #tpu.memory_space<semaphore_mem>> -> memref<!tpu.dma_semaphore, #tpu.memory_space<semaphore_mem>>
    tpu.wait_indirect_dma semaphore(%dma_wait3A_604 : memref<!tpu.dma_semaphore, #tpu.memory_space<semaphore_mem>>) src(%dma_wait3A_602 : memref<100000x128xf32, #tpu.memory_space<hbm>>) dst(%dma_wait3A_597 : memref<128x128xf32, #tpu.memory_space<vmem>>)
    %add3A_605 = arith.constant 5632 : i32
    %add3A_606 = arith.addi %mul3A_2, %add3A_605 : i32
    %dma_start3A_607 = arith.constant 2 : i32
    %dma_start3A_608 = arith.constant 2 : i32
    %dma_start3A_609 = arith.constant 0 : i32
    %dma_start3A_610 = arith.constant 0 : i32
    %dma_start3A_611 = tpu.memref_slice %arg6[%dma_start3A_607, %dma_start3A_609, %dma_start3A_610] : memref<7x128x128xf32, #tpu.memory_space<vmem>> -> memref<1x128x128xf32, #tpu.memory_space<vmem>>
    %dma_start3A_612 = tpu.memref_squeeze %dma_start3A_611 : memref<1x128x128xf32, #tpu.memory_space<vmem>> -> memref<128x128xf32, #tpu.memory_space<vmem>>
    %dma_start3A_613 = arith.constant 0 : i32
    %dma_start3A_614 = tpu.memref_slice %arg4[%add3A_606, %dma_start3A_613] : memref<204800x128xf32, #tpu.memory_space<hbm>> -> memref<128x128xf32, #tpu.memory_space<hbm>>
    %dma_start3A_615 = tpu.memref_slice %arg8[%dma_start3A_608] : memref<7x!tpu.dma_semaphore, #tpu.memory_space<semaphore_mem>> -> memref<1x!tpu.dma_semaphore, #tpu.memory_space<semaphore_mem>>
    %dma_start3A_616 = tpu.memref_squeeze %dma_start3A_615 : memref<1x!tpu.dma_semaphore, #tpu.memory_space<semaphore_mem>> -> memref<!tpu.dma_semaphore, #tpu.memory_space<semaphore_mem>>
    %dma_start3A_617 = arith.constant 0 : i32
    %dma_start3A_618 = tpu.memref_slice %arg4[%add3A_606, %dma_start3A_617] : memref<204800x128xf32, #tpu.memory_space<hbm>> -> memref<128x128xf32, #tpu.memory_space<hbm>>
    %dma_start3A_619 = arith.constant 0 : i32
    %dma_start3A_620 = arith.constant 0 : i32
    %dma_start3A_621 = tpu.memref_slice %arg6[%dma_start3A_607, %dma_start3A_619, %dma_start3A_620] : memref<7x128x128xf32, #tpu.memory_space<vmem>> -> memref<1x128x128xf32, #tpu.memory_space<vmem>>
    %dma_start3A_622 = tpu.memref_squeeze %dma_start3A_621 : memref<1x128x128xf32, #tpu.memory_space<vmem>> -> memref<128x128xf32, #tpu.memory_space<vmem>>
    tpu.enqueue_dma source(%dma_start3A_622 : memref<128x128xf32, #tpu.memory_space<vmem>>) target(%dma_start3A_618 : memref<128x128xf32, #tpu.memory_space<hbm>>) target_semaphore(%dma_start3A_616 : memref<!tpu.dma_semaphore, #tpu.memory_space<semaphore_mem>>)
    %add3A_623 = arith.constant 5376 : i32
    %add3A_624 = arith.addi %mul3A_2, %add3A_623 : i32
    %dma_wait3A_625 = arith.constant 0 : i32
    %dma_wait3A_626 = arith.constant 0 : i32
    %dma_wait3A_627 = arith.constant 0 : i32
    %dma_wait3A_628 = arith.constant 0 : i32
    %dma_wait3A_629 = tpu.memref_slice %arg6[%dma_wait3A_625, %dma_wait3A_627, %dma_wait3A_628] : memref<7x128x128xf32, #tpu.memory_space<vmem>> -> memref<1x128x128xf32, #tpu.memory_space<vmem>>
    %dma_wait3A_630 = tpu.memref_squeeze %dma_wait3A_629 : memref<1x128x128xf32, #tpu.memory_space<vmem>> -> memref<128x128xf32, #tpu.memory_space<vmem>>
    %dma_wait3A_631 = arith.constant 0 : i32
    %dma_wait3A_632 = tpu.memref_slice %arg4[%add3A_624, %dma_wait3A_631] : memref<204800x128xf32, #tpu.memory_space<hbm>> -> memref<128x128xf32, #tpu.memory_space<hbm>>
    %dma_wait3A_633 = tpu.memref_slice %arg8[%dma_wait3A_626] : memref<7x!tpu.dma_semaphore, #tpu.memory_space<semaphore_mem>> -> memref<1x!tpu.dma_semaphore, #tpu.memory_space<semaphore_mem>>
    %dma_wait3A_634 = tpu.memref_squeeze %dma_wait3A_633 : memref<1x!tpu.dma_semaphore, #tpu.memory_space<semaphore_mem>> -> memref<!tpu.dma_semaphore, #tpu.memory_space<semaphore_mem>>
    %dma_wait3A_635 = arith.constant 0 : i32
    %dma_wait3A_636 = tpu.memref_slice %arg4[%add3A_624, %dma_wait3A_635] : memref<204800x128xf32, #tpu.memory_space<hbm>> -> memref<128x128xf32, #tpu.memory_space<hbm>>
    %dma_wait3A_637 = arith.constant 0 : i32
    %dma_wait3A_638 = arith.constant 0 : i32
    %dma_wait3A_639 = tpu.memref_slice %arg6[%dma_wait3A_625, %dma_wait3A_637, %dma_wait3A_638] : memref<7x128x128xf32, #tpu.memory_space<vmem>> -> memref<1x128x128xf32, #tpu.memory_space<vmem>>
    %dma_wait3A_640 = tpu.memref_squeeze %dma_wait3A_639 : memref<1x128x128xf32, #tpu.memory_space<vmem>> -> memref<128x128xf32, #tpu.memory_space<vmem>>
    tpu.wait_dma2 semaphore(%dma_wait3A_634 : memref<!tpu.dma_semaphore, #tpu.memory_space<semaphore_mem>>) src(%dma_wait3A_640 : memref<128x128xf32, #tpu.memory_space<vmem>>) dst(%dma_wait3A_636 : memref<128x128xf32, #tpu.memory_space<hbm>>)
    %dma_start3A_641 = arith.constant 0 : i32
    %dma_start3A_642 = arith.constant 0 : i32
    %dma_start3A_643 = arith.constant 0 : i32
    %dma_start3A_644 = arith.constant 0 : i32
    %dma_start3A_645 = tpu.memref_slice %arg6[%dma_start3A_641, %dma_start3A_643, %dma_start3A_644] : memref<7x128x128xf32, #tpu.memory_space<vmem>> -> memref<1x128x128xf32, #tpu.memory_space<vmem>>
    %dma_start3A_646 = tpu.memref_squeeze %dma_start3A_645 : memref<1x128x128xf32, #tpu.memory_space<vmem>> -> memref<128x128xf32, #tpu.memory_space<vmem>>
    %dma_start3A_647 = arith.constant 6272 : i32
    %dma_start3A_648 = tpu.memref_slice %arg5[%dma_start3A_647] : memref<6400xi32, #tpu.memory_space<vmem>> -> memref<128xi32, #tpu.memory_space<vmem>>
    %dma_start3A_649 = arith.constant 0 : i32
    %dma_start3A_650 = arith.constant 0 : i32
    %dma_start3A_651 = tpu.memref_slice %arg3[%dma_start3A_649, %dma_start3A_650] : memref<100000x128xf32, #tpu.memory_space<hbm>> -> memref<100000x128xf32, #tpu.memory_space<hbm>>
    %dma_start3A_652 = tpu.memref_slice %arg7[%dma_start3A_642] : memref<7x!tpu.dma_semaphore, #tpu.memory_space<semaphore_mem>> -> memref<1x!tpu.dma_semaphore, #tpu.memory_space<semaphore_mem>>
    %dma_start3A_653 = tpu.memref_squeeze %dma_start3A_652 : memref<1x!tpu.dma_semaphore, #tpu.memory_space<semaphore_mem>> -> memref<!tpu.dma_semaphore, #tpu.memory_space<semaphore_mem>>
    tpu.enqueue_indirect_dma source(%dma_start3A_651 : memref<100000x128xf32, #tpu.memory_space<hbm>>) target(%dma_start3A_646 : memref<128x128xf32, #tpu.memory_space<vmem>>) offsets(%dma_start3A_648 : memref<128xi32, #tpu.memory_space<vmem>>) semaphore(%dma_start3A_653 : memref<!tpu.dma_semaphore, #tpu.memory_space<semaphore_mem>>)
    %dma_wait3A_654 = arith.constant 3 : i32
    %dma_wait3A_655 = arith.constant 3 : i32
    %dma_wait3A_656 = arith.constant 0 : i32
    %dma_wait3A_657 = arith.constant 0 : i32
    %dma_wait3A_658 = tpu.memref_slice %arg6[%dma_wait3A_654, %dma_wait3A_656, %dma_wait3A_657] : memref<7x128x128xf32, #tpu.memory_space<vmem>> -> memref<1x128x128xf32, #tpu.memory_space<vmem>>
    %dma_wait3A_659 = tpu.memref_squeeze %dma_wait3A_658 : memref<1x128x128xf32, #tpu.memory_space<vmem>> -> memref<128x128xf32, #tpu.memory_space<vmem>>
    %dma_wait3A_660 = arith.constant 5760 : i32
    %dma_wait3A_661 = tpu.memref_slice %arg5[%dma_wait3A_660] : memref<6400xi32, #tpu.memory_space<vmem>> -> memref<128xi32, #tpu.memory_space<vmem>>
    %dma_wait3A_662 = arith.constant 0 : i32
    %dma_wait3A_663 = arith.constant 0 : i32
    %dma_wait3A_664 = tpu.memref_slice %arg3[%dma_wait3A_662, %dma_wait3A_663] : memref<100000x128xf32, #tpu.memory_space<hbm>> -> memref<100000x128xf32, #tpu.memory_space<hbm>>
    %dma_wait3A_665 = tpu.memref_slice %arg7[%dma_wait3A_655] : memref<7x!tpu.dma_semaphore, #tpu.memory_space<semaphore_mem>> -> memref<1x!tpu.dma_semaphore, #tpu.memory_space<semaphore_mem>>
    %dma_wait3A_666 = tpu.memref_squeeze %dma_wait3A_665 : memref<1x!tpu.dma_semaphore, #tpu.memory_space<semaphore_mem>> -> memref<!tpu.dma_semaphore, #tpu.memory_space<semaphore_mem>>
    tpu.wait_indirect_dma semaphore(%dma_wait3A_666 : memref<!tpu.dma_semaphore, #tpu.memory_space<semaphore_mem>>) src(%dma_wait3A_664 : memref<100000x128xf32, #tpu.memory_space<hbm>>) dst(%dma_wait3A_659 : memref<128x128xf32, #tpu.memory_space<vmem>>)
    %add3A_667 = arith.constant 5760 : i32
    %add3A_668 = arith.addi %mul3A_2, %add3A_667 : i32
    %dma_start3A_669 = arith.constant 3 : i32
    %dma_start3A_670 = arith.constant 3 : i32
    %dma_start3A_671 = arith.constant 0 : i32
    %dma_start3A_672 = arith.constant 0 : i32
    %dma_start3A_673 = tpu.memref_slice %arg6[%dma_start3A_669, %dma_start3A_671, %dma_start3A_672] : memref<7x128x128xf32, #tpu.memory_space<vmem>> -> memref<1x128x128xf32, #tpu.memory_space<vmem>>
    %dma_start3A_674 = tpu.memref_squeeze %dma_start3A_673 : memref<1x128x128xf32, #tpu.memory_space<vmem>> -> memref<128x128xf32, #tpu.memory_space<vmem>>
    %dma_start3A_675 = arith.constant 0 : i32
    %dma_start3A_676 = tpu.memref_slice %arg4[%add3A_668, %dma_start3A_675] : memref<204800x128xf32, #tpu.memory_space<hbm>> -> memref<128x128xf32, #tpu.memory_space<hbm>>
    %dma_start3A_677 = tpu.memref_slice %arg8[%dma_start3A_670] : memref<7x!tpu.dma_semaphore, #tpu.memory_space<semaphore_mem>> -> memref<1x!tpu.dma_semaphore, #tpu.memory_space<semaphore_mem>>
    %dma_start3A_678 = tpu.memref_squeeze %dma_start3A_677 : memref<1x!tpu.dma_semaphore, #tpu.memory_space<semaphore_mem>> -> memref<!tpu.dma_semaphore, #tpu.memory_space<semaphore_mem>>
    %dma_start3A_679 = arith.constant 0 : i32
    %dma_start3A_680 = tpu.memref_slice %arg4[%add3A_668, %dma_start3A_679] : memref<204800x128xf32, #tpu.memory_space<hbm>> -> memref<128x128xf32, #tpu.memory_space<hbm>>
    %dma_start3A_681 = arith.constant 0 : i32
    %dma_start3A_682 = arith.constant 0 : i32
    %dma_start3A_683 = tpu.memref_slice %arg6[%dma_start3A_669, %dma_start3A_681, %dma_start3A_682] : memref<7x128x128xf32, #tpu.memory_space<vmem>> -> memref<1x128x128xf32, #tpu.memory_space<vmem>>
    %dma_start3A_684 = tpu.memref_squeeze %dma_start3A_683 : memref<1x128x128xf32, #tpu.memory_space<vmem>> -> memref<128x128xf32, #tpu.memory_space<vmem>>
    tpu.enqueue_dma source(%dma_start3A_684 : memref<128x128xf32, #tpu.memory_space<vmem>>) target(%dma_start3A_680 : memref<128x128xf32, #tpu.memory_space<hbm>>) target_semaphore(%dma_start3A_678 : memref<!tpu.dma_semaphore, #tpu.memory_space<semaphore_mem>>)
    %dma_wait3A_685 = arith.constant 4 : i32
    %dma_wait3A_686 = arith.constant 4 : i32
    %dma_wait3A_687 = arith.constant 0 : i32
    %dma_wait3A_688 = arith.constant 0 : i32
    %dma_wait3A_689 = tpu.memref_slice %arg6[%dma_wait3A_685, %dma_wait3A_687, %dma_wait3A_688] : memref<7x128x128xf32, #tpu.memory_space<vmem>> -> memref<1x128x128xf32, #tpu.memory_space<vmem>>
    %dma_wait3A_690 = tpu.memref_squeeze %dma_wait3A_689 : memref<1x128x128xf32, #tpu.memory_space<vmem>> -> memref<128x128xf32, #tpu.memory_space<vmem>>
    %dma_wait3A_691 = arith.constant 5888 : i32
    %dma_wait3A_692 = tpu.memref_slice %arg5[%dma_wait3A_691] : memref<6400xi32, #tpu.memory_space<vmem>> -> memref<128xi32, #tpu.memory_space<vmem>>
    %dma_wait3A_693 = arith.constant 0 : i32
    %dma_wait3A_694 = arith.constant 0 : i32
    %dma_wait3A_695 = tpu.memref_slice %arg3[%dma_wait3A_693, %dma_wait3A_694] : memref<100000x128xf32, #tpu.memory_space<hbm>> -> memref<100000x128xf32, #tpu.memory_space<hbm>>
    %dma_wait3A_696 = tpu.memref_slice %arg7[%dma_wait3A_686] : memref<7x!tpu.dma_semaphore, #tpu.memory_space<semaphore_mem>> -> memref<1x!tpu.dma_semaphore, #tpu.memory_space<semaphore_mem>>
    %dma_wait3A_697 = tpu.memref_squeeze %dma_wait3A_696 : memref<1x!tpu.dma_semaphore, #tpu.memory_space<semaphore_mem>> -> memref<!tpu.dma_semaphore, #tpu.memory_space<semaphore_mem>>
    tpu.wait_indirect_dma semaphore(%dma_wait3A_697 : memref<!tpu.dma_semaphore, #tpu.memory_space<semaphore_mem>>) src(%dma_wait3A_695 : memref<100000x128xf32, #tpu.memory_space<hbm>>) dst(%dma_wait3A_690 : memref<128x128xf32, #tpu.memory_space<vmem>>)
    %add3A_698 = arith.constant 5888 : i32
    %add3A_699 = arith.addi %mul3A_2, %add3A_698 : i32
    %dma_start3A_700 = arith.constant 4 : i32
    %dma_start3A_701 = arith.constant 4 : i32
    %dma_start3A_702 = arith.constant 0 : i32
    %dma_start3A_703 = arith.constant 0 : i32
    %dma_start3A_704 = tpu.memref_slice %arg6[%dma_start3A_700, %dma_start3A_702, %dma_start3A_703] : memref<7x128x128xf32, #tpu.memory_space<vmem>> -> memref<1x128x128xf32, #tpu.memory_space<vmem>>
    %dma_start3A_705 = tpu.memref_squeeze %dma_start3A_704 : memref<1x128x128xf32, #tpu.memory_space<vmem>> -> memref<128x128xf32, #tpu.memory_space<vmem>>
    %dma_start3A_706 = arith.constant 0 : i32
    %dma_start3A_707 = tpu.memref_slice %arg4[%add3A_699, %dma_start3A_706] : memref<204800x128xf32, #tpu.memory_space<hbm>> -> memref<128x128xf32, #tpu.memory_space<hbm>>
    %dma_start3A_708 = tpu.memref_slice %arg8[%dma_start3A_701] : memref<7x!tpu.dma_semaphore, #tpu.memory_space<semaphore_mem>> -> memref<1x!tpu.dma_semaphore, #tpu.memory_space<semaphore_mem>>
    %dma_start3A_709 = tpu.memref_squeeze %dma_start3A_708 : memref<1x!tpu.dma_semaphore, #tpu.memory_space<semaphore_mem>> -> memref<!tpu.dma_semaphore, #tpu.memory_space<semaphore_mem>>
    %dma_start3A_710 = arith.constant 0 : i32
    %dma_start3A_711 = tpu.memref_slice %arg4[%add3A_699, %dma_start3A_710] : memref<204800x128xf32, #tpu.memory_space<hbm>> -> memref<128x128xf32, #tpu.memory_space<hbm>>
    %dma_start3A_712 = arith.constant 0 : i32
    %dma_start3A_713 = arith.constant 0 : i32
    %dma_start3A_714 = tpu.memref_slice %arg6[%dma_start3A_700, %dma_start3A_712, %dma_start3A_713] : memref<7x128x128xf32, #tpu.memory_space<vmem>> -> memref<1x128x128xf32, #tpu.memory_space<vmem>>
    %dma_start3A_715 = tpu.memref_squeeze %dma_start3A_714 : memref<1x128x128xf32, #tpu.memory_space<vmem>> -> memref<128x128xf32, #tpu.memory_space<vmem>>
    tpu.enqueue_dma source(%dma_start3A_715 : memref<128x128xf32, #tpu.memory_space<vmem>>) target(%dma_start3A_711 : memref<128x128xf32, #tpu.memory_space<hbm>>) target_semaphore(%dma_start3A_709 : memref<!tpu.dma_semaphore, #tpu.memory_space<semaphore_mem>>)
    %dma_wait3A_716 = arith.constant 5 : i32
    %dma_wait3A_717 = arith.constant 5 : i32
    %dma_wait3A_718 = arith.constant 0 : i32
    %dma_wait3A_719 = arith.constant 0 : i32
    %dma_wait3A_720 = tpu.memref_slice %arg6[%dma_wait3A_716, %dma_wait3A_718, %dma_wait3A_719] : memref<7x128x128xf32, #tpu.memory_space<vmem>> -> memref<1x128x128xf32, #tpu.memory_space<vmem>>
    %dma_wait3A_721 = tpu.memref_squeeze %dma_wait3A_720 : memref<1x128x128xf32, #tpu.memory_space<vmem>> -> memref<128x128xf32, #tpu.memory_space<vmem>>
    %dma_wait3A_722 = arith.constant 6016 : i32
    %dma_wait3A_723 = tpu.memref_slice %arg5[%dma_wait3A_722] : memref<6400xi32, #tpu.memory_space<vmem>> -> memref<128xi32, #tpu.memory_space<vmem>>
    %dma_wait3A_724 = arith.constant 0 : i32
    %dma_wait3A_725 = arith.constant 0 : i32
    %dma_wait3A_726 = tpu.memref_slice %arg3[%dma_wait3A_724, %dma_wait3A_725] : memref<100000x128xf32, #tpu.memory_space<hbm>> -> memref<100000x128xf32, #tpu.memory_space<hbm>>
    %dma_wait3A_727 = tpu.memref_slice %arg7[%dma_wait3A_717] : memref<7x!tpu.dma_semaphore, #tpu.memory_space<semaphore_mem>> -> memref<1x!tpu.dma_semaphore, #tpu.memory_space<semaphore_mem>>
    %dma_wait3A_728 = tpu.memref_squeeze %dma_wait3A_727 : memref<1x!tpu.dma_semaphore, #tpu.memory_space<semaphore_mem>> -> memref<!tpu.dma_semaphore, #tpu.memory_space<semaphore_mem>>
    tpu.wait_indirect_dma semaphore(%dma_wait3A_728 : memref<!tpu.dma_semaphore, #tpu.memory_space<semaphore_mem>>) src(%dma_wait3A_726 : memref<100000x128xf32, #tpu.memory_space<hbm>>) dst(%dma_wait3A_721 : memref<128x128xf32, #tpu.memory_space<vmem>>)
    %add3A_729 = arith.constant 6016 : i32
    %add3A_730 = arith.addi %mul3A_2, %add3A_729 : i32
    %dma_start3A_731 = arith.constant 5 : i32
    %dma_start3A_732 = arith.constant 5 : i32
    %dma_start3A_733 = arith.constant 0 : i32
    %dma_start3A_734 = arith.constant 0 : i32
    %dma_start3A_735 = tpu.memref_slice %arg6[%dma_start3A_731, %dma_start3A_733, %dma_start3A_734] : memref<7x128x128xf32, #tpu.memory_space<vmem>> -> memref<1x128x128xf32, #tpu.memory_space<vmem>>
    %dma_start3A_736 = tpu.memref_squeeze %dma_start3A_735 : memref<1x128x128xf32, #tpu.memory_space<vmem>> -> memref<128x128xf32, #tpu.memory_space<vmem>>
    %dma_start3A_737 = arith.constant 0 : i32
    %dma_start3A_738 = tpu.memref_slice %arg4[%add3A_730, %dma_start3A_737] : memref<204800x128xf32, #tpu.memory_space<hbm>> -> memref<128x128xf32, #tpu.memory_space<hbm>>
    %dma_start3A_739 = tpu.memref_slice %arg8[%dma_start3A_732] : memref<7x!tpu.dma_semaphore, #tpu.memory_space<semaphore_mem>> -> memref<1x!tpu.dma_semaphore, #tpu.memory_space<semaphore_mem>>
    %dma_start3A_740 = tpu.memref_squeeze %dma_start3A_739 : memref<1x!tpu.dma_semaphore, #tpu.memory_space<semaphore_mem>> -> memref<!tpu.dma_semaphore, #tpu.memory_space<semaphore_mem>>
    %dma_start3A_741 = arith.constant 0 : i32
    %dma_start3A_742 = tpu.memref_slice %arg4[%add3A_730, %dma_start3A_741] : memref<204800x128xf32, #tpu.memory_space<hbm>> -> memref<128x128xf32, #tpu.memory_space<hbm>>
    %dma_start3A_743 = arith.constant 0 : i32
    %dma_start3A_744 = arith.constant 0 : i32
    %dma_start3A_745 = tpu.memref_slice %arg6[%dma_start3A_731, %dma_start3A_743, %dma_start3A_744] : memref<7x128x128xf32, #tpu.memory_space<vmem>> -> memref<1x128x128xf32, #tpu.memory_space<vmem>>
    %dma_start3A_746 = tpu.memref_squeeze %dma_start3A_745 : memref<1x128x128xf32, #tpu.memory_space<vmem>> -> memref<128x128xf32, #tpu.memory_space<vmem>>
    tpu.enqueue_dma source(%dma_start3A_746 : memref<128x128xf32, #tpu.memory_space<vmem>>) target(%dma_start3A_742 : memref<128x128xf32, #tpu.memory_space<hbm>>) target_semaphore(%dma_start3A_740 : memref<!tpu.dma_semaphore, #tpu.memory_space<semaphore_mem>>)
    %dma_wait3A_747 = arith.constant 6 : i32
    %dma_wait3A_748 = arith.constant 6 : i32
    %dma_wait3A_749 = arith.constant 0 : i32
    %dma_wait3A_750 = arith.constant 0 : i32
    %dma_wait3A_751 = tpu.memref_slice %arg6[%dma_wait3A_747, %dma_wait3A_749, %dma_wait3A_750] : memref<7x128x128xf32, #tpu.memory_space<vmem>> -> memref<1x128x128xf32, #tpu.memory_space<vmem>>
    %dma_wait3A_752 = tpu.memref_squeeze %dma_wait3A_751 : memref<1x128x128xf32, #tpu.memory_space<vmem>> -> memref<128x128xf32, #tpu.memory_space<vmem>>
    %dma_wait3A_753 = arith.constant 6144 : i32
    %dma_wait3A_754 = tpu.memref_slice %arg5[%dma_wait3A_753] : memref<6400xi32, #tpu.memory_space<vmem>> -> memref<128xi32, #tpu.memory_space<vmem>>
    %dma_wait3A_755 = arith.constant 0 : i32
    %dma_wait3A_756 = arith.constant 0 : i32
    %dma_wait3A_757 = tpu.memref_slice %arg3[%dma_wait3A_755, %dma_wait3A_756] : memref<100000x128xf32, #tpu.memory_space<hbm>> -> memref<100000x128xf32, #tpu.memory_space<hbm>>
    %dma_wait3A_758 = tpu.memref_slice %arg7[%dma_wait3A_748] : memref<7x!tpu.dma_semaphore, #tpu.memory_space<semaphore_mem>> -> memref<1x!tpu.dma_semaphore, #tpu.memory_space<semaphore_mem>>
    %dma_wait3A_759 = tpu.memref_squeeze %dma_wait3A_758 : memref<1x!tpu.dma_semaphore, #tpu.memory_space<semaphore_mem>> -> memref<!tpu.dma_semaphore, #tpu.memory_space<semaphore_mem>>
    tpu.wait_indirect_dma semaphore(%dma_wait3A_759 : memref<!tpu.dma_semaphore, #tpu.memory_space<semaphore_mem>>) src(%dma_wait3A_757 : memref<100000x128xf32, #tpu.memory_space<hbm>>) dst(%dma_wait3A_752 : memref<128x128xf32, #tpu.memory_space<vmem>>)
    %add3A_760 = arith.constant 6144 : i32
    %add3A_761 = arith.addi %mul3A_2, %add3A_760 : i32
    %dma_start3A_762 = arith.constant 6 : i32
    %dma_start3A_763 = arith.constant 6 : i32
    %dma_start3A_764 = arith.constant 0 : i32
    %dma_start3A_765 = arith.constant 0 : i32
    %dma_start3A_766 = tpu.memref_slice %arg6[%dma_start3A_762, %dma_start3A_764, %dma_start3A_765] : memref<7x128x128xf32, #tpu.memory_space<vmem>> -> memref<1x128x128xf32, #tpu.memory_space<vmem>>
    %dma_start3A_767 = tpu.memref_squeeze %dma_start3A_766 : memref<1x128x128xf32, #tpu.memory_space<vmem>> -> memref<128x128xf32, #tpu.memory_space<vmem>>
    %dma_start3A_768 = arith.constant 0 : i32
    %dma_start3A_769 = tpu.memref_slice %arg4[%add3A_761, %dma_start3A_768] : memref<204800x128xf32, #tpu.memory_space<hbm>> -> memref<128x128xf32, #tpu.memory_space<hbm>>
    %dma_start3A_770 = tpu.memref_slice %arg8[%dma_start3A_763] : memref<7x!tpu.dma_semaphore, #tpu.memory_space<semaphore_mem>> -> memref<1x!tpu.dma_semaphore, #tpu.memory_space<semaphore_mem>>
    %dma_start3A_771 = tpu.memref_squeeze %dma_start3A_770 : memref<1x!tpu.dma_semaphore, #tpu.memory_space<semaphore_mem>> -> memref<!tpu.dma_semaphore, #tpu.memory_space<semaphore_mem>>
    %dma_start3A_772 = arith.constant 0 : i32
    %dma_start3A_773 = tpu.memref_slice %arg4[%add3A_761, %dma_start3A_772] : memref<204800x128xf32, #tpu.memory_space<hbm>> -> memref<128x128xf32, #tpu.memory_space<hbm>>
    %dma_start3A_774 = arith.constant 0 : i32
    %dma_start3A_775 = arith.constant 0 : i32
    %dma_start3A_776 = tpu.memref_slice %arg6[%dma_start3A_762, %dma_start3A_774, %dma_start3A_775] : memref<7x128x128xf32, #tpu.memory_space<vmem>> -> memref<1x128x128xf32, #tpu.memory_space<vmem>>
    %dma_start3A_777 = tpu.memref_squeeze %dma_start3A_776 : memref<1x128x128xf32, #tpu.memory_space<vmem>> -> memref<128x128xf32, #tpu.memory_space<vmem>>
    tpu.enqueue_dma source(%dma_start3A_777 : memref<128x128xf32, #tpu.memory_space<vmem>>) target(%dma_start3A_773 : memref<128x128xf32, #tpu.memory_space<hbm>>) target_semaphore(%dma_start3A_771 : memref<!tpu.dma_semaphore, #tpu.memory_space<semaphore_mem>>)
    %dma_wait3A_778 = arith.constant 0 : i32
    %dma_wait3A_779 = arith.constant 0 : i32
    %dma_wait3A_780 = arith.constant 0 : i32
    %dma_wait3A_781 = arith.constant 0 : i32
    %dma_wait3A_782 = tpu.memref_slice %arg6[%dma_wait3A_778, %dma_wait3A_780, %dma_wait3A_781] : memref<7x128x128xf32, #tpu.memory_space<vmem>> -> memref<1x128x128xf32, #tpu.memory_space<vmem>>
    %dma_wait3A_783 = tpu.memref_squeeze %dma_wait3A_782 : memref<1x128x128xf32, #tpu.memory_space<vmem>> -> memref<128x128xf32, #tpu.memory_space<vmem>>
    %dma_wait3A_784 = arith.constant 6272 : i32
    %dma_wait3A_785 = tpu.memref_slice %arg5[%dma_wait3A_784] : memref<6400xi32, #tpu.memory_space<vmem>> -> memref<128xi32, #tpu.memory_space<vmem>>
    %dma_wait3A_786 = arith.constant 0 : i32
    %dma_wait3A_787 = arith.constant 0 : i32
    %dma_wait3A_788 = tpu.memref_slice %arg3[%dma_wait3A_786, %dma_wait3A_787] : memref<100000x128xf32, #tpu.memory_space<hbm>> -> memref<100000x128xf32, #tpu.memory_space<hbm>>
    %dma_wait3A_789 = tpu.memref_slice %arg7[%dma_wait3A_779] : memref<7x!tpu.dma_semaphore, #tpu.memory_space<semaphore_mem>> -> memref<1x!tpu.dma_semaphore, #tpu.memory_space<semaphore_mem>>
    %dma_wait3A_790 = tpu.memref_squeeze %dma_wait3A_789 : memref<1x!tpu.dma_semaphore, #tpu.memory_space<semaphore_mem>> -> memref<!tpu.dma_semaphore, #tpu.memory_space<semaphore_mem>>
    tpu.wait_indirect_dma semaphore(%dma_wait3A_790 : memref<!tpu.dma_semaphore, #tpu.memory_space<semaphore_mem>>) src(%dma_wait3A_788 : memref<100000x128xf32, #tpu.memory_space<hbm>>) dst(%dma_wait3A_783 : memref<128x128xf32, #tpu.memory_space<vmem>>)
    %add3A_791 = arith.constant 6272 : i32
    %add3A_792 = arith.addi %mul3A_2, %add3A_791 : i32
    %dma_start3A_793 = arith.constant 0 : i32
    %dma_start3A_794 = arith.constant 0 : i32
    %dma_start3A_795 = arith.constant 0 : i32
    %dma_start3A_796 = arith.constant 0 : i32
    %dma_start3A_797 = tpu.memref_slice %arg6[%dma_start3A_793, %dma_start3A_795, %dma_start3A_796] : memref<7x128x128xf32, #tpu.memory_space<vmem>> -> memref<1x128x128xf32, #tpu.memory_space<vmem>>
    %dma_start3A_798 = tpu.memref_squeeze %dma_start3A_797 : memref<1x128x128xf32, #tpu.memory_space<vmem>> -> memref<128x128xf32, #tpu.memory_space<vmem>>
    %dma_start3A_799 = arith.constant 0 : i32
    %dma_start3A_800 = tpu.memref_slice %arg4[%add3A_792, %dma_start3A_799] : memref<204800x128xf32, #tpu.memory_space<hbm>> -> memref<128x128xf32, #tpu.memory_space<hbm>>
    %dma_start3A_801 = tpu.memref_slice %arg8[%dma_start3A_794] : memref<7x!tpu.dma_semaphore, #tpu.memory_space<semaphore_mem>> -> memref<1x!tpu.dma_semaphore, #tpu.memory_space<semaphore_mem>>
    %dma_start3A_802 = tpu.memref_squeeze %dma_start3A_801 : memref<1x!tpu.dma_semaphore, #tpu.memory_space<semaphore_mem>> -> memref<!tpu.dma_semaphore, #tpu.memory_space<semaphore_mem>>
    %dma_start3A_803 = arith.constant 0 : i32
    %dma_start3A_804 = tpu.memref_slice %arg4[%add3A_792, %dma_start3A_803] : memref<204800x128xf32, #tpu.memory_space<hbm>> -> memref<128x128xf32, #tpu.memory_space<hbm>>
    %dma_start3A_805 = arith.constant 0 : i32
    %dma_start3A_806 = arith.constant 0 : i32
    %dma_start3A_807 = tpu.memref_slice %arg6[%dma_start3A_793, %dma_start3A_805, %dma_start3A_806] : memref<7x128x128xf32, #tpu.memory_space<vmem>> -> memref<1x128x128xf32, #tpu.memory_space<vmem>>
    %dma_start3A_808 = tpu.memref_squeeze %dma_start3A_807 : memref<1x128x128xf32, #tpu.memory_space<vmem>> -> memref<128x128xf32, #tpu.memory_space<vmem>>
    tpu.enqueue_dma source(%dma_start3A_808 : memref<128x128xf32, #tpu.memory_space<vmem>>) target(%dma_start3A_804 : memref<128x128xf32, #tpu.memory_space<hbm>>) target_semaphore(%dma_start3A_802 : memref<!tpu.dma_semaphore, #tpu.memory_space<semaphore_mem>>)
    %add3A_809 = arith.constant 5504 : i32
    %add3A_810 = arith.addi %mul3A_2, %add3A_809 : i32
    %dma_wait3A_811 = arith.constant 1 : i32
    %dma_wait3A_812 = arith.constant 1 : i32
    %dma_wait3A_813 = arith.constant 0 : i32
    %dma_wait3A_814 = arith.constant 0 : i32
    %dma_wait3A_815 = tpu.memref_slice %arg6[%dma_wait3A_811, %dma_wait3A_813, %dma_wait3A_814] : memref<7x128x128xf32, #tpu.memory_space<vmem>> -> memref<1x128x128xf32, #tpu.memory_space<vmem>>
    %dma_wait3A_816 = tpu.memref_squeeze %dma_wait3A_815 : memref<1x128x128xf32, #tpu.memory_space<vmem>> -> memref<128x128xf32, #tpu.memory_space<vmem>>
    %dma_wait3A_817 = arith.constant 0 : i32
    %dma_wait3A_818 = tpu.memref_slice %arg4[%add3A_810, %dma_wait3A_817] : memref<204800x128xf32, #tpu.memory_space<hbm>> -> memref<128x128xf32, #tpu.memory_space<hbm>>
    %dma_wait3A_819 = tpu.memref_slice %arg8[%dma_wait3A_812] : memref<7x!tpu.dma_semaphore, #tpu.memory_space<semaphore_mem>> -> memref<1x!tpu.dma_semaphore, #tpu.memory_space<semaphore_mem>>
    %dma_wait3A_820 = tpu.memref_squeeze %dma_wait3A_819 : memref<1x!tpu.dma_semaphore, #tpu.memory_space<semaphore_mem>> -> memref<!tpu.dma_semaphore, #tpu.memory_space<semaphore_mem>>
    %dma_wait3A_821 = arith.constant 0 : i32
    %dma_wait3A_822 = tpu.memref_slice %arg4[%add3A_810, %dma_wait3A_821] : memref<204800x128xf32, #tpu.memory_space<hbm>> -> memref<128x128xf32, #tpu.memory_space<hbm>>
    %dma_wait3A_823 = arith.constant 0 : i32
    %dma_wait3A_824 = arith.constant 0 : i32
    %dma_wait3A_825 = tpu.memref_slice %arg6[%dma_wait3A_811, %dma_wait3A_823, %dma_wait3A_824] : memref<7x128x128xf32, #tpu.memory_space<vmem>> -> memref<1x128x128xf32, #tpu.memory_space<vmem>>
    %dma_wait3A_826 = tpu.memref_squeeze %dma_wait3A_825 : memref<1x128x128xf32, #tpu.memory_space<vmem>> -> memref<128x128xf32, #tpu.memory_space<vmem>>
    tpu.wait_dma2 semaphore(%dma_wait3A_820 : memref<!tpu.dma_semaphore, #tpu.memory_space<semaphore_mem>>) src(%dma_wait3A_826 : memref<128x128xf32, #tpu.memory_space<vmem>>) dst(%dma_wait3A_822 : memref<128x128xf32, #tpu.memory_space<hbm>>)
    %add3A_827 = arith.constant 5632 : i32
    %add3A_828 = arith.addi %mul3A_2, %add3A_827 : i32
    %dma_wait3A_829 = arith.constant 2 : i32
    %dma_wait3A_830 = arith.constant 2 : i32
    %dma_wait3A_831 = arith.constant 0 : i32
    %dma_wait3A_832 = arith.constant 0 : i32
    %dma_wait3A_833 = tpu.memref_slice %arg6[%dma_wait3A_829, %dma_wait3A_831, %dma_wait3A_832] : memref<7x128x128xf32, #tpu.memory_space<vmem>> -> memref<1x128x128xf32, #tpu.memory_space<vmem>>
    %dma_wait3A_834 = tpu.memref_squeeze %dma_wait3A_833 : memref<1x128x128xf32, #tpu.memory_space<vmem>> -> memref<128x128xf32, #tpu.memory_space<vmem>>
    %dma_wait3A_835 = arith.constant 0 : i32
    %dma_wait3A_836 = tpu.memref_slice %arg4[%add3A_828, %dma_wait3A_835] : memref<204800x128xf32, #tpu.memory_space<hbm>> -> memref<128x128xf32, #tpu.memory_space<hbm>>
    %dma_wait3A_837 = tpu.memref_slice %arg8[%dma_wait3A_830] : memref<7x!tpu.dma_semaphore, #tpu.memory_space<semaphore_mem>> -> memref<1x!tpu.dma_semaphore, #tpu.memory_space<semaphore_mem>>
    %dma_wait3A_838 = tpu.memref_squeeze %dma_wait3A_837 : memref<1x!tpu.dma_semaphore, #tpu.memory_space<semaphore_mem>> -> memref<!tpu.dma_semaphore, #tpu.memory_space<semaphore_mem>>
    %dma_wait3A_839 = arith.constant 0 : i32
    %dma_wait3A_840 = tpu.memref_slice %arg4[%add3A_828, %dma_wait3A_839] : memref<204800x128xf32, #tpu.memory_space<hbm>> -> memref<128x128xf32, #tpu.memory_space<hbm>>
    %dma_wait3A_841 = arith.constant 0 : i32
    %dma_wait3A_842 = arith.constant 0 : i32
    %dma_wait3A_843 = tpu.memref_slice %arg6[%dma_wait3A_829, %dma_wait3A_841, %dma_wait3A_842] : memref<7x128x128xf32, #tpu.memory_space<vmem>> -> memref<1x128x128xf32, #tpu.memory_space<vmem>>
    %dma_wait3A_844 = tpu.memref_squeeze %dma_wait3A_843 : memref<1x128x128xf32, #tpu.memory_space<vmem>> -> memref<128x128xf32, #tpu.memory_space<vmem>>
    tpu.wait_dma2 semaphore(%dma_wait3A_838 : memref<!tpu.dma_semaphore, #tpu.memory_space<semaphore_mem>>) src(%dma_wait3A_844 : memref<128x128xf32, #tpu.memory_space<vmem>>) dst(%dma_wait3A_840 : memref<128x128xf32, #tpu.memory_space<hbm>>)
    %add3A_845 = arith.constant 5760 : i32
    %add3A_846 = arith.addi %mul3A_2, %add3A_845 : i32
    %dma_wait3A_847 = arith.constant 3 : i32
    %dma_wait3A_848 = arith.constant 3 : i32
    %dma_wait3A_849 = arith.constant 0 : i32
    %dma_wait3A_850 = arith.constant 0 : i32
    %dma_wait3A_851 = tpu.memref_slice %arg6[%dma_wait3A_847, %dma_wait3A_849, %dma_wait3A_850] : memref<7x128x128xf32, #tpu.memory_space<vmem>> -> memref<1x128x128xf32, #tpu.memory_space<vmem>>
    %dma_wait3A_852 = tpu.memref_squeeze %dma_wait3A_851 : memref<1x128x128xf32, #tpu.memory_space<vmem>> -> memref<128x128xf32, #tpu.memory_space<vmem>>
    %dma_wait3A_853 = arith.constant 0 : i32
    %dma_wait3A_854 = tpu.memref_slice %arg4[%add3A_846, %dma_wait3A_853] : memref<204800x128xf32, #tpu.memory_space<hbm>> -> memref<128x128xf32, #tpu.memory_space<hbm>>
    %dma_wait3A_855 = tpu.memref_slice %arg8[%dma_wait3A_848] : memref<7x!tpu.dma_semaphore, #tpu.memory_space<semaphore_mem>> -> memref<1x!tpu.dma_semaphore, #tpu.memory_space<semaphore_mem>>
    %dma_wait3A_856 = tpu.memref_squeeze %dma_wait3A_855 : memref<1x!tpu.dma_semaphore, #tpu.memory_space<semaphore_mem>> -> memref<!tpu.dma_semaphore, #tpu.memory_space<semaphore_mem>>
    %dma_wait3A_857 = arith.constant 0 : i32
    %dma_wait3A_858 = tpu.memref_slice %arg4[%add3A_846, %dma_wait3A_857] : memref<204800x128xf32, #tpu.memory_space<hbm>> -> memref<128x128xf32, #tpu.memory_space<hbm>>
    %dma_wait3A_859 = arith.constant 0 : i32
    %dma_wait3A_860 = arith.constant 0 : i32
    %dma_wait3A_861 = tpu.memref_slice %arg6[%dma_wait3A_847, %dma_wait3A_859, %dma_wait3A_860] : memref<7x128x128xf32, #tpu.memory_space<vmem>> -> memref<1x128x128xf32, #tpu.memory_space<vmem>>
    %dma_wait3A_862 = tpu.memref_squeeze %dma_wait3A_861 : memref<1x128x128xf32, #tpu.memory_space<vmem>> -> memref<128x128xf32, #tpu.memory_space<vmem>>
    tpu.wait_dma2 semaphore(%dma_wait3A_856 : memref<!tpu.dma_semaphore, #tpu.memory_space<semaphore_mem>>) src(%dma_wait3A_862 : memref<128x128xf32, #tpu.memory_space<vmem>>) dst(%dma_wait3A_858 : memref<128x128xf32, #tpu.memory_space<hbm>>)
    %add3A_863 = arith.constant 5888 : i32
    %add3A_864 = arith.addi %mul3A_2, %add3A_863 : i32
    %dma_wait3A_865 = arith.constant 4 : i32
    %dma_wait3A_866 = arith.constant 4 : i32
    %dma_wait3A_867 = arith.constant 0 : i32
    %dma_wait3A_868 = arith.constant 0 : i32
    %dma_wait3A_869 = tpu.memref_slice %arg6[%dma_wait3A_865, %dma_wait3A_867, %dma_wait3A_868] : memref<7x128x128xf32, #tpu.memory_space<vmem>> -> memref<1x128x128xf32, #tpu.memory_space<vmem>>
    %dma_wait3A_870 = tpu.memref_squeeze %dma_wait3A_869 : memref<1x128x128xf32, #tpu.memory_space<vmem>> -> memref<128x128xf32, #tpu.memory_space<vmem>>
    %dma_wait3A_871 = arith.constant 0 : i32
    %dma_wait3A_872 = tpu.memref_slice %arg4[%add3A_864, %dma_wait3A_871] : memref<204800x128xf32, #tpu.memory_space<hbm>> -> memref<128x128xf32, #tpu.memory_space<hbm>>
    %dma_wait3A_873 = tpu.memref_slice %arg8[%dma_wait3A_866] : memref<7x!tpu.dma_semaphore, #tpu.memory_space<semaphore_mem>> -> memref<1x!tpu.dma_semaphore, #tpu.memory_space<semaphore_mem>>
    %dma_wait3A_874 = tpu.memref_squeeze %dma_wait3A_873 : memref<1x!tpu.dma_semaphore, #tpu.memory_space<semaphore_mem>> -> memref<!tpu.dma_semaphore, #tpu.memory_space<semaphore_mem>>
    %dma_wait3A_875 = arith.constant 0 : i32
    %dma_wait3A_876 = tpu.memref_slice %arg4[%add3A_864, %dma_wait3A_875] : memref<204800x128xf32, #tpu.memory_space<hbm>> -> memref<128x128xf32, #tpu.memory_space<hbm>>
    %dma_wait3A_877 = arith.constant 0 : i32
    %dma_wait3A_878 = arith.constant 0 : i32
    %dma_wait3A_879 = tpu.memref_slice %arg6[%dma_wait3A_865, %dma_wait3A_877, %dma_wait3A_878] : memref<7x128x128xf32, #tpu.memory_space<vmem>> -> memref<1x128x128xf32, #tpu.memory_space<vmem>>
    %dma_wait3A_880 = tpu.memref_squeeze %dma_wait3A_879 : memref<1x128x128xf32, #tpu.memory_space<vmem>> -> memref<128x128xf32, #tpu.memory_space<vmem>>
    tpu.wait_dma2 semaphore(%dma_wait3A_874 : memref<!tpu.dma_semaphore, #tpu.memory_space<semaphore_mem>>) src(%dma_wait3A_880 : memref<128x128xf32, #tpu.memory_space<vmem>>) dst(%dma_wait3A_876 : memref<128x128xf32, #tpu.memory_space<hbm>>)
    %add3A_881 = arith.constant 6016 : i32
    %add3A_882 = arith.addi %mul3A_2, %add3A_881 : i32
    %dma_wait3A_883 = arith.constant 5 : i32
    %dma_wait3A_884 = arith.constant 5 : i32
    %dma_wait3A_885 = arith.constant 0 : i32
    %dma_wait3A_886 = arith.constant 0 : i32
    %dma_wait3A_887 = tpu.memref_slice %arg6[%dma_wait3A_883, %dma_wait3A_885, %dma_wait3A_886] : memref<7x128x128xf32, #tpu.memory_space<vmem>> -> memref<1x128x128xf32, #tpu.memory_space<vmem>>
    %dma_wait3A_888 = tpu.memref_squeeze %dma_wait3A_887 : memref<1x128x128xf32, #tpu.memory_space<vmem>> -> memref<128x128xf32, #tpu.memory_space<vmem>>
    %dma_wait3A_889 = arith.constant 0 : i32
    %dma_wait3A_890 = tpu.memref_slice %arg4[%add3A_882, %dma_wait3A_889] : memref<204800x128xf32, #tpu.memory_space<hbm>> -> memref<128x128xf32, #tpu.memory_space<hbm>>
    %dma_wait3A_891 = tpu.memref_slice %arg8[%dma_wait3A_884] : memref<7x!tpu.dma_semaphore, #tpu.memory_space<semaphore_mem>> -> memref<1x!tpu.dma_semaphore, #tpu.memory_space<semaphore_mem>>
    %dma_wait3A_892 = tpu.memref_squeeze %dma_wait3A_891 : memref<1x!tpu.dma_semaphore, #tpu.memory_space<semaphore_mem>> -> memref<!tpu.dma_semaphore, #tpu.memory_space<semaphore_mem>>
    %dma_wait3A_893 = arith.constant 0 : i32
    %dma_wait3A_894 = tpu.memref_slice %arg4[%add3A_882, %dma_wait3A_893] : memref<204800x128xf32, #tpu.memory_space<hbm>> -> memref<128x128xf32, #tpu.memory_space<hbm>>
    %dma_wait3A_895 = arith.constant 0 : i32
    %dma_wait3A_896 = arith.constant 0 : i32
    %dma_wait3A_897 = tpu.memref_slice %arg6[%dma_wait3A_883, %dma_wait3A_895, %dma_wait3A_896] : memref<7x128x128xf32, #tpu.memory_space<vmem>> -> memref<1x128x128xf32, #tpu.memory_space<vmem>>
    %dma_wait3A_898 = tpu.memref_squeeze %dma_wait3A_897 : memref<1x128x128xf32, #tpu.memory_space<vmem>> -> memref<128x128xf32, #tpu.memory_space<vmem>>
    tpu.wait_dma2 semaphore(%dma_wait3A_892 : memref<!tpu.dma_semaphore, #tpu.memory_space<semaphore_mem>>) src(%dma_wait3A_898 : memref<128x128xf32, #tpu.memory_space<vmem>>) dst(%dma_wait3A_894 : memref<128x128xf32, #tpu.memory_space<hbm>>)
    %add3A_899 = arith.constant 6144 : i32
    %add3A_900 = arith.addi %mul3A_2, %add3A_899 : i32
    %dma_wait3A_901 = arith.constant 6 : i32
    %dma_wait3A_902 = arith.constant 6 : i32
    %dma_wait3A_903 = arith.constant 0 : i32
    %dma_wait3A_904 = arith.constant 0 : i32
    %dma_wait3A_905 = tpu.memref_slice %arg6[%dma_wait3A_901, %dma_wait3A_903, %dma_wait3A_904] : memref<7x128x128xf32, #tpu.memory_space<vmem>> -> memref<1x128x128xf32, #tpu.memory_space<vmem>>
    %dma_wait3A_906 = tpu.memref_squeeze %dma_wait3A_905 : memref<1x128x128xf32, #tpu.memory_space<vmem>> -> memref<128x128xf32, #tpu.memory_space<vmem>>
    %dma_wait3A_907 = arith.constant 0 : i32
    %dma_wait3A_908 = tpu.memref_slice %arg4[%add3A_900, %dma_wait3A_907] : memref<204800x128xf32, #tpu.memory_space<hbm>> -> memref<128x128xf32, #tpu.memory_space<hbm>>
    %dma_wait3A_909 = tpu.memref_slice %arg8[%dma_wait3A_902] : memref<7x!tpu.dma_semaphore, #tpu.memory_space<semaphore_mem>> -> memref<1x!tpu.dma_semaphore, #tpu.memory_space<semaphore_mem>>
    %dma_wait3A_910 = tpu.memref_squeeze %dma_wait3A_909 : memref<1x!tpu.dma_semaphore, #tpu.memory_space<semaphore_mem>> -> memref<!tpu.dma_semaphore, #tpu.memory_space<semaphore_mem>>
    %dma_wait3A_911 = arith.constant 0 : i32
    %dma_wait3A_912 = tpu.memref_slice %arg4[%add3A_900, %dma_wait3A_911] : memref<204800x128xf32, #tpu.memory_space<hbm>> -> memref<128x128xf32, #tpu.memory_space<hbm>>
    %dma_wait3A_913 = arith.constant 0 : i32
    %dma_wait3A_914 = arith.constant 0 : i32
    %dma_wait3A_915 = tpu.memref_slice %arg6[%dma_wait3A_901, %dma_wait3A_913, %dma_wait3A_914] : memref<7x128x128xf32, #tpu.memory_space<vmem>> -> memref<1x128x128xf32, #tpu.memory_space<vmem>>
    %dma_wait3A_916 = tpu.memref_squeeze %dma_wait3A_915 : memref<1x128x128xf32, #tpu.memory_space<vmem>> -> memref<128x128xf32, #tpu.memory_space<vmem>>
    tpu.wait_dma2 semaphore(%dma_wait3A_910 : memref<!tpu.dma_semaphore, #tpu.memory_space<semaphore_mem>>) src(%dma_wait3A_916 : memref<128x128xf32, #tpu.memory_space<vmem>>) dst(%dma_wait3A_912 : memref<128x128xf32, #tpu.memory_space<hbm>>)
    %add3A_917 = arith.constant 6272 : i32
    %add3A_918 = arith.addi %mul3A_2, %add3A_917 : i32
    %dma_wait3A_919 = arith.constant 0 : i32
    %dma_wait3A_920 = arith.constant 0 : i32
    %dma_wait3A_921 = arith.constant 0 : i32
    %dma_wait3A_922 = arith.constant 0 : i32
    %dma_wait3A_923 = tpu.memref_slice %arg6[%dma_wait3A_919, %dma_wait3A_921, %dma_wait3A_922] : memref<7x128x128xf32, #tpu.memory_space<vmem>> -> memref<1x128x128xf32, #tpu.memory_space<vmem>>
    %dma_wait3A_924 = tpu.memref_squeeze %dma_wait3A_923 : memref<1x128x128xf32, #tpu.memory_space<vmem>> -> memref<128x128xf32, #tpu.memory_space<vmem>>
    %dma_wait3A_925 = arith.constant 0 : i32
    %dma_wait3A_926 = tpu.memref_slice %arg4[%add3A_918, %dma_wait3A_925] : memref<204800x128xf32, #tpu.memory_space<hbm>> -> memref<128x128xf32, #tpu.memory_space<hbm>>
    %dma_wait3A_927 = tpu.memref_slice %arg8[%dma_wait3A_920] : memref<7x!tpu.dma_semaphore, #tpu.memory_space<semaphore_mem>> -> memref<1x!tpu.dma_semaphore, #tpu.memory_space<semaphore_mem>>
    %dma_wait3A_928 = tpu.memref_squeeze %dma_wait3A_927 : memref<1x!tpu.dma_semaphore, #tpu.memory_space<semaphore_mem>> -> memref<!tpu.dma_semaphore, #tpu.memory_space<semaphore_mem>>
    %dma_wait3A_929 = arith.constant 0 : i32
    %dma_wait3A_930 = tpu.memref_slice %arg4[%add3A_918, %dma_wait3A_929] : memref<204800x128xf32, #tpu.memory_space<hbm>> -> memref<128x128xf32, #tpu.memory_space<hbm>>
    %dma_wait3A_931 = arith.constant 0 : i32
    %dma_wait3A_932 = arith.constant 0 : i32
    %dma_wait3A_933 = tpu.memref_slice %arg6[%dma_wait3A_919, %dma_wait3A_931, %dma_wait3A_932] : memref<7x128x128xf32, #tpu.memory_space<vmem>> -> memref<1x128x128xf32, #tpu.memory_space<vmem>>
    %dma_wait3A_934 = tpu.memref_squeeze %dma_wait3A_933 : memref<1x128x128xf32, #tpu.memory_space<vmem>> -> memref<128x128xf32, #tpu.memory_space<vmem>>
    tpu.wait_dma2 semaphore(%dma_wait3A_928 : memref<!tpu.dma_semaphore, #tpu.memory_space<semaphore_mem>>) src(%dma_wait3A_934 : memref<128x128xf32, #tpu.memory_space<vmem>>) dst(%dma_wait3A_930 : memref<128x128xf32, #tpu.memory_space<hbm>>)
    return
  }
}

</mosaic_0001>

<sc_bundles>
// kernel: kernel.3.cloned.1.call-start
scs
__scs_entry_jumppad:
0x0: {  	(pc) =	sbr.rel $0x88, $3  }
0x1: {  	(tag) =	ssettag $0x0;
	lr =	simm.s32 $0x1  }
0x2: {  	[smem:$0x3F9F] =	sst lr;
	_ =	strace $0xD0000000  }
0x3: {  	_ = 	snop  }
0x4: {  	_ = 	snop  }
0x5: {  	_ = 	snop  }
0x6: {  	_ = 	snop  }
0x7: {  	_ = 	snop  }
__scs_overlays_trampoline_lowered:
0x8: {  	[smem:$0x3FAE] =	sst s0  }
0x9: {  	[smem:$0x3FAF] =	sst s1  }
0xa: {  	[smem:$0x3FB0] =	sst s2  }
0xb: {  	[smem:$0x3FB1] =	sst s3  }
0xc: {  	[smem:$0x3FB2] =	sst s4  }
0xd: {  	[smem:$0x3FB3] =	sst s5  }
0xe: {  	[smem:$0x3FB4] =	sst s6  }
0xf: {  	[smem:$0x3FB5] =	sst s7  }
0x10: {  	[smem:$0x3FB6] =	sst s8  }
0x11: {  	[smem:$0x3FB7] =	sst s9;
	s0 =	simm.s32 @!p0 $0x0  }
0x12: {  	s1 =	sld [smem:$0x3F9D];
	s0 =	simm.s32 @p0 $0x1  }
0x13: {  	[smem:$0x3FB8] =	sst s0;
	s0 =	simm.s32 @!p1 $0x0  }
0x14: {  	s2 =	sld [smem:$0x3F9C];
	s0 =	simm.s32 @p1 $0x1  }
0x15: {  	[smem:$0x3FB9] =	sst s0;
	s0 =	simm.s32 @!p2 $0x0  }
0x16: {  	s3 =	sld [smem:$0x3FDB];
	s0 =	simm.s32 @p2 $0x1  }
0x17: {  	s4 =	simm.s32 $0x1BF5;
	[smem:$0x3FBB] =	sst s0  }
0x18: {  	s0 =	sld [smem:$0x3F9E];
	_ =	swait.ge [sflag:s4], $0x0  }
0x19: {  	s7 =	sld [smem:$0x3F9F]  }
0x1a: {  	s8 =	sadd.s32 $0xFFFFE003, lr  }
0x1b: {  	s9 =	sadd.s32 $0xFFFFFEF7, lr;
	s5 =	simm.s32 $0xFFFFFFFF;
	p2 =	slt.u32 s8, $0xFFFFF086  }
0x1c: {  	p1 =	slt.u32 s9, $0xF7A;
	s5 =	simm.s32 @!p2 $0x0  }
0x1d: {  	s5 =	simm.s32 @p1 $0x1;
	p0 =	seq.s32 s7, s2  }
0x1e: {  	s7 =	smul.u32 @!p0 $0xF7A, s2;
	p2 =	seq.s32 @!p0 s5, $0x0  }
0x1f: {  	s9 =	smul.u32 $0xF7A, s1;
	s8 =	simm.s32 @!p0 $0x1BF5;
	p2 =	por !p2, p0  }
0x20: {  	[sflag:s8] =	ssyncset.s32 @!p0 $0xFFFFF086;
	s6 =	sadd.s32 @!p0 s3, s7;
	s7 =	simm.s32 @!p0 $0x108  }
0x21: {  	s3 =	sadd.s32 s3, s9;
	s6 =	sadd.s32 @!p0 $0x88, s6;
	s7 =	simm.s32 @p2 $0x1082  }
0x22: {  	[simem:s7], [sflag:s8] =	dma.local @!p0 [hbm:s6], $0xF7A  }
0x23: {  	s9 =	sor.u32 $0xD0000000, s2;
	s6 =	simm.s32 $0x108;
	_ =	swait.ge @!p0 [sflag:s8], $0x0  }
0x24: {  	s3 =	sadd.s32 $0x88, s3;
	s6 =	simm.s32 @!p1 $0x1082;
	[sflag:s4] =	ssyncset.s32 $0xFFFFF086  }
0x25: {  	[simem:s6], [sflag:s4] =	dma.local [hbm:s3], $0xF7A  }
0x26: {  	[smem:$0x3F9F] =	sst s1;
	(tag) =	ssettag s2;
	_ =	strace s9  }
0x27: {  	s1 =	sld [smem:$0x3FAF]  }
0x28: {  	s2 =	sld [smem:$0x3FB0]  }
0x29: {  	s4 =	sld [smem:$0x3FB2]  }
0x2a: {  	p0 =	seq.s32 s5, $0x0;
	s5 =	sld [smem:$0x3FB3]  }
0x2b: {  	s6 =	sld [smem:$0x3FB4]  }
0x2c: {  	s7 =	sld [smem:$0x3FB5]  }
0x2d: {  	s3 =	simm.s32 $0x108;
	s8 =	sld [smem:$0x3FB6]  }
0x2e: {  	s3 =	simm.s32 @!p0 $0x1082;
	s9 =	sld [smem:$0x3FB7]  }
0x2f: {  	lr =	sadd.s32 s0, s3;
	s0 =	sld [smem:$0x3FAE]  }
0x30: {  	s3 =	sld [smem:$0x3FB1]  }
0x31: {  	[smem:$0x3FBA] =	sst s10  }
0x32: {  	s10 =	sld [smem:$0x3FB8];
	_ =	sdelay $0x3  }
0x33: {  	p0 =	seq.s32 s10, $0x1;
	s10 =	sld [smem:$0x3FBA];
	_ =	sdelay $0x3  }
0x34: {  	[smem:$0x3FBA] =	sst s10  }
0x35: {  	s10 =	sld [smem:$0x3FB9];
	_ =	sdelay $0x3  }
0x36: {  	p1 =	seq.s32 s10, $0x1;
	s10 =	sld [smem:$0x3FBA];
	_ =	sdelay $0x3  }
0x37: {  	[smem:$0x3FBA] =	sst s10  }
0x38: {  	s10 =	sld [smem:$0x3FBB]  }
0x39: {  	_ = 	snop;
	(pc) =	sbr.ind lr, $3  }
0x3a: {  	_ = 	snop  }
0x3b: {  	_ = 	snop  }
0x3c: {  	p2 =	seq.s32 s10, $0x1;
	s10 =	sld [smem:$0x3FBA]  }
0x3d: {  	_ =	shalt  }
0x3e: {  	_ =	shalt  }
0x3f: {  	_ =	shalt  }
0x40: {  	_ =	shalt  }
0x41: {  	_ =	shalt  }
0x42: {  	_ =	shalt  }
0x43: {  	_ =	shalt  }
0x44: {  	_ =	shalt  }
0x45: {  	_ =	shalt  }
0x46: {  	_ =	shalt  }
0x47: {  	_ =	shalt  }
0x48: {  	_ =	shalt  }
0x49: {  	_ =	shalt  }
0x4a: {  	_ =	shalt  }
0x4b: {  	_ =	shalt  }
0x4c: {  	_ =	shalt  }
0x4d: {  	_ =	shalt  }
0x4e: {  	_ =	shalt  }
0x4f: {  	_ =	shalt  }
0x50: {  	_ =	shalt  }
0x51: {  	_ =	shalt  }
0x52: {  	_ =	shalt  }
0x53: {  	_ =	shalt  }
0x54: {  	_ =	shalt  }
0x55: {  	_ =	shalt  }
0x56: {  	_ =	shalt  }
0x57: {  	_ =	shalt  }
0x58: {  	_ =	shalt  }
0x59: {  	_ =	shalt  }
0x5a: {  	_ =	shalt  }
0x5b: {  	_ =	shalt  }
0x5c: {  	_ =	shalt  }
0x5d: {  	_ =	shalt  }
0x5e: {  	_ =	shalt  }
0x5f: {  	_ =	shalt  }
0x60: {  	_ =	shalt  }
0x61: {  	_ =	shalt  }
0x62: {  	_ =	shalt  }
0x63: {  	_ =	shalt  }
0x64: {  	_ =	shalt  }
0x65: {  	_ =	shalt  }
0x66: {  	_ =	shalt  }
0x67: {  	_ =	shalt  }
0x68: {  	_ =	shalt  }
0x69: {  	_ =	shalt  }
0x6a: {  	_ =	shalt  }
0x6b: {  	_ =	shalt  }
0x6c: {  	_ =	shalt  }
0x6d: {  	_ =	shalt  }
0x6e: {  	_ =	shalt  }
0x6f: {  	_ =	shalt  }
0x70: {  	_ =	shalt  }
0x71: {  	_ =	shalt  }
0x72: {  	_ =	shalt  }
0x73: {  	_ =	shalt  }
0x74: {  	_ =	shalt  }
0x75: {  	_ =	shalt  }
0x76: {  	_ =	shalt  }
0x77: {  	_ =	shalt  }
0x78: {  	_ =	shalt  }
0x79: {  	_ =	shalt  }
0x7a: {  	_ =	shalt  }
0x7b: {  	_ =	shalt  }
0x7c: {  	_ =	shalt  }
0x7d: {  	_ =	shalt  }
0x7e: {  	_ =	shalt  }
0x7f: {  	_ =	shalt  }
0x80: {  	_ =	shalt  }
0x81: {  	_ =	shalt  }
0x82: {  	_ =	shalt  }
0x83: {  	_ =	shalt  }
0x84: {  	_ =	shalt  }
0x85: {  	_ =	shalt  }
0x86: {  	_ =	shalt  }
0x87: {  	_ =	shalt  }
.Lfunc_end0:
.L_simem_size_0:
called_computation_lowered:
.L_overlay_start_0:
0x88: {  	s2 =	sld [smem:$0x3FD9]  }
0x89: {  	s3 =	sld [smem:$0x3FFE];
	_ =	sdelay $0x1  }
0x8a: {  	s1 =	srdreg.scid  }
0x8b: {  	s0 =	sand.u32 $0x1, s1  }
0x8c: {  	s17 =	sshll.u32 s0, $0xA;
	s2 =	sadd.s32 s3, s2  }
0x8d: {  	s2 =	sadd.s32 s2, s17  }
0x8e: {  	[smem:$0x3FC6] =	sst s2  }
0x8f: {  	_ = 	snop  }
0x90: {  	s2 =	sld [smem:$0x3FC8]  }
0x91: {  	s18 =	sld [smem:$0x3FD0];
	(tm) =	ssettm $0x1  }
0x92: {  	s4 =	sld [smem:$0x3FFB];
	_ =	sdelay $0x3  }
0x93: {  	_ =	strace s4  }
0x94: {  	s4 =	sld [smem:$0x3FFC];
	_ =	sdelay $0x3  }
0x95: {  	_ =	strace s4  }
0x96: {  	s4 =	sld [smem:$0x3FFD];
	_ =	sdelay $0x3  }
0x97: {  	_ =	strace s4  }
0x98: {  	_ =	strace $0x8FFFFFFF  }
0x99: {  	s19 =	sld [smem:$0x3FDB];
	_ =	sdelay $0x1  }
0x9a: {  	s5 =	simm.s32 $_scs_section_size  }
0x9b: {  	s6 =	simm.s32 $_size__tile_overlayer_lowered;
	s7 =	simm.s32 $_tile_overlayer_lowered  }
0x9c: {  	s22 =	simm.s32 $0x1BFF;
	s21 =	sshll.u32 s7, $0x1;
	s4 =	sadd.s32 s5, s19  }
0x9d: {  	s8 =	simm.s32 $0x0;
	s20 =	sshll.u32 s6, $0x1;
	s6 =	sadd.s32 s21, s4  }
0x9e: {  	[timem:s8], [sflag:s22] =	dma.local [hbm:s6], s20  }
0x9f: {  	_ =	swait.ge [sflag:s22], s20  }
0xa0: {  	s5 =	ssub.s32 $0x0, s20;
	[sflag:s22] =	ssyncset.done $0x0  }
0xa1: {  	[sflag:s22] =	ssyncadd.s32 s5;
	_ =	sdelay $0x1  }
0xa2: {  	s23 =	simm.s32 $0x1B8B  }
0xa3: {  	_ =	swait.ge [sflag:s23], $0x1  }
0xa4: {  	[sflag:s23] =	ssyncset.done $0x0  }
0xa5: {  	s25 =	simm.s32 $0x1B8E;
	s24 =	sld [smem:$0x3FFE];
	[sflag:s23] =	ssyncadd.s32 $0xFFFFFFFF  }
0xa6: {  	s26 =	simm.s32 $execute0_lowered;
	[smem:$0x3FD2] =	sst s25  }
0xa7: {  	s6 =	sshll.u32 s26, $0x1;
	_ =	strace $0x80000046;
	[dreg:$0x1] =	wrdreg $0xFFFFFFFF  }
0xa8: {  	s28 =	simm.s32 $_size_execute0_lowered;
	s4 =	sadd.s32 s4, s6;
	[dreg:$0x0] =	wrdreg $0x0  }
0xa9: {  	s6 =	sshll.u32 s28, $0x1;
	[dreg:$0x2] =	wrdreg s4  }
0xaa: {  	[dreg:$0x3] =	wrdreg s6  }
0xab: {  	[dreg:$0x4] =	wrdreg $0xC0  }
0xac: {  	_ =	task [dreg:s8], $0x5FFFF  }
0xad: {  	[dreg:$0x1] =	wrdreg $0xFFFFFFFF  }
0xae: {  	[dreg:$0x0] =	wrdreg $0x60  }
0xaf: {  	[dreg:$0x2] =	wrdreg s24  }
0xb0: {  	[dreg:$0x3] =	wrdreg s2  }
0xb1: {  	[dreg:$0x4] =	wrdreg s18  }
0xb2: {  	[dreg:$0x5] =	wrdreg $0x9  }
0xb3: {  	_ =	task.clear_ibuf [dreg:s8], $0x6FFFF;
	_ =	strace $0x90000046  }
0xb4: {  	s29 =	simm.s32 $0x9;
	_ =	strace $0x80000048  }
0xb5: {  	_ =	swait.ge [sflag:s29], $0x1  }
0xb6: {  	[sflag:s29] =	ssyncadd.s32 $0xFFFFFFFF  }
0xb7: {  	_ =	strace $0x90000048  }
0xb8: {  	_ =	sfence  }
0xb9: {  	s30 =	sld [smem:$0x0];
	_ =	sdelay $0x2  }
0xba: {  	s31 =	sshll.u32 s1, $0xD;
	s1 =	sshrl.u32 s1, $0x2  }
0xbb: {  	s3 =	sand.u32 $0x4000, s31;
	s1 =	sadd.s32 s1, s30  }
0xbc: {  	s0 =	sor.u32 s3, s0;
	s1 =	sshll.u32 s1, $0x11  }
0xbd: {  	s0 =	sor.u32 s1, s0  }
0xbe: {  	s0 =	sadd.s32 $0x8F2B, s0  }
0xbf: {  	[sflag:s0] =	ssyncadd.remote.s32 $0x1  }
0xc0: {  	_ =	sfence.sel $0xFFFF  }
0xc1: {  	[dreg:$0x0] =	wrdreg $0xFFFFFFFF;
	(pc) =	sbr.abs _section_cstart, $3  }
0xc2: {  	[dreg:$0x1] =	wrdreg $0xFFFFFFFF  }
0xc3: {  	_ =	task.clear_ibuf [dreg:s8], $0x2FFFF;
	_ =	strace $0x9FFFFFFF  }
0xc4: {  	(tm) =	ssettm $0x7FFFFFFF  }
0xc5: {  	_ =	shalt  }
tec
execute0_lowered:
.L_overlay_start_1:
0x0: {  	(tag) =	ssettag $0x1  }
0x1: {  	s0 =	rddreg [dreg:$0x0]  }
0x2: {  	s1 =	srdreg.scid;
	s10 =	stileid.u32  }
0x3: {  	s2 =	rddreg [dreg:$0x1];
	s1 =	sand.u32 $0x1, s1;
	s5 =	sshll.u32 s10, $0x1  }
0x4: {  	s4 =	rddreg [dreg:$0x2];
	s3 =	simm.s32 $0x0;
	s5 =	sor.u32 s1, s5  }
0x5: {  	s28 =	simm.s32 $0x9900;
	s30 =	simm.s32 $0xD900;
	s6 =	smul.u32 $0x1900, s5  }
0x6: {  	s29 =	simm.s32 $0x15900;
	s31 =	simm.s32 $0x2;
	s8 =	smul.u32 $0xC8000, s5  }
0x7: {  	[smem:$0x7FF] =	sst s3;
	s7 =	ssub.s32 $0x2, s1;
	s5 =	smul.u32 $0x19000, s5  }
0x8: {  	s20 =	smul.u32 $0x32000, s10;
	_ =	strace $0x80000047;
	s9 =	sshrl.u32 s7, $0x1  }
0x9: {  	s9 =	ssub.s32 s7, s9;
	s6 =	sshrl.u32 s6, $0x3;
	s5 =	sadd.s32 s4, s5  }
0xa: {  	s11 =	sshrl.u32 s8, $0x3;
	s26 =	smax.u32 s9, $0x1;
	[dreg:$0x5] =	wrdreg s5  }
0xb: {  	s0 =	sadd.s32 s6, s0;
	s5 =	sadd.s32 $0x800, s5;
	[dreg:$0x14] =	wrdreg s26  }
0xc: {  	s12 =	sadd.s32 s4, s11;
	s0 =	sadd.s32 $0x400, s0;
	[dreg:$0x6] =	wrdreg s5  }
0xd: {  	s10 =	simm.s32 $0xA;
	s13 =	sadd.s32 $0x1000, s12;
	[dreg:$0x4] =	wrdreg s0  }
0xe: {  	s1 =	smul.u32 $0x19000, s1;
	s14 =	sadd.s32 $0x1800, s12;
	[dreg:$0x7] =	wrdreg s13  }
0xf: {  	s8 =	simm.s32 $0x9;
	s15 =	sadd.s32 $0x2000, s12;
	[dreg:$0x8] =	wrdreg s14  }
0x10: {  	s9 =	simm.s32 $0x5;
	s16 =	sadd.s32 $0x2800, s12;
	[dreg:$0x9] =	wrdreg s15  }
0x11: {  	s4 =	sadd.s32 s20, s4;
	s17 =	sadd.s32 $0x3000, s12;
	[dreg:$0xa] =	wrdreg s16  }
0x12: {  	s26 =	simm.s32 $0x19900;
	s18 =	sadd.s32 $0x15000, s12;
	[dreg:$0xb] =	wrdreg s17  }
0x13: {  	s6 =	simm.s32 $0x8;
	s19 =	sadd.s32 $0x15800, s12;
	[dreg:$0xc] =	wrdreg s18  }
0x14: {  	s11 =	simm.s32 $0x6;
	s7 =	sadd.s32 $0x16000, s12;
	[dreg:$0xd] =	wrdreg s19  }
0x15: {  	s21 =	sadd.s32 $0x16800, s12;
	s22 =	sadd.s32 $0x17000, s12;
	[dreg:$0xe] =	wrdreg s7  }
0x16: {  	s23 =	sadd.s32 $0x17800, s12;
	s24 =	sadd.s32 $0x18000, s12;
	[dreg:$0xf] =	wrdreg s21  }
0x17: {  	s25 =	sadd.s32 s1, s4;
	s1 =	simm.s32 $0x11900;
	[dreg:$0x10] =	wrdreg s22  }
0x18: {  	s4 =	simm.s32 $0x3;
	s5 =	simm.s32 $0xE;
	[dreg:$0x11] =	wrdreg s23  }
0x19: {  	[dreg:$0x12] =	wrdreg s24;
	s0 =	sadd.s32 $0x18800, s12;
	s21 =	sadd.s32 $0x3800, s25  }
0x1a: {  	s22 =	simm.s32 $0xF;
	s23 =	simm.s32 $0x80;
	s24 =	simm.s32 $0x1900  }
0x1b: {  	s25 =	simm.s32 $0x5900;
	s7 =	simm.s32 $0x4;
	s12 =	simm.s32 $0xB  }
0x1c: {  	s13 =	simm.s32 $0x7;
	s14 =	simm.s32 $0xC;
	s15 =	simm.s32 $0xD  }
0x1d: {  	s16 =	simm.s32 $0x0;
	[dreg:$0x13] =	wrdreg s0;
	s0 =	simm.s32 $0x1  }
.LBB2_1:
0x1e: {  	s17 =	rddreg [dreg:$0x4]  }
0x1f: {  	[tilespmem:s3], [sflag:$0xF] =	stream.linear.gather [hbm4b:s17+s3], $0x1900, $0x38;
	[tilespmem:$0x1D900] =	vst v63  }
0x20: {  	_ =	swait.ge [sflag:s22], $0x1900  }
0x21: {  	[sflag:s22] =	ssyncset.done $0x0  }
0x22: {  	[sflag:s22] =	ssyncadd.s32 $0xFFFFE700  }
0x23: {  	[tilespmem:s24], [sflag:$0x1] =	stream.indirect.gather [hbm4b:s2+s23], $0x80, s3, s23, $0xb8;
	[tilespmem:$0x1D900] =	vst v63  }
0x24: {  	_ = 	snop  }
0x25: {  	[tilespmem:s25], [sflag:$0x2] =	stream.indirect.gather [hbm4b:s2+s23], $0x80, s23, s23, $0xb8;
	[tilespmem:$0x1D900] =	vst v63  }
0x26: {  	s19 =	simm.s32 $0x100  }
0x27: {  	[tilespmem:s28], [sflag:$0x3] =	stream.indirect.gather [hbm4b:s2+s23], $0x80, s19, s23, $0xb8;
	[tilespmem:$0x1D900] =	vst v63  }
0x28: {  	s20 =	simm.s32 $0x180  }
0x29: {  	[tilespmem:s30], [sflag:$0x4] =	stream.indirect.gather [hbm4b:s2+s23], $0x80, s20, s23, $0xb8;
	[tilespmem:$0x1D900] =	vst v63  }
0x2a: {  	s18 =	simm.s32 $0x200  }
0x2b: {  	[tilespmem:s1], [sflag:$0x5] =	stream.indirect.gather [hbm4b:s2+s23], $0x80, s18, s23, $0xb8;
	[tilespmem:$0x1D900] =	vst v63  }
0x2c: {  	_ =	swait.ge [sflag:s0], $0x4000  }
0x2d: {  	[sflag:s0] =	ssyncset.done $0x0  }
0x2e: {  	s19 =	rddreg [dreg:$0x5];
	[sflag:s0] =	ssyncadd.s32 $0xFFFFC000  }
0x2f: {  	[hbm4b:s19+s3] =	stream.linear.scatter [tilespmem:s24], [sflag:$0x8], $0x4000, $0x38;
	[tilespmem:$0x1D900] =	vst v63  }
0x30: {  	s20 =	simm.s32 $0x280  }
0x31: {  	[tilespmem:s29], [sflag:$0x6] =	stream.indirect.gather [hbm4b:s2+s23], $0x80, s20, s23, $0xb8;
	[tilespmem:$0x1D900] =	vst v63  }
0x32: {  	_ =	swait.ge [sflag:s31], $0x4000  }
0x33: {  	[sflag:s31] =	ssyncset.done $0x0  }
0x34: {  	s18 =	rddreg [dreg:$0x6];
	[sflag:s31] =	ssyncadd.s32 $0xFFFFC000  }
0x35: {  	[hbm4b:s18+s3] =	stream.linear.scatter [tilespmem:s25], [sflag:$0x9], $0x4000, $0x38;
	[tilespmem:$0x1D900] =	vst v63  }
0x36: {  	s19 =	simm.s32 $0x300  }
0x37: {  	[tilespmem:s26], [sflag:$0x7] =	stream.indirect.gather [hbm4b:s2+s23], $0x80, s19, s23, $0xb8;
	[tilespmem:$0x1D900] =	vst v63  }
0x38: {  	_ =	swait.ge [sflag:s4], $0x4000  }
0x39: {  	[sflag:s4] =	ssyncset.done $0x0  }
0x3a: {  	s20 =	rddreg [dreg:$0x7];
	[sflag:s4] =	ssyncadd.s32 $0xFFFFC000  }
0x3b: {  	[hbm4b:s20+s3] =	stream.linear.scatter [tilespmem:s28], [sflag:$0xA], $0x4000, $0x38;
	[tilespmem:$0x1D900] =	vst v63  }
0x3c: {  	_ =	swait.ge [sflag:s6], $0x4000  }
0x3d: {  	[sflag:s6] =	ssyncset.done $0x0  }
0x3e: {  	s18 =	simm.s32 $0x380;
	[sflag:s6] =	ssyncadd.s32 $0xFFFFC000  }
0x3f: {  	[tilespmem:s24], [sflag:$0x1] =	stream.indirect.gather [hbm4b:s2+s23], $0x80, s18, s23, $0xb8;
	[tilespmem:$0x1D900] =	vst v63  }
0x40: {  	_ =	swait.ge [sflag:s7], $0x4000  }
0x41: {  	[sflag:s7] =	ssyncset.done $0x0  }
0x42: {  	s19 =	rddreg [dreg:$0x8];
	[sflag:s7] =	ssyncadd.s32 $0xFFFFC000  }
0x43: {  	[hbm4b:s19+s3] =	stream.linear.scatter [tilespmem:s30], [sflag:$0xB], $0x4000, $0x38;
	[tilespmem:$0x1D900] =	vst v63  }
0x44: {  	_ =	swait.ge [sflag:s8], $0x4000  }
0x45: {  	[sflag:s8] =	ssyncset.done $0x0  }
0x46: {  	s20 =	simm.s32 $0x400;
	[sflag:s8] =	ssyncadd.s32 $0xFFFFC000  }
0x47: {  	[tilespmem:s25], [sflag:$0x2] =	stream.indirect.gather [hbm4b:s2+s23], $0x80, s20, s23, $0xb8;
	[tilespmem:$0x1D900] =	vst v63  }
0x48: {  	_ =	swait.ge [sflag:s9], $0x4000  }
0x49: {  	[sflag:s9] =	ssyncset.done $0x0  }
0x4a: {  	s18 =	rddreg [dreg:$0x9];
	[sflag:s9] =	ssyncadd.s32 $0xFFFFC000  }
0x4b: {  	[hbm4b:s18+s3] =	stream.linear.scatter [tilespmem:s1], [sflag:$0xC], $0x4000, $0x38;
	[tilespmem:$0x1D900] =	vst v63  }
0x4c: {  	_ =	swait.ge [sflag:s10], $0x4000  }
0x4d: {  	[sflag:s10] =	ssyncset.done $0x0  }
0x4e: {  	s19 =	simm.s32 $0x480;
	[sflag:s10] =	ssyncadd.s32 $0xFFFFC000  }
0x4f: {  	[tilespmem:s28], [sflag:$0x3] =	stream.indirect.gather [hbm4b:s2+s23], $0x80, s19, s23, $0xb8;
	[tilespmem:$0x1D900] =	vst v63  }
0x50: {  	_ =	swait.ge [sflag:s11], $0x4000  }
0x51: {  	[sflag:s11] =	ssyncset.done $0x0  }
0x52: {  	s20 =	rddreg [dreg:$0xa];
	[sflag:s11] =	ssyncadd.s32 $0xFFFFC000  }
0x53: {  	[hbm4b:s20+s3] =	stream.linear.scatter [tilespmem:s29], [sflag:$0xD], $0x4000, $0x38;
	[tilespmem:$0x1D900] =	vst v63  }
0x54: {  	_ =	swait.ge [sflag:s12], $0x4000  }
0x55: {  	[sflag:s12] =	ssyncset.done $0x0  }
0x56: {  	s18 =	simm.s32 $0x500;
	[sflag:s12] =	ssyncadd.s32 $0xFFFFC000  }
0x57: {  	[tilespmem:s30], [sflag:$0x4] =	stream.indirect.gather [hbm4b:s2+s23], $0x80, s18, s23, $0xb8;
	[tilespmem:$0x1D900] =	vst v63  }
0x58: {  	_ =	swait.ge [sflag:s13], $0x4000  }
0x59: {  	[sflag:s13] =	ssyncset.done $0x0  }
0x5a: {  	s19 =	rddreg [dreg:$0xb];
	[sflag:s13] =	ssyncadd.s32 $0xFFFFC000  }
0x5b: {  	[hbm4b:s19+s3] =	stream.linear.scatter [tilespmem:s26], [sflag:$0xE], $0x4000, $0x38;
	[tilespmem:$0x1D900] =	vst v63  }
0x5c: {  	_ =	swait.ge [sflag:s14], $0x4000  }
0x5d: {  	[sflag:s14] =	ssyncset.done $0x0  }
0x5e: {  	s20 =	simm.s32 $0x580;
	[sflag:s14] =	ssyncadd.s32 $0xFFFFC000  }
0x5f: {  	[tilespmem:s1], [sflag:$0x5] =	stream.indirect.gather [hbm4b:s2+s23], $0x80, s20, s23, $0xb8;
	[tilespmem:$0x1D900] =	vst v63  }
0x60: {  	_ =	swait.ge [sflag:s0], $0x4000  }
0x61: {  	[sflag:s0] =	ssyncset.done $0x0  }
0x62: {  	[sflag:s0] =	ssyncadd.s32 $0xFFFFC000  }
0x63: {  	[hbm4b:s21+s3] =	stream.linear.scatter [tilespmem:s24], [sflag:$0x8], $0x4000, $0x38;
	[tilespmem:$0x1D900] =	vst v63  }
0x64: {  	_ =	swait.ge [sflag:s15], $0x4000  }
0x65: {  	[sflag:s15] =	ssyncset.done $0x0  }
0x66: {  	s18 =	simm.s32 $0x600;
	[sflag:s15] =	ssyncadd.s32 $0xFFFFC000  }
0x67: {  	[tilespmem:s29], [sflag:$0x6] =	stream.indirect.gather [hbm4b:s2+s23], $0x80, s18, s23, $0xb8;
	[tilespmem:$0x1D900] =	vst v63  }
0x68: {  	_ =	swait.ge [sflag:s31], $0x4000  }
0x69: {  	[sflag:s31] =	ssyncset.done $0x0  }
0x6a: {  	s19 =	sadd.s32 $0x800, s21;
	[sflag:s31] =	ssyncadd.s32 $0xFFFFC000  }
0x6b: {  	[hbm4b:s19+s3] =	stream.linear.scatter [tilespmem:s25], [sflag:$0x9], $0x4000, $0x38;
	[tilespmem:$0x1D900] =	vst v63  }
0x6c: {  	_ =	swait.ge [sflag:s5], $0x4000  }
0x6d: {  	[sflag:s5] =	ssyncset.done $0x0  }
0x6e: {  	s20 =	simm.s32 $0x680;
	[sflag:s5] =	ssyncadd.s32 $0xFFFFC000  }
0x6f: {  	[tilespmem:s26], [sflag:$0x7] =	stream.indirect.gather [hbm4b:s2+s23], $0x80, s20, s23, $0xb8;
	[tilespmem:$0x1D900] =	vst v63  }
0x70: {  	_ =	swait.ge [sflag:s4], $0x4000  }
0x71: {  	[sflag:s4] =	ssyncset.done $0x0  }
0x72: {  	s18 =	sadd.s32 $0x1000, s21;
	[sflag:s4] =	ssyncadd.s32 $0xFFFFC000  }
0x73: {  	[hbm4b:s18+s3] =	stream.linear.scatter [tilespmem:s28], [sflag:$0xA], $0x4000, $0x38;
	[tilespmem:$0x1D900] =	vst v63  }
0x74: {  	_ =	swait.ge [sflag:s6], $0x4000  }
0x75: {  	[sflag:s6] =	ssyncset.done $0x0  }
0x76: {  	s19 =	simm.s32 $0x700;
	[sflag:s6] =	ssyncadd.s32 $0xFFFFC000  }
0x77: {  	[tilespmem:s24], [sflag:$0x1] =	stream.indirect.gather [hbm4b:s2+s23], $0x80, s19, s23, $0xb8;
	[tilespmem:$0x1D900] =	vst v63  }
0x78: {  	_ =	swait.ge [sflag:s7], $0x4000  }
0x79: {  	[sflag:s7] =	ssyncset.done $0x0  }
0x7a: {  	s20 =	sadd.s32 $0x1800, s21;
	[sflag:s7] =	ssyncadd.s32 $0xFFFFC000  }
0x7b: {  	[hbm4b:s20+s3] =	stream.linear.scatter [tilespmem:s30], [sflag:$0xB], $0x4000, $0x38;
	[tilespmem:$0x1D900] =	vst v63  }
0x7c: {  	_ =	swait.ge [sflag:s8], $0x4000  }
0x7d: {  	[sflag:s8] =	ssyncset.done $0x0  }
0x7e: {  	s18 =	simm.s32 $0x780;
	[sflag:s8] =	ssyncadd.s32 $0xFFFFC000  }
0x7f: {  	[tilespmem:s25], [sflag:$0x2] =	stream.indirect.gather [hbm4b:s2+s23], $0x80, s18, s23, $0xb8;
	[tilespmem:$0x1D900] =	vst v63  }
0x80: {  	_ =	swait.ge [sflag:s9], $0x4000  }
0x81: {  	[sflag:s9] =	ssyncset.done $0x0  }
0x82: {  	s19 =	sadd.s32 $0x2000, s21;
	[sflag:s9] =	ssyncadd.s32 $0xFFFFC000  }
0x83: {  	[hbm4b:s19+s3] =	stream.linear.scatter [tilespmem:s1], [sflag:$0xC], $0x4000, $0x38;
	[tilespmem:$0x1D900] =	vst v63  }
0x84: {  	_ =	swait.ge [sflag:s10], $0x4000  }
0x85: {  	[sflag:s10] =	ssyncset.done $0x0  }
0x86: {  	s20 =	simm.s32 $0x800;
	[sflag:s10] =	ssyncadd.s32 $0xFFFFC000  }
0x87: {  	[tilespmem:s28], [sflag:$0x3] =	stream.indirect.gather [hbm4b:s2+s23], $0x80, s20, s23, $0xb8;
	[tilespmem:$0x1D900] =	vst v63  }
0x88: {  	_ =	swait.ge [sflag:s11], $0x4000  }
0x89: {  	[sflag:s11] =	ssyncset.done $0x0  }
0x8a: {  	s18 =	sadd.s32 $0x2800, s21;
	[sflag:s11] =	ssyncadd.s32 $0xFFFFC000  }
0x8b: {  	[hbm4b:s18+s3] =	stream.linear.scatter [tilespmem:s29], [sflag:$0xD], $0x4000, $0x38;
	[tilespmem:$0x1D900] =	vst v63  }
0x8c: {  	_ =	swait.ge [sflag:s12], $0x4000  }
0x8d: {  	[sflag:s12] =	ssyncset.done $0x0  }
0x8e: {  	s19 =	simm.s32 $0x880;
	[sflag:s12] =	ssyncadd.s32 $0xFFFFC000  }
0x8f: {  	[tilespmem:s30], [sflag:$0x4] =	stream.indirect.gather [hbm4b:s2+s23], $0x80, s19, s23, $0xb8;
	[tilespmem:$0x1D900] =	vst v63  }
0x90: {  	_ =	swait.ge [sflag:s13], $0x4000  }
0x91: {  	[sflag:s13] =	ssyncset.done $0x0  }
0x92: {  	s20 =	sadd.s32 $0x3000, s21;
	[sflag:s13] =	ssyncadd.s32 $0xFFFFC000  }
0x93: {  	[hbm4b:s20+s3] =	stream.linear.scatter [tilespmem:s26], [sflag:$0xE], $0x4000, $0x38;
	[tilespmem:$0x1D900] =	vst v63  }
0x94: {  	_ =	swait.ge [sflag:s14], $0x4000  }
0x95: {  	s17 =	simm.s32 $0xE00;
	[sflag:s14] =	ssyncset.done $0x0  }
0x96: {  	s18 =	sadd.s32 $0x3800, s21;
	s19 =	simm.s32 $0x900;
	[sflag:s14] =	ssyncadd.s32 $0xFFFFC000  }
.LBB2_2:
0x97: {  	[tilespmem:s1], [sflag:$0x5] =	stream.indirect.gather [hbm4b:s2+s23], $0x80, s19, s23, $0xb8;
	[tilespmem:$0x1D900] =	vst v63  }
0x98: {  	s19 =	smov.u32 s17  }
0x99: {  	p0 =	sne.s32 s17, $0x3800;
	s17 =	sadd.s32 $0xE00, s17;
	_ =	swait.ge [sflag:s0], $0x4000  }
0x9a: {  	[sflag:s0] =	ssyncset.done $0x0  }
0x9b: {  	[sflag:s0] =	ssyncadd.s32 $0xFFFFC000  }
0x9c: {  	[hbm4b:s18+s3] =	stream.linear.scatter [tilespmem:s24], [sflag:$0x8], $0x4000, $0x38;
	[tilespmem:$0x1D900] =	vst v63  }
0x9d: {  	_ =	swait.ge [sflag:s15], $0x4000  }
0x9e: {  	s19 =	sshra.s32 s19, $0x2;
	[sflag:s15] =	ssyncset.done $0x0  }
0x9f: {  	s20 =	sadd.s32 $0x600, s19;
	[sflag:s15] =	ssyncadd.s32 $0xFFFFC000  }
0xa0: {  	[tilespmem:s29], [sflag:$0x6] =	stream.indirect.gather [hbm4b:s2+s23], $0x80, s20, s23, $0xb8;
	[tilespmem:$0x1D900] =	vst v63  }
0xa1: {  	_ =	swait.ge [sflag:s31], $0x4000  }
0xa2: {  	[sflag:s31] =	ssyncset.done $0x0  }
0xa3: {  	s20 =	sadd.s32 $0x800, s18;
	[sflag:s31] =	ssyncadd.s32 $0xFFFFC000  }
0xa4: {  	[hbm4b:s20+s3] =	stream.linear.scatter [tilespmem:s25], [sflag:$0x9], $0x4000, $0x38;
	[tilespmem:$0x1D900] =	vst v63  }
0xa5: {  	_ =	swait.ge [sflag:s5], $0x4000  }
0xa6: {  	[sflag:s5] =	ssyncset.done $0x0  }
0xa7: {  	s20 =	sadd.s32 $0x680, s19;
	[sflag:s5] =	ssyncadd.s32 $0xFFFFC000  }
0xa8: {  	[tilespmem:s26], [sflag:$0x7] =	stream.indirect.gather [hbm4b:s2+s23], $0x80, s20, s23, $0xb8;
	[tilespmem:$0x1D900] =	vst v63  }
0xa9: {  	_ =	swait.ge [sflag:s4], $0x4000  }
0xaa: {  	[sflag:s4] =	ssyncset.done $0x0  }
0xab: {  	s20 =	sadd.s32 $0x1000, s18;
	[sflag:s4] =	ssyncadd.s32 $0xFFFFC000  }
0xac: {  	[hbm4b:s20+s3] =	stream.linear.scatter [tilespmem:s28], [sflag:$0xA], $0x4000, $0x38;
	[tilespmem:$0x1D900] =	vst v63  }
0xad: {  	_ =	swait.ge [sflag:s6], $0x4000  }
0xae: {  	[sflag:s6] =	ssyncset.done $0x0  }
0xaf: {  	s20 =	sadd.s32 $0x700, s19;
	[sflag:s6] =	ssyncadd.s32 $0xFFFFC000  }
0xb0: {  	[tilespmem:s24], [sflag:$0x1] =	stream.indirect.gather [hbm4b:s2+s23], $0x80, s20, s23, $0xb8;
	[tilespmem:$0x1D900] =	vst v63  }
0xb1: {  	_ =	swait.ge [sflag:s7], $0x4000  }
0xb2: {  	[sflag:s7] =	ssyncset.done $0x0  }
0xb3: {  	s20 =	sadd.s32 $0x1800, s18;
	[sflag:s7] =	ssyncadd.s32 $0xFFFFC000  }
0xb4: {  	[hbm4b:s20+s3] =	stream.linear.scatter [tilespmem:s30], [sflag:$0xB], $0x4000, $0x38;
	[tilespmem:$0x1D900] =	vst v63  }
0xb5: {  	_ =	swait.ge [sflag:s8], $0x4000  }
0xb6: {  	[sflag:s8] =	ssyncset.done $0x0  }
0xb7: {  	s20 =	sadd.s32 $0x780, s19;
	[sflag:s8] =	ssyncadd.s32 $0xFFFFC000  }
0xb8: {  	[tilespmem:s25], [sflag:$0x2] =	stream.indirect.gather [hbm4b:s2+s23], $0x80, s20, s23, $0xb8;
	[tilespmem:$0x1D900] =	vst v63  }
0xb9: {  	_ =	swait.ge [sflag:s9], $0x4000  }
0xba: {  	[sflag:s9] =	ssyncset.done $0x0  }
0xbb: {  	s20 =	sadd.s32 $0x2000, s18;
	[sflag:s9] =	ssyncadd.s32 $0xFFFFC000  }
0xbc: {  	[hbm4b:s20+s3] =	stream.linear.scatter [tilespmem:s1], [sflag:$0xC], $0x4000, $0x38;
	[tilespmem:$0x1D900] =	vst v63  }
0xbd: {  	_ =	swait.ge [sflag:s10], $0x4000  }
0xbe: {  	[sflag:s10] =	ssyncset.done $0x0  }
0xbf: {  	s20 =	sadd.s32 $0x800, s19;
	[sflag:s10] =	ssyncadd.s32 $0xFFFFC000  }
0xc0: {  	[tilespmem:s28], [sflag:$0x3] =	stream.indirect.gather [hbm4b:s2+s23], $0x80, s20, s23, $0xb8;
	[tilespmem:$0x1D900] =	vst v63  }
0xc1: {  	_ =	swait.ge [sflag:s11], $0x4000  }
0xc2: {  	[sflag:s11] =	ssyncset.done $0x0  }
0xc3: {  	s20 =	sadd.s32 $0x2800, s18;
	[sflag:s11] =	ssyncadd.s32 $0xFFFFC000  }
0xc4: {  	[hbm4b:s20+s3] =	stream.linear.scatter [tilespmem:s29], [sflag:$0xD], $0x4000, $0x38;
	[tilespmem:$0x1D900] =	vst v63  }
0xc5: {  	_ =	swait.ge [sflag:s12], $0x4000  }
0xc6: {  	[sflag:s12] =	ssyncset.done $0x0  }
0xc7: {  	s20 =	sadd.s32 $0x880, s19;
	[sflag:s12] =	ssyncadd.s32 $0xFFFFC000  }
0xc8: {  	[tilespmem:s30], [sflag:$0x4] =	stream.indirect.gather [hbm4b:s2+s23], $0x80, s20, s23, $0xb8;
	[tilespmem:$0x1D900] =	vst v63  }
0xc9: {  	_ =	swait.ge [sflag:s13], $0x4000  }
0xca: {  	[sflag:s13] =	ssyncset.done $0x0  }
.Ltmp0:
0xcb: {  	s20 =	sadd.s32 $0x3000, s18;
	[sflag:s13] =	ssyncadd.s32 $0xFFFFC000;
	(pc) =	sbr.rel @p0 .LBB2_2-.Ltmp0, $4  }
0xcc: {  	[hbm4b:s20+s3] =	stream.linear.scatter [tilespmem:s26], [sflag:$0xE], $0x4000, $0x38;
	[tilespmem:$0x1D900] =	vst v63  }
0xcd: {  	_ =	swait.ge [sflag:s14], $0x4000  }
0xce: {  	[sflag:s14] =	ssyncset.done $0x0  }
0xcf: {  	s19 =	sadd.s32 $0x900, s19;
	s18 =	sadd.s32 $0x3800, s18;
	[sflag:s14] =	ssyncadd.s32 $0xFFFFC000  }
0xd0: {  	[tilespmem:s1], [sflag:$0x5] =	stream.indirect.gather [hbm4b:s2+s23], $0x80, s19, s23, $0xb8;
	[tilespmem:$0x1D900] =	vst v63  }
0xd1: {  	_ =	swait.ge [sflag:s0], $0x4000  }
0xd2: {  	[sflag:s0] =	ssyncset.done $0x0  }
0xd3: {  	s17 =	rddreg [dreg:$0xc];
	[sflag:s0] =	ssyncadd.s32 $0xFFFFC000  }
0xd4: {  	[hbm4b:s17+s3] =	stream.linear.scatter [tilespmem:s24], [sflag:$0x8], $0x4000, $0x38;
	[tilespmem:$0x1D900] =	vst v63  }
0xd5: {  	_ =	swait.ge [sflag:s15], $0x4000  }
0xd6: {  	[sflag:s15] =	ssyncset.done $0x0  }
0xd7: {  	s19 =	simm.s32 $0x1780;
	[sflag:s15] =	ssyncadd.s32 $0xFFFFC000  }
0xd8: {  	[tilespmem:s29], [sflag:$0x6] =	stream.indirect.gather [hbm4b:s2+s23], $0x80, s19, s23, $0xb8;
	[tilespmem:$0x1D900] =	vst v63  }
0xd9: {  	_ =	swait.ge [sflag:s31], $0x4000  }
0xda: {  	[sflag:s31] =	ssyncset.done $0x0  }
0xdb: {  	s20 =	rddreg [dreg:$0xd];
	[sflag:s31] =	ssyncadd.s32 $0xFFFFC000  }
0xdc: {  	[hbm4b:s20+s3] =	stream.linear.scatter [tilespmem:s25], [sflag:$0x9], $0x4000, $0x38;
	[tilespmem:$0x1D900] =	vst v63  }
0xdd: {  	_ =	swait.ge [sflag:s5], $0x4000  }
0xde: {  	[sflag:s5] =	ssyncset.done $0x0  }
0xdf: {  	s18 =	simm.s32 $0x1800;
	[sflag:s5] =	ssyncadd.s32 $0xFFFFC000  }
0xe0: {  	[tilespmem:s26], [sflag:$0x7] =	stream.indirect.gather [hbm4b:s2+s23], $0x80, s18, s23, $0xb8;
	[tilespmem:$0x1D900] =	vst v63  }
0xe1: {  	_ =	swait.ge [sflag:s4], $0x4000  }
0xe2: {  	[sflag:s4] =	ssyncset.done $0x0  }
0xe3: {  	s19 =	rddreg [dreg:$0xe];
	[sflag:s4] =	ssyncadd.s32 $0xFFFFC000  }
0xe4: {  	[hbm4b:s19+s3] =	stream.linear.scatter [tilespmem:s28], [sflag:$0xA], $0x4000, $0x38;
	[tilespmem:$0x1D900] =	vst v63  }
0xe5: {  	_ =	swait.ge [sflag:s6], $0x4000  }
0xe6: {  	[sflag:s6] =	ssyncset.done $0x0  }
0xe7: {  	s20 =	simm.s32 $0x1880;
	[sflag:s6] =	ssyncadd.s32 $0xFFFFC000  }
0xe8: {  	[tilespmem:s24], [sflag:$0x1] =	stream.indirect.gather [hbm4b:s2+s23], $0x80, s20, s23, $0xb8;
	[tilespmem:$0x1D900] =	vst v63  }
0xe9: {  	_ =	swait.ge [sflag:s7], $0x4000  }
0xea: {  	[sflag:s7] =	ssyncset.done $0x0  }
0xeb: {  	s18 =	rddreg [dreg:$0xf];
	[sflag:s7] =	ssyncadd.s32 $0xFFFFC000  }
0xec: {  	[hbm4b:s18+s3] =	stream.linear.scatter [tilespmem:s30], [sflag:$0xB], $0x4000, $0x38;
	[tilespmem:$0x1D900] =	vst v63  }
0xed: {  	_ =	swait.ge [sflag:s9], $0x4000  }
0xee: {  	[sflag:s9] =	ssyncset.done $0x0  }
0xef: {  	s19 =	rddreg [dreg:$0x10];
	[sflag:s9] =	ssyncadd.s32 $0xFFFFC000  }
0xf0: {  	[hbm4b:s19+s3] =	stream.linear.scatter [tilespmem:s1], [sflag:$0xC], $0x4000, $0x38;
	[tilespmem:$0x1D900] =	vst v63  }
0xf1: {  	_ =	swait.ge [sflag:s11], $0x4000  }
0xf2: {  	[sflag:s11] =	ssyncset.done $0x0  }
0xf3: {  	s20 =	rddreg [dreg:$0x11];
	[sflag:s11] =	ssyncadd.s32 $0xFFFFC000  }
0xf4: {  	[hbm4b:s20+s3] =	stream.linear.scatter [tilespmem:s29], [sflag:$0xD], $0x4000, $0x38;
	[tilespmem:$0x1D900] =	vst v63  }
0xf5: {  	_ =	swait.ge [sflag:s13], $0x4000  }
0xf6: {  	[sflag:s13] =	ssyncset.done $0x0  }
0xf7: {  	s18 =	rddreg [dreg:$0x12];
	[sflag:s13] =	ssyncadd.s32 $0xFFFFC000  }
0xf8: {  	[hbm4b:s18+s3] =	stream.linear.scatter [tilespmem:s26], [sflag:$0xE], $0x4000, $0x38;
	[tilespmem:$0x1D900] =	vst v63  }
0xf9: {  	_ =	swait.ge [sflag:s0], $0x4000  }
0xfa: {  	[sflag:s0] =	ssyncset.done $0x0  }
0xfb: {  	s19 =	rddreg [dreg:$0x13];
	[sflag:s0] =	ssyncadd.s32 $0xFFFFC000  }
0xfc: {  	[hbm4b:s19+s3] =	stream.linear.scatter [tilespmem:s24], [sflag:$0x8], $0x4000, $0x38;
	[tilespmem:$0x1D900] =	vst v63  }
0xfd: {  	_ =	swait.ge [sflag:s8], $0x4000  }
0xfe: {  	[sflag:s8] =	ssyncset.done $0x0  }
0xff: {  	[sflag:s8] =	ssyncadd.s32 $0xFFFFC000  }
0x100: {  	_ =	swait.ge [sflag:s10], $0x4000  }
0x101: {  	[sflag:s10] =	ssyncset.done $0x0  }
0x102: {  	[sflag:s10] =	ssyncadd.s32 $0xFFFFC000  }
0x103: {  	_ =	swait.ge [sflag:s12], $0x4000  }
0x104: {  	[sflag:s12] =	ssyncset.done $0x0  }
0x105: {  	[sflag:s12] =	ssyncadd.s32 $0xFFFFC000  }
0x106: {  	_ =	swait.ge [sflag:s14], $0x4000  }
0x107: {  	[sflag:s14] =	ssyncset.done $0x0  }
0x108: {  	[sflag:s14] =	ssyncadd.s32 $0xFFFFC000  }
0x109: {  	_ =	swait.ge [sflag:s15], $0x4000  }
0x10a: {  	[sflag:s15] =	ssyncset.done $0x0  }
0x10b: {  	[sflag:s15] =	ssyncadd.s32 $0xFFFFC000  }
0x10c: {  	_ =	swait.ge [sflag:s5], $0x4000  }
0x10d: {  	[sflag:s5] =	ssyncset.done $0x0  }
0x10e: {  	[sflag:s5] =	ssyncadd.s32 $0xFFFFC000  }
0x10f: {  	_ =	swait.ge [sflag:s6], $0x4000  }
0x110: {  	s16 =	sadd.s32 $0x1, s16;
	s20 =	rddreg [dreg:$0x14]  }
0x111: {  	p0 =	sne.s32 s16, s20  }
.Ltmp1:
0x112: {  	_ = 	snop;
	(pc) =	sbr.rel @p0 .LBB2_1-.Ltmp1, $3  }
0x113: {  	_ =	sdelay $0x1  }
0x114: {  	[sflag:s6] =	ssyncset.done $0x0  }
0x115: {  	[sflag:s6] =	ssyncadd.s32 $0xFFFFC000  }
0x116: {  	_ =	sfence.sel $0x180000  }
0x117: {  	[bflag:$0x0] =	sbarrier.arrive $0xFFFF  }
0x118: {  	_ =	strace $0x90000047  }
0x119: {  	s0 =	stileid.u32;
	[bflag:$0x2] =	sbarrier.arrive $0xFFFF  }
0x11a: {  	p0 =	sne.s32 s0, $0x0;
	s0 =	rddreg [dreg:$0x3]  }
0x11b: {  	s0 =	sadd.s32 @!p0 $0x100000, s0  }
0x11c: {  	[sflag:s0] =	ssyncadd.tile.s32 @!p0 $0x1;
	_ =	shalt  }
.Lfunc_end2:
_tile_overlayer_lowered:
.L_overlay_start_2:
0x11d: {  	(tag) =	ssettag $0x2  }
0x11e: {  	s0 =	rddreg [dreg:$0x0];
	s2 =	stileid.u32  }
0x11f: {  	s1 =	rddreg [dreg:$0x1];
	p0 =	sne.s32 s2, $0x0  }
0x120: {  	s3 =	rddreg [dreg:$0x2];
	[bflag:$0x3] =	sbarrier.arrive $0xFFFF;
	s2 =	simm.s32 @!p0 $0x1C0F  }
0x121: {  	[timem:s3], [sflag:s2] =	dma.local @!p0 [hbm:s0], s1  }
0x122: {  	s0 =	simm.s32 @!p0 $0xF  }
0x123: {  	_ =	swait.ge @!p0 [sflag:s0], s1  }
0x124: {  	s1 =	ssub.s32 @!p0 $0x0, s1;
	[sflag:s0] =	ssyncset.done @!p0 $0x0  }
0x125: {  	[sflag:s0] =	ssyncadd.s32 @!p0 s1  }
0x126: {  	[bflag:$0x3] =	sbarrier.arrive $0xFFFF  }
0x127: {  	_ =	shalt  }

</sc_bundles>
